<compile_context>
chip_gen: v7x
topology: tpu7x:2x2x1
jax: 0.10.2.dev20260603
libtpu: 0.0.44.dev20260713+nightly
codegen_flags: <defaults>
</compile_context>

<pallas_src>
import functools

import jax
import jax.numpy as jnp
from jax import lax
from jax.experimental import pallas as pl
from jax.experimental.pallas import tpu as pltpu
from jax.experimental.pallas import tpu_sc as plsc

NC = 2
NS = 16
LANES = 16
CH = 64


def _silu(x):
    return x * (1.0 / (1.0 + jnp.exp(-x)))


def _make_sc_edge(Np, Ep, D, with_deg, interpret=False):
    NW = NC * NS
    per_w = Ep // NW
    n_chunks = per_w // CH
    rpt = Np // NS
    nzc = rpt // CH
    mesh = plsc.VectorSubcoreMesh(core_axis_name="c", subcore_axis_name="s")

    @functools.partial(
        pl.kernel,
        out_type=(
            jax.ShapeDtypeStruct((NC * Np, D), jnp.float32),
            jax.ShapeDtypeStruct((NW, Np), jnp.float32),
        ),
        mesh=mesh,
        scratch_types=[
            pltpu.VMEM((CH,), jnp.int32),
            pltpu.VMEM((CH,), jnp.int32),
            pltpu.VMEM((CH, D), jnp.float32),
            pltpu.VMEM((CH, D), jnp.float32),
            pltpu.VMEM((CH, D), jnp.float32),
            pltpu.VMEM((CH, D), jnp.float32),
            pltpu.VMEM((Np,), jnp.float32),
            pltpu.VMEM_SHARED((Np, D), jnp.float32),
            pltpu.SemaphoreType.DMA,
            pltpu.SemaphoreType.DMA,
        ],
        compiler_params=pltpu.CompilerParams(needs_layout_passes=False),
        interpret=interpret,
    )
    def sc_edge(a_hbm, b_hbm, c_hbm, src_hbm, dst_hbm, out_hbm, deg_hbm,
                si, di, ab, bb, cb, mb, dv, acc, sem_i, sem_g):
        c = lax.axis_index("c")
        s = lax.axis_index("s")
        wid = s * NC + c
        base = wid * per_w

        zero16 = jnp.zeros((LANES,), jnp.float32)

        def zrow(r, carry):
            for k in range(D // LANES):
                mb[r, pl.ds(k * LANES, LANES)] = zero16
            return carry
        lax.fori_loop(0, CH, zrow, None)
        for j in range(nzc):
            pltpu.sync_copy(mb, acc.at[pl.ds(s * rpt + j * CH, CH)])

        if with_deg:
            def zdeg(i, carry):
                dv[pl.ds(i * LANES, LANES)] = zero16
                return carry
            lax.fori_loop(0, Np // LANES, zdeg, None)

        plsc.subcore_barrier()

        def chunk(j, carry):
            off = base + j * CH
            cpi = pltpu.async_copy(src_hbm.at[pl.ds(off, CH)], si, sem_i)
            cpd = pltpu.async_copy(dst_hbm.at[pl.ds(off, CH)], di, sem_i)
            cpc = pltpu.async_copy(c_hbm.at[pl.ds(off, CH)], cb, sem_i)
            cpi.wait()
            cpd.wait()
            cpa = pltpu.async_copy(a_hbm.at[si], ab, sem_g)
            cpb = pltpu.async_copy(b_hbm.at[di], bb, sem_g)

            if with_deg:
                for k in range(CH // LANES):
                    dvec = di[pl.ds(k * LANES, LANES)]
                    cnt, lastm = plsc.scan_count(dvec)
                    plsc.addupdate_scatter(
                        dv, [dvec], cnt.astype(jnp.float32), mask=lastm)

            cpc.wait()
            cpa.wait()
            cpb.wait()

            def row(r, inner):
                for k in range(D // LANES):
                    sl = pl.ds(k * LANES, LANES)
                    t = ab[r, sl] + bb[r, sl] + cb[r, sl]
                    mb[r, sl] = t * (1.0 / (1.0 + jnp.exp(-t)))
                return inner
            lax.fori_loop(0, CH, row, None)

            pltpu.sync_copy(mb, acc.at[di], add=True)
            return carry
        lax.fori_loop(0, n_chunks, chunk, None)

        if with_deg:
            pltpu.sync_copy(dv, deg_hbm.at[wid])
        plsc.subcore_barrier()
        for j in range(nzc):
            sl = pl.ds(s * rpt + j * CH, CH)
            pltpu.sync_copy(acc.at[sl], out_hbm.at[pl.ds(c * Np + s * rpt + j * CH, CH)])

    return sc_edge


def _edge_bias_const(ea_p, w_attr, b1e2, Ep, ED, D):
    BLK = NC * NS * CH
    for d in range(16384, 7, -8):
        if Ep % d == 0:
            BLK = d
            break

    def body(ea_ref, w_ref, b_ref, o_ref):
        o_ref[...] = (
            jnp.dot(ea_ref[...], w_ref[...], preferred_element_type=jnp.float32)
            + b_ref[...]
        )

    return pl.pallas_call(
        body,
        grid=(Ep // BLK,),
        in_specs=[
            pl.BlockSpec((BLK, ED), lambda i: (i, 0)),
            pl.BlockSpec((ED, D), lambda i: (0, 0)),
            pl.BlockSpec((1, D), lambda i: (0, 0)),
        ],
        out_specs=pl.BlockSpec((BLK, D), lambda i: (i, 0)),
        out_shape=jax.ShapeDtypeStruct((Ep, D), jnp.float32),
    )(ea_p, w_attr, b1e2)


def _ab_tables(h_p, w_src, w_dst, Np, D):
    RB = 1280

    def body(h_ref, ws_ref, wd_ref, a_ref, b_ref):
        hh = h_ref[...]
        a_ref[...] = jnp.dot(hh, ws_ref[...], preferred_element_type=jnp.float32)
        b_ref[...] = jnp.dot(hh, wd_ref[...], preferred_element_type=jnp.float32)

    return pl.pallas_call(
        body,
        grid=(Np // RB,),
        in_specs=[
            pl.BlockSpec((RB, D), lambda i: (i, 0)),
            pl.BlockSpec((D, D), lambda i: (0, 0)),
            pl.BlockSpec((D, D), lambda i: (0, 0)),
        ],
        out_specs=[
            pl.BlockSpec((RB, D), lambda i: (i, 0)),
            pl.BlockSpec((RB, D), lambda i: (i, 0)),
        ],
        out_shape=[
            jax.ShapeDtypeStruct((Np, D), jnp.float32),
            jax.ShapeDtypeStruct((Np, D), jnp.float32),
        ],
    )(h_p, w_src, w_dst)


def _node_update(S2, deg_w, h_p, W2e, b2e2, W1n, b1n2, W2n, b2n2, w_src, w_dst,
                 Np, D, NW, compute_ab):
    RB = 1280

    def body(s_ref, deg_ref, h_ref, w2e_ref, b2e_ref, w1n_ref, b1n_ref,
             w2n_ref, b2n_ref, ws_ref, wd_ref, hn_ref, *ab_refs):
        S = s_ref[0] + s_ref[1]
        deg = jnp.sum(deg_ref[...], axis=0)[:, None]
        degc = jnp.maximum(deg, 1.0)
        mask = (deg > 0.0).astype(jnp.float32)
        agg = (
            jnp.dot(S, w2e_ref[...], preferred_element_type=jnp.float32) / degc
            + b2e_ref[...] * mask
        )
        hh = h_ref[...]
        z = (
            jnp.dot(hh, w1n_ref[:D, :], preferred_element_type=jnp.float32)
            + jnp.dot(agg, w1n_ref[D:, :], preferred_element_type=jnp.float32)
            + b1n_ref[...]
        )
        hn = hh + jnp.dot(_silu(z), w2n_ref[...],
                          preferred_element_type=jnp.float32) + b2n_ref[...]
        hn_ref[...] = hn
        if compute_ab:
            a_ref, b_ref = ab_refs
            a_ref[...] = jnp.dot(hn, ws_ref[...], preferred_element_type=jnp.float32)
            b_ref[...] = jnp.dot(hn, wd_ref[...], preferred_element_type=jnp.float32)

    n_out = 3 if compute_ab else 1
    return pl.pallas_call(
        body,
        grid=(Np // RB,),
        in_specs=[
            pl.BlockSpec((2, RB, D), lambda i: (0, i, 0)),
            pl.BlockSpec((NW, RB), lambda i: (0, i)),
            pl.BlockSpec((RB, D), lambda i: (i, 0)),
            pl.BlockSpec((D, D), lambda i: (0, 0)),
            pl.BlockSpec((1, D), lambda i: (0, 0)),
            pl.BlockSpec((2 * D, D), lambda i: (0, 0)),
            pl.BlockSpec((1, D), lambda i: (0, 0)),
            pl.BlockSpec((D, D), lambda i: (0, 0)),
            pl.BlockSpec((1, D), lambda i: (0, 0)),
            pl.BlockSpec((D, D), lambda i: (0, 0)),
            pl.BlockSpec((D, D), lambda i: (0, 0)),
        ],
        out_specs=[pl.BlockSpec((RB, D), lambda i: (i, 0))] * n_out,
        out_shape=[jax.ShapeDtypeStruct((Np, D), jnp.float32)] * n_out,
    )(S2, deg_w, h_p, W2e, b2e2, W1n, b1n2, W2n, b2n2, w_src, w_dst)


def kernel(node_state, edge_index, edge_attr, W1e, b1e, W2e, b2e,
           W1n, b1n, W2n, b2n):
    N, D = node_state.shape
    E = edge_index.shape[1]
    ED = edge_attr.shape[1]
    NW = NC * NS

    Np = -(-(N + 1) // (NS * CH)) * (NS * CH)
    Ep = -(-E // (NW * CH)) * (NW * CH)

    src = edge_index[0].astype(jnp.int32)
    dst = edge_index[1].astype(jnp.int32)
    src_p = jnp.concatenate([src, jnp.zeros((Ep - E,), jnp.int32)])
    dst_p = jnp.concatenate([dst, jnp.full((Ep - E,), N, jnp.int32)])
    ea_p = jnp.pad(edge_attr, ((0, Ep - E), (0, 0)))
    h_p = jnp.pad(node_state, ((0, Np - N), (0, 0)))

    w_src = W1e[:D]
    w_dst = W1e[D:2 * D]
    w_attr = W1e[2 * D:]
    b1e2 = b1e.reshape(1, D)
    b2e2 = b2e.reshape(1, D)
    b1n2 = b1n.reshape(1, D)
    b2n2 = b2n.reshape(1, D)

    C = _edge_bias_const(ea_p, w_attr, b1e2, Ep, ED, D)
    sc_edge_deg = _make_sc_edge(Np, Ep, D, with_deg=True)
    sc_edge = _make_sc_edge(Np, Ep, D, with_deg=False)

    A, B = _ab_tables(h_p, w_src, w_dst, Np, D)

    S, deg_w = sc_edge_deg(A, B, C, src_p, dst_p)
    S = S.reshape(NC, Np, D)
    h_p, A, B = _node_update(S, deg_w, h_p, W2e, b2e2, W1n, b1n2, W2n, b2n2,
                             w_src, w_dst, Np, D, NW, compute_ab=True)

    S, _ = sc_edge(A, B, C, src_p, dst_p)
    S = S.reshape(NC, Np, D)
    (h_p,) = _node_update(S, deg_w, h_p, W2e, b2e2, W1n, b1n2, W2n, b2n2,
                          w_src, w_dst, Np, D, NW, compute_ab=False)

    return h_p[:N]

# --- scband reference (transcript-rebuilt; emitter-appended) ---
"""Pipeline reference for scband-simple-graph-encoder-84456236909202 (READ-ONLY COPY).

The authoritative reference and input builder live on the scoring server;
editing this copy changes nothing except your own understanding.
"""

import jax, jax.numpy as jnp
import numpy as np

MESSAGE_STEPS = 2

def silu(x):
    return x * jax.nn.sigmoid(x)

def setup_inputs(seed: int = 0) -> dict:
    key = jax.random.key(seed)
    ks = jax.random.split(key, 12)
    N, E, D, ED = 10000, 320000, 128, 16
    node_state = jax.random.normal(ks[0], (N, D), dtype=jnp.float32)
    edge_index = jax.random.randint(ks[1], (2, E), 0, N)
    edge_attr = jax.random.normal(ks[2], (E, ED), dtype=jnp.float32)
    s = 0.05
    W1e = jax.random.normal(ks[3], (2 * D + ED, D), dtype=jnp.float32) * s
    b1e = jnp.zeros((D,), dtype=jnp.float32)
    W2e = jax.random.normal(ks[4], (D, D), dtype=jnp.float32) * s
    b2e = jnp.zeros((D,), dtype=jnp.float32)
    W1n = jax.random.normal(ks[5], (2 * D, D), dtype=jnp.float32) * s
    b1n = jnp.zeros((D,), dtype=jnp.float32)
    W2n = jax.random.normal(ks[6], (D, D), dtype=jnp.float32) * s
    b2n = jnp.zeros((D,), dtype=jnp.float32)
    return {
        "node_state": node_state,
        "edge_index": edge_index,
        "edge_attr": edge_attr,
        "W1e": W1e, "b1e": b1e, "W2e": W2e, "b2e": b2e,
        "W1n": W1n, "b1n": b1n, "W2n": W2n, "b2n": b2n,
    }

def reference(node_state, edge_index, edge_attr, W1e, b1e, W2e, b2e, W1n, b1n, W2n, b2n):
    src = edge_index[0]
    dst = edge_index[1]
    h = node_state
    N = h.shape[0]
    for _ in range(MESSAGE_STEPS):
        msg_in = jnp.concatenate([h[src], h[dst], edge_attr], axis=1)
        msg = silu(msg_in @ W1e + b1e) @ W2e + b2e
        agg = jnp.zeros_like(h).at[dst].add(msg)
        deg = jnp.zeros((N, 1), dtype=h.dtype).at[dst].add(1.0)
        agg = agg / jnp.clip(deg, 1.0, None)
        node_in = jnp.concatenate([h, agg], axis=1)
        h = h + (silu(node_in @ W1n + b1n) @ W2n + b2n)
    return h

if __name__ == "__main__":
    import jax
    _d = setup_inputs()
    print(jax.jit(kernel)(*tuple(_d.values())))

</pallas_src>

<mosaic_0001>
#map = affine_map<(d0, d1) -> (0, 0)>
#map1 = affine_map<(d0, d1) -> (0)>
module attributes {stable_mosaic.version = 14 : i64} {
  func.func @sc_edge(%arg0: i32, %arg1: i32, %arg2: memref<10240x128xf32, #tpu.memory_space<hbm>>, %arg3: memref<10240x128xf32, #tpu.memory_space<hbm>>, %arg4: memref<321536x128xf32, #tpu.memory_space<hbm>>, %arg5: memref<321536xi32, #tpu.memory_space<hbm>>, %arg6: memref<321536xi32, #tpu.memory_space<hbm>>, %arg7: memref<20480x128xf32, #tpu.memory_space<hbm>>, %arg8: memref<32x10240xf32, #tpu.memory_space<hbm>>, %arg9: memref<64xi32, #tpu.memory_space<vmem>>, %arg10: memref<64xi32, #tpu.memory_space<vmem>>, %arg11: memref<64x128xf32, #tpu.memory_space<vmem>>, %arg12: memref<64x128xf32, #tpu.memory_space<vmem>>, %arg13: memref<64x128xf32, #tpu.memory_space<vmem>>, %arg14: memref<64x128xf32, #tpu.memory_space<vmem>>, %arg15: memref<10240xf32, #tpu.memory_space<vmem>>, %arg16: memref<10240x128xf32, #tpu.memory_space<vmem_shared>>, %arg17: memref<!tpu.dma_semaphore, #tpu.memory_space<semaphore_mem>>, %arg18: memref<!tpu.dma_semaphore, #tpu.memory_space<semaphore_mem>>) attributes {dimension_semantics = [#tpu.dimension_semantics<core_parallel>, #tpu.dimension_semantics<subcore_parallel>], iteration_bounds = array<i64: 2, 16>, scalar_prefetch = 0 : i64, scratch_operands = 10 : i64, tpu.core_type = #tpu.core_type<sc_vector_subcore>, window_params = [{transform_indices = #map}, {transform_indices = #map}, {transform_indices = #map}, {transform_indices = #map1}, {transform_indices = #map1}, {transform_indices = #map}, {transform_indices = #map}]} {
    %mul3A = arith.constant 2 : i32
    %mul3A_0 = arith.muli %arg1, %mul3A : i32
    %add3A = arith.addi %mul3A_0, %arg0 : i32
    %mul3A_1 = arith.constant 10048 : i32
    %mul3A_2 = arith.muli %add3A, %mul3A_1 : i32
    %broadcast_in_dim3A = arith.constant 0.000000e+00 : f32
    %broadcast_in_dim3A_3 = vector.broadcast %broadcast_in_dim3A : f32 to vector<16xf32>
    %scan3A = arith.constant 0 : i32
    %scan3A_4 = arith.constant 64 : i32
    %scan3A_5 = arith.addi %scan3A, %scan3A_4 : i32
    %scan3A_6 = arith.constant 1 : i32
    scf.for %scan3A_169 = %scan3A to %scan3A_5 step %scan3A_6  : i32 {
      %swap3A = arith.index_cast %scan3A_169 : i32 to index
      %swap3A_170 = arith.constant 0 : index
      %swap3A_171 = tpu.vector_load %arg14[%swap3A, %swap3A_170] {strides = array<i32>} : memref<64x128xf32, #tpu.memory_space<vmem>>, vector<16xf32>,
      tpu.vector_store %arg14[%swap3A, %swap3A_170], %broadcast_in_dim3A_3 {strides = array<i32>} : memref<64x128xf32, #tpu.memory_space<vmem>>, vector<16xf32>,
      %swap3A_172 = arith.index_cast %scan3A_169 : i32 to index
      %swap3A_173 = arith.constant 16 : index
      %swap3A_174 = tpu.vector_load %arg14[%swap3A_172, %swap3A_173] {strides = array<i32>} : memref<64x128xf32, #tpu.memory_space<vmem>>, vector<16xf32>,
      tpu.vector_store %arg14[%swap3A_172, %swap3A_173], %broadcast_in_dim3A_3 {strides = array<i32>} : memref<64x128xf32, #tpu.memory_space<vmem>>, vector<16xf32>,
      %swap3A_175 = arith.index_cast %scan3A_169 : i32 to index
      %swap3A_176 = arith.constant 32 : index
      %swap3A_177 = tpu.vector_load %arg14[%swap3A_175, %swap3A_176] {strides = array<i32>} : memref<64x128xf32, #tpu.memory_space<vmem>>, vector<16xf32>,
      tpu.vector_store %arg14[%swap3A_175, %swap3A_176], %broadcast_in_dim3A_3 {strides = array<i32>} : memref<64x128xf32, #tpu.memory_space<vmem>>, vector<16xf32>,
      %swap3A_178 = arith.index_cast %scan3A_169 : i32 to index
      %swap3A_179 = arith.constant 48 : index
      %swap3A_180 = tpu.vector_load %arg14[%swap3A_178, %swap3A_179] {strides = array<i32>} : memref<64x128xf32, #tpu.memory_space<vmem>>, vector<16xf32>,
      tpu.vector_store %arg14[%swap3A_178, %swap3A_179], %broadcast_in_dim3A_3 {strides = array<i32>} : memref<64x128xf32, #tpu.memory_space<vmem>>, vector<16xf32>,
      %swap3A_181 = arith.index_cast %scan3A_169 : i32 to index
      %swap3A_182 = arith.constant 64 : index
      %swap3A_183 = tpu.vector_load %arg14[%swap3A_181, %swap3A_182] {strides = array<i32>} : memref<64x128xf32, #tpu.memory_space<vmem>>, vector<16xf32>,
      tpu.vector_store %arg14[%swap3A_181, %swap3A_182], %broadcast_in_dim3A_3 {strides = array<i32>} : memref<64x128xf32, #tpu.memory_space<vmem>>, vector<16xf32>,
      %swap3A_184 = arith.index_cast %scan3A_169 : i32 to index
      %swap3A_185 = arith.constant 80 : index
      %swap3A_186 = tpu.vector_load %arg14[%swap3A_184, %swap3A_185] {strides = array<i32>} : memref<64x128xf32, #tpu.memory_space<vmem>>, vector<16xf32>,
      tpu.vector_store %arg14[%swap3A_184, %swap3A_185], %broadcast_in_dim3A_3 {strides = array<i32>} : memref<64x128xf32, #tpu.memory_space<vmem>>, vector<16xf32>,
      %swap3A_187 = arith.index_cast %scan3A_169 : i32 to index
      %swap3A_188 = arith.constant 96 : index
      %swap3A_189 = tpu.vector_load %arg14[%swap3A_187, %swap3A_188] {strides = array<i32>} : memref<64x128xf32, #tpu.memory_space<vmem>>, vector<16xf32>,
      tpu.vector_store %arg14[%swap3A_187, %swap3A_188], %broadcast_in_dim3A_3 {strides = array<i32>} : memref<64x128xf32, #tpu.memory_space<vmem>>, vector<16xf32>,
      %swap3A_190 = arith.index_cast %scan3A_169 : i32 to index
      %swap3A_191 = arith.constant 112 : index
      %swap3A_192 = tpu.vector_load %arg14[%swap3A_190, %swap3A_191] {strides = array<i32>} : memref<64x128xf32, #tpu.memory_space<vmem>>, vector<16xf32>,
      tpu.vector_store %arg14[%swap3A_190, %swap3A_191], %broadcast_in_dim3A_3 {strides = array<i32>} : memref<64x128xf32, #tpu.memory_space<vmem>>, vector<16xf32>,
    }
    %scan3A_7 = arith.constant 64 : i32
    %mul3A_8 = arith.constant 640 : i32
    %mul3A_9 = arith.muli %arg1, %mul3A_8 : i32
    %add3A_10 = arith.constant 0 : i32
    %add3A_11 = arith.addi %mul3A_9, %add3A_10 : i32
    "tpu.region"() ({
      %run_scoped3A = tpu.sem_alloc : memref<!tpu.dma_semaphore, #tpu.memory_space<semaphore_mem>>
      %dma_start3A = arith.constant 0 : i32
      %dma_start3A_169 = tpu.memref_slice %arg16[%add3A_11, %dma_start3A] : memref<10240x128xf32, #tpu.memory_space<vmem_shared>> -> memref<64x128xf32, #tpu.memory_space<vmem_shared>>
      %dma_start3A_170 = arith.constant 0 : i32
      %dma_start3A_171 = tpu.memref_slice %arg16[%add3A_11, %dma_start3A_170] : memref<10240x128xf32, #tpu.memory_space<vmem_shared>> -> memref<64x128xf32, #tpu.memory_space<vmem_shared>>
      tpu.enqueue_dma source(%arg14 : memref<64x128xf32, #tpu.memory_space<vmem>>) target(%dma_start3A_171 : memref<64x128xf32, #tpu.memory_space<vmem_shared>>) target_semaphore(%run_scoped3A : memref<!tpu.dma_semaphore, #tpu.memory_space<semaphore_mem>>)
      %dma_wait3A = arith.constant 0 : i32
      %dma_wait3A_172 = tpu.memref_slice %arg16[%add3A_11, %dma_wait3A] : memref<10240x128xf32, #tpu.memory_space<vmem_shared>> -> memref<64x128xf32, #tpu.memory_space<vmem_shared>>
      %dma_wait3A_173 = arith.constant 0 : i32
      %dma_wait3A_174 = tpu.memref_slice %arg16[%add3A_11, %dma_wait3A_173] : memref<10240x128xf32, #tpu.memory_space<vmem_shared>> -> memref<64x128xf32, #tpu.memory_space<vmem_shared>>
      tpu.wait_dma2 semaphore(%run_scoped3A : memref<!tpu.dma_semaphore, #tpu.memory_space<semaphore_mem>>) src(%arg14 : memref<64x128xf32, #tpu.memory_space<vmem>>) dst(%dma_wait3A_174 : memref<64x128xf32, #tpu.memory_space<vmem_shared>>)
      tpu.yield
    }) : () -> ()
    %mul3A_12 = arith.constant 640 : i32
    %mul3A_13 = arith.muli %arg1, %mul3A_12 : i32
    %add3A_14 = arith.constant 64 : i32
    %add3A_15 = arith.addi %mul3A_13, %add3A_14 : i32
    "tpu.region"() ({
      %run_scoped3A = tpu.sem_alloc : memref<!tpu.dma_semaphore, #tpu.memory_space<semaphore_mem>>
      %dma_start3A = arith.constant 0 : i32
      %dma_start3A_169 = tpu.memref_slice %arg16[%add3A_15, %dma_start3A] : memref<10240x128xf32, #tpu.memory_space<vmem_shared>> -> memref<64x128xf32, #tpu.memory_space<vmem_shared>>
      %dma_start3A_170 = arith.constant 0 : i32
      %dma_start3A_171 = tpu.memref_slice %arg16[%add3A_15, %dma_start3A_170] : memref<10240x128xf32, #tpu.memory_space<vmem_shared>> -> memref<64x128xf32, #tpu.memory_space<vmem_shared>>
      tpu.enqueue_dma source(%arg14 : memref<64x128xf32, #tpu.memory_space<vmem>>) target(%dma_start3A_171 : memref<64x128xf32, #tpu.memory_space<vmem_shared>>) target_semaphore(%run_scoped3A : memref<!tpu.dma_semaphore, #tpu.memory_space<semaphore_mem>>)
      %dma_wait3A = arith.constant 0 : i32
      %dma_wait3A_172 = tpu.memref_slice %arg16[%add3A_15, %dma_wait3A] : memref<10240x128xf32, #tpu.memory_space<vmem_shared>> -> memref<64x128xf32, #tpu.memory_space<vmem_shared>>
      %dma_wait3A_173 = arith.constant 0 : i32
      %dma_wait3A_174 = tpu.memref_slice %arg16[%add3A_15, %dma_wait3A_173] : memref<10240x128xf32, #tpu.memory_space<vmem_shared>> -> memref<64x128xf32, #tpu.memory_space<vmem_shared>>
      tpu.wait_dma2 semaphore(%run_scoped3A : memref<!tpu.dma_semaphore, #tpu.memory_space<semaphore_mem>>) src(%arg14 : memref<64x128xf32, #tpu.memory_space<vmem>>) dst(%dma_wait3A_174 : memref<64x128xf32, #tpu.memory_space<vmem_shared>>)
      tpu.yield
    }) : () -> ()
    %mul3A_16 = arith.constant 640 : i32
    %mul3A_17 = arith.muli %arg1, %mul3A_16 : i32
    %add3A_18 = arith.constant 128 : i32
    %add3A_19 = arith.addi %mul3A_17, %add3A_18 : i32
    "tpu.region"() ({
      %run_scoped3A = tpu.sem_alloc : memref<!tpu.dma_semaphore, #tpu.memory_space<semaphore_mem>>
      %dma_start3A = arith.constant 0 : i32
      %dma_start3A_169 = tpu.memref_slice %arg16[%add3A_19, %dma_start3A] : memref<10240x128xf32, #tpu.memory_space<vmem_shared>> -> memref<64x128xf32, #tpu.memory_space<vmem_shared>>
      %dma_start3A_170 = arith.constant 0 : i32
      %dma_start3A_171 = tpu.memref_slice %arg16[%add3A_19, %dma_start3A_170] : memref<10240x128xf32, #tpu.memory_space<vmem_shared>> -> memref<64x128xf32, #tpu.memory_space<vmem_shared>>
      tpu.enqueue_dma source(%arg14 : memref<64x128xf32, #tpu.memory_space<vmem>>) target(%dma_start3A_171 : memref<64x128xf32, #tpu.memory_space<vmem_shared>>) target_semaphore(%run_scoped3A : memref<!tpu.dma_semaphore, #tpu.memory_space<semaphore_mem>>)
      %dma_wait3A = arith.constant 0 : i32
      %dma_wait3A_172 = tpu.memref_slice %arg16[%add3A_19, %dma_wait3A] : memref<10240x128xf32, #tpu.memory_space<vmem_shared>> -> memref<64x128xf32, #tpu.memory_space<vmem_shared>>
      %dma_wait3A_173 = arith.constant 0 : i32
      %dma_wait3A_174 = tpu.memref_slice %arg16[%add3A_19, %dma_wait3A_173] : memref<10240x128xf32, #tpu.memory_space<vmem_shared>> -> memref<64x128xf32, #tpu.memory_space<vmem_shared>>
      tpu.wait_dma2 semaphore(%run_scoped3A : memref<!tpu.dma_semaphore, #tpu.memory_space<semaphore_mem>>) src(%arg14 : memref<64x128xf32, #tpu.memory_space<vmem>>) dst(%dma_wait3A_174 : memref<64x128xf32, #tpu.memory_space<vmem_shared>>)
      tpu.yield
    }) : () -> ()
    %mul3A_20 = arith.constant 640 : i32
    %mul3A_21 = arith.muli %arg1, %mul3A_20 : i32
    %add3A_22 = arith.constant 192 : i32
    %add3A_23 = arith.addi %mul3A_21, %add3A_22 : i32
    "tpu.region"() ({
      %run_scoped3A = tpu.sem_alloc : memref<!tpu.dma_semaphore, #tpu.memory_space<semaphore_mem>>
      %dma_start3A = arith.constant 0 : i32
      %dma_start3A_169 = tpu.memref_slice %arg16[%add3A_23, %dma_start3A] : memref<10240x128xf32, #tpu.memory_space<vmem_shared>> -> memref<64x128xf32, #tpu.memory_space<vmem_shared>>
      %dma_start3A_170 = arith.constant 0 : i32
      %dma_start3A_171 = tpu.memref_slice %arg16[%add3A_23, %dma_start3A_170] : memref<10240x128xf32, #tpu.memory_space<vmem_shared>> -> memref<64x128xf32, #tpu.memory_space<vmem_shared>>
      tpu.enqueue_dma source(%arg14 : memref<64x128xf32, #tpu.memory_space<vmem>>) target(%dma_start3A_171 : memref<64x128xf32, #tpu.memory_space<vmem_shared>>) target_semaphore(%run_scoped3A : memref<!tpu.dma_semaphore, #tpu.memory_space<semaphore_mem>>)
      %dma_wait3A = arith.constant 0 : i32
      %dma_wait3A_172 = tpu.memref_slice %arg16[%add3A_23, %dma_wait3A] : memref<10240x128xf32, #tpu.memory_space<vmem_shared>> -> memref<64x128xf32, #tpu.memory_space<vmem_shared>>
      %dma_wait3A_173 = arith.constant 0 : i32
      %dma_wait3A_174 = tpu.memref_slice %arg16[%add3A_23, %dma_wait3A_173] : memref<10240x128xf32, #tpu.memory_space<vmem_shared>> -> memref<64x128xf32, #tpu.memory_space<vmem_shared>>
      tpu.wait_dma2 semaphore(%run_scoped3A : memref<!tpu.dma_semaphore, #tpu.memory_space<semaphore_mem>>) src(%arg14 : memref<64x128xf32, #tpu.memory_space<vmem>>) dst(%dma_wait3A_174 : memref<64x128xf32, #tpu.memory_space<vmem_shared>>)
      tpu.yield
    }) : () -> ()
    %mul3A_24 = arith.constant 640 : i32
    %mul3A_25 = arith.muli %arg1, %mul3A_24 : i32
    %add3A_26 = arith.constant 256 : i32
    %add3A_27 = arith.addi %mul3A_25, %add3A_26 : i32
    "tpu.region"() ({
      %run_scoped3A = tpu.sem_alloc : memref<!tpu.dma_semaphore, #tpu.memory_space<semaphore_mem>>
      %dma_start3A = arith.constant 0 : i32
      %dma_start3A_169 = tpu.memref_slice %arg16[%add3A_27, %dma_start3A] : memref<10240x128xf32, #tpu.memory_space<vmem_shared>> -> memref<64x128xf32, #tpu.memory_space<vmem_shared>>
      %dma_start3A_170 = arith.constant 0 : i32
      %dma_start3A_171 = tpu.memref_slice %arg16[%add3A_27, %dma_start3A_170] : memref<10240x128xf32, #tpu.memory_space<vmem_shared>> -> memref<64x128xf32, #tpu.memory_space<vmem_shared>>
      tpu.enqueue_dma source(%arg14 : memref<64x128xf32, #tpu.memory_space<vmem>>) target(%dma_start3A_171 : memref<64x128xf32, #tpu.memory_space<vmem_shared>>) target_semaphore(%run_scoped3A : memref<!tpu.dma_semaphore, #tpu.memory_space<semaphore_mem>>)
      %dma_wait3A = arith.constant 0 : i32
      %dma_wait3A_172 = tpu.memref_slice %arg16[%add3A_27, %dma_wait3A] : memref<10240x128xf32, #tpu.memory_space<vmem_shared>> -> memref<64x128xf32, #tpu.memory_space<vmem_shared>>
      %dma_wait3A_173 = arith.constant 0 : i32
      %dma_wait3A_174 = tpu.memref_slice %arg16[%add3A_27, %dma_wait3A_173] : memref<10240x128xf32, #tpu.memory_space<vmem_shared>> -> memref<64x128xf32, #tpu.memory_space<vmem_shared>>
      tpu.wait_dma2 semaphore(%run_scoped3A : memref<!tpu.dma_semaphore, #tpu.memory_space<semaphore_mem>>) src(%arg14 : memref<64x128xf32, #tpu.memory_space<vmem>>) dst(%dma_wait3A_174 : memref<64x128xf32, #tpu.memory_space<vmem_shared>>)
      tpu.yield
    }) : () -> ()
    %mul3A_28 = arith.constant 640 : i32
    %mul3A_29 = arith.muli %arg1, %mul3A_28 : i32
    %add3A_30 = arith.constant 320 : i32
    %add3A_31 = arith.addi %mul3A_29, %add3A_30 : i32
    "tpu.region"() ({
      %run_scoped3A = tpu.sem_alloc : memref<!tpu.dma_semaphore, #tpu.memory_space<semaphore_mem>>
      %dma_start3A = arith.constant 0 : i32
      %dma_start3A_169 = tpu.memref_slice %arg16[%add3A_31, %dma_start3A] : memref<10240x128xf32, #tpu.memory_space<vmem_shared>> -> memref<64x128xf32, #tpu.memory_space<vmem_shared>>
      %dma_start3A_170 = arith.constant 0 : i32
      %dma_start3A_171 = tpu.memref_slice %arg16[%add3A_31, %dma_start3A_170] : memref<10240x128xf32, #tpu.memory_space<vmem_shared>> -> memref<64x128xf32, #tpu.memory_space<vmem_shared>>
      tpu.enqueue_dma source(%arg14 : memref<64x128xf32, #tpu.memory_space<vmem>>) target(%dma_start3A_171 : memref<64x128xf32, #tpu.memory_space<vmem_shared>>) target_semaphore(%run_scoped3A : memref<!tpu.dma_semaphore, #tpu.memory_space<semaphore_mem>>)
      %dma_wait3A = arith.constant 0 : i32
      %dma_wait3A_172 = tpu.memref_slice %arg16[%add3A_31, %dma_wait3A] : memref<10240x128xf32, #tpu.memory_space<vmem_shared>> -> memref<64x128xf32, #tpu.memory_space<vmem_shared>>
      %dma_wait3A_173 = arith.constant 0 : i32
      %dma_wait3A_174 = tpu.memref_slice %arg16[%add3A_31, %dma_wait3A_173] : memref<10240x128xf32, #tpu.memory_space<vmem_shared>> -> memref<64x128xf32, #tpu.memory_space<vmem_shared>>
      tpu.wait_dma2 semaphore(%run_scoped3A : memref<!tpu.dma_semaphore, #tpu.memory_space<semaphore_mem>>) src(%arg14 : memref<64x128xf32, #tpu.memory_space<vmem>>) dst(%dma_wait3A_174 : memref<64x128xf32, #tpu.memory_space<vmem_shared>>)
      tpu.yield
    }) : () -> ()
    %mul3A_32 = arith.constant 640 : i32
    %mul3A_33 = arith.muli %arg1, %mul3A_32 : i32
    %add3A_34 = arith.constant 384 : i32
    %add3A_35 = arith.addi %mul3A_33, %add3A_34 : i32
    "tpu.region"() ({
      %run_scoped3A = tpu.sem_alloc : memref<!tpu.dma_semaphore, #tpu.memory_space<semaphore_mem>>
      %dma_start3A = arith.constant 0 : i32
      %dma_start3A_169 = tpu.memref_slice %arg16[%add3A_35, %dma_start3A] : memref<10240x128xf32, #tpu.memory_space<vmem_shared>> -> memref<64x128xf32, #tpu.memory_space<vmem_shared>>
      %dma_start3A_170 = arith.constant 0 : i32
      %dma_start3A_171 = tpu.memref_slice %arg16[%add3A_35, %dma_start3A_170] : memref<10240x128xf32, #tpu.memory_space<vmem_shared>> -> memref<64x128xf32, #tpu.memory_space<vmem_shared>>
      tpu.enqueue_dma source(%arg14 : memref<64x128xf32, #tpu.memory_space<vmem>>) target(%dma_start3A_171 : memref<64x128xf32, #tpu.memory_space<vmem_shared>>) target_semaphore(%run_scoped3A : memref<!tpu.dma_semaphore, #tpu.memory_space<semaphore_mem>>)
      %dma_wait3A = arith.constant 0 : i32
      %dma_wait3A_172 = tpu.memref_slice %arg16[%add3A_35, %dma_wait3A] : memref<10240x128xf32, #tpu.memory_space<vmem_shared>> -> memref<64x128xf32, #tpu.memory_space<vmem_shared>>
      %dma_wait3A_173 = arith.constant 0 : i32
      %dma_wait3A_174 = tpu.memref_slice %arg16[%add3A_35, %dma_wait3A_173] : memref<10240x128xf32, #tpu.memory_space<vmem_shared>> -> memref<64x128xf32, #tpu.memory_space<vmem_shared>>
      tpu.wait_dma2 semaphore(%run_scoped3A : memref<!tpu.dma_semaphore, #tpu.memory_space<semaphore_mem>>) src(%arg14 : memref<64x128xf32, #tpu.memory_space<vmem>>) dst(%dma_wait3A_174 : memref<64x128xf32, #tpu.memory_space<vmem_shared>>)
      tpu.yield
    }) : () -> ()
    %mul3A_36 = arith.constant 640 : i32
    %mul3A_37 = arith.muli %arg1, %mul3A_36 : i32
    %add3A_38 = arith.constant 448 : i32
    %add3A_39 = arith.addi %mul3A_37, %add3A_38 : i32
    "tpu.region"() ({
      %run_scoped3A = tpu.sem_alloc : memref<!tpu.dma_semaphore, #tpu.memory_space<semaphore_mem>>
      %dma_start3A = arith.constant 0 : i32
      %dma_start3A_169 = tpu.memref_slice %arg16[%add3A_39, %dma_start3A] : memref<10240x128xf32, #tpu.memory_space<vmem_shared>> -> memref<64x128xf32, #tpu.memory_space<vmem_shared>>
      %dma_start3A_170 = arith.constant 0 : i32
      %dma_start3A_171 = tpu.memref_slice %arg16[%add3A_39, %dma_start3A_170] : memref<10240x128xf32, #tpu.memory_space<vmem_shared>> -> memref<64x128xf32, #tpu.memory_space<vmem_shared>>
      tpu.enqueue_dma source(%arg14 : memref<64x128xf32, #tpu.memory_space<vmem>>) target(%dma_start3A_171 : memref<64x128xf32, #tpu.memory_space<vmem_shared>>) target_semaphore(%run_scoped3A : memref<!tpu.dma_semaphore, #tpu.memory_space<semaphore_mem>>)
      %dma_wait3A = arith.constant 0 : i32
      %dma_wait3A_172 = tpu.memref_slice %arg16[%add3A_39, %dma_wait3A] : memref<10240x128xf32, #tpu.memory_space<vmem_shared>> -> memref<64x128xf32, #tpu.memory_space<vmem_shared>>
      %dma_wait3A_173 = arith.constant 0 : i32
      %dma_wait3A_174 = tpu.memref_slice %arg16[%add3A_39, %dma_wait3A_173] : memref<10240x128xf32, #tpu.memory_space<vmem_shared>> -> memref<64x128xf32, #tpu.memory_space<vmem_shared>>
      tpu.wait_dma2 semaphore(%run_scoped3A : memref<!tpu.dma_semaphore, #tpu.memory_space<semaphore_mem>>) src(%arg14 : memref<64x128xf32, #tpu.memory_space<vmem>>) dst(%dma_wait3A_174 : memref<64x128xf32, #tpu.memory_space<vmem_shared>>)
      tpu.yield
    }) : () -> ()
    %mul3A_40 = arith.constant 640 : i32
    %mul3A_41 = arith.muli %arg1, %mul3A_40 : i32
    %add3A_42 = arith.constant 512 : i32
    %add3A_43 = arith.addi %mul3A_41, %add3A_42 : i32
    "tpu.region"() ({
      %run_scoped3A = tpu.sem_alloc : memref<!tpu.dma_semaphore, #tpu.memory_space<semaphore_mem>>
      %dma_start3A = arith.constant 0 : i32
      %dma_start3A_169 = tpu.memref_slice %arg16[%add3A_43, %dma_start3A] : memref<10240x128xf32, #tpu.memory_space<vmem_shared>> -> memref<64x128xf32, #tpu.memory_space<vmem_shared>>
      %dma_start3A_170 = arith.constant 0 : i32
      %dma_start3A_171 = tpu.memref_slice %arg16[%add3A_43, %dma_start3A_170] : memref<10240x128xf32, #tpu.memory_space<vmem_shared>> -> memref<64x128xf32, #tpu.memory_space<vmem_shared>>
      tpu.enqueue_dma source(%arg14 : memref<64x128xf32, #tpu.memory_space<vmem>>) target(%dma_start3A_171 : memref<64x128xf32, #tpu.memory_space<vmem_shared>>) target_semaphore(%run_scoped3A : memref<!tpu.dma_semaphore, #tpu.memory_space<semaphore_mem>>)
      %dma_wait3A = arith.constant 0 : i32
      %dma_wait3A_172 = tpu.memref_slice %arg16[%add3A_43, %dma_wait3A] : memref<10240x128xf32, #tpu.memory_space<vmem_shared>> -> memref<64x128xf32, #tpu.memory_space<vmem_shared>>
      %dma_wait3A_173 = arith.constant 0 : i32
      %dma_wait3A_174 = tpu.memref_slice %arg16[%add3A_43, %dma_wait3A_173] : memref<10240x128xf32, #tpu.memory_space<vmem_shared>> -> memref<64x128xf32, #tpu.memory_space<vmem_shared>>
      tpu.wait_dma2 semaphore(%run_scoped3A : memref<!tpu.dma_semaphore, #tpu.memory_space<semaphore_mem>>) src(%arg14 : memref<64x128xf32, #tpu.memory_space<vmem>>) dst(%dma_wait3A_174 : memref<64x128xf32, #tpu.memory_space<vmem_shared>>)
      tpu.yield
    }) : () -> ()
    %mul3A_44 = arith.constant 640 : i32
    %mul3A_45 = arith.muli %arg1, %mul3A_44 : i32
    %add3A_46 = arith.constant 576 : i32
    %add3A_47 = arith.addi %mul3A_45, %add3A_46 : i32
    "tpu.region"() ({
      %run_scoped3A = tpu.sem_alloc : memref<!tpu.dma_semaphore, #tpu.memory_space<semaphore_mem>>
      %dma_start3A = arith.constant 0 : i32
      %dma_start3A_169 = tpu.memref_slice %arg16[%add3A_47, %dma_start3A] : memref<10240x128xf32, #tpu.memory_space<vmem_shared>> -> memref<64x128xf32, #tpu.memory_space<vmem_shared>>
      %dma_start3A_170 = arith.constant 0 : i32
      %dma_start3A_171 = tpu.memref_slice %arg16[%add3A_47, %dma_start3A_170] : memref<10240x128xf32, #tpu.memory_space<vmem_shared>> -> memref<64x128xf32, #tpu.memory_space<vmem_shared>>
      tpu.enqueue_dma source(%arg14 : memref<64x128xf32, #tpu.memory_space<vmem>>) target(%dma_start3A_171 : memref<64x128xf32, #tpu.memory_space<vmem_shared>>) target_semaphore(%run_scoped3A : memref<!tpu.dma_semaphore, #tpu.memory_space<semaphore_mem>>)
      %dma_wait3A = arith.constant 0 : i32
      %dma_wait3A_172 = tpu.memref_slice %arg16[%add3A_47, %dma_wait3A] : memref<10240x128xf32, #tpu.memory_space<vmem_shared>> -> memref<64x128xf32, #tpu.memory_space<vmem_shared>>
      %dma_wait3A_173 = arith.constant 0 : i32
      %dma_wait3A_174 = tpu.memref_slice %arg16[%add3A_47, %dma_wait3A_173] : memref<10240x128xf32, #tpu.memory_space<vmem_shared>> -> memref<64x128xf32, #tpu.memory_space<vmem_shared>>
      tpu.wait_dma2 semaphore(%run_scoped3A : memref<!tpu.dma_semaphore, #tpu.memory_space<semaphore_mem>>) src(%arg14 : memref<64x128xf32, #tpu.memory_space<vmem>>) dst(%dma_wait3A_174 : memref<64x128xf32, #tpu.memory_space<vmem_shared>>)
      tpu.yield
    }) : () -> ()
    %scan3A_48 = arith.constant 0 : i32
    %scan3A_49 = arith.constant 640 : i32
    %scan3A_50 = arith.addi %scan3A_48, %scan3A_49 : i32
    %scan3A_51 = arith.constant 1 : i32
    scf.for %scan3A_169 = %scan3A_48 to %scan3A_50 step %scan3A_51  : i32 {
      %mul3A_170 = arith.constant 16 : i32
      %mul3A_171 = arith.muli %scan3A_169, %mul3A_170 : i32
      %swap3A = arith.index_cast %mul3A_171 : i32 to index
      %swap3A_172 = tpu.vector_load %arg15[%swap3A] {strides = array<i32>} : memref<10240xf32, #tpu.memory_space<vmem>>, vector<16xf32>,
      tpu.vector_store %arg15[%swap3A], %broadcast_in_dim3A_3 {strides = array<i32>} : memref<10240xf32, #tpu.memory_space<vmem>>, vector<16xf32>,
    }
    %scan3A_52 = arith.constant 640 : i32
    %barrier3A = arith.constant 0 : index
    tpu.barrier barrier_id(%barrier3A)
    %scan3A_53 = arith.constant 0 : i32
    %scan3A_54 = arith.constant 157 : i32
    %scan3A_55 = arith.addi %scan3A_53, %scan3A_54 : i32
    %scan3A_56 = arith.constant 1 : i32
    scf.for %scan3A_169 = %scan3A_53 to %scan3A_55 step %scan3A_56  : i32 {
      %mul3A_170 = arith.constant 64 : i32
      %mul3A_171 = arith.muli %scan3A_169, %mul3A_170 : i32
      %add3A_172 = arith.addi %mul3A_2, %mul3A_171 : i32
      %dma_start3A = tpu.memref_slice %arg5[%add3A_172] : memref<321536xi32, #tpu.memory_space<hbm>> -> memref<64xi32, #tpu.memory_space<hbm>>
      %dma_start3A_173 = tpu.memref_slice %arg5[%add3A_172] : memref<321536xi32, #tpu.memory_space<hbm>> -> memref<64xi32, #tpu.memory_space<hbm>>
      tpu.enqueue_dma source(%dma_start3A_173 : memref<64xi32, #tpu.memory_space<hbm>>) target(%arg9 : memref<64xi32, #tpu.memory_space<vmem>>) target_semaphore(%arg17 : memref<!tpu.dma_semaphore, #tpu.memory_space<semaphore_mem>>)
      %dma_start3A_174 = tpu.memref_slice %arg6[%add3A_172] : memref<321536xi32, #tpu.memory_space<hbm>> -> memref<64xi32, #tpu.memory_space<hbm>>
      %dma_start3A_175 = tpu.memref_slice %arg6[%add3A_172] : memref<321536xi32, #tpu.memory_space<hbm>> -> memref<64xi32, #tpu.memory_space<hbm>>
      tpu.enqueue_dma source(%dma_start3A_175 : memref<64xi32, #tpu.memory_space<hbm>>) target(%arg10 : memref<64xi32, #tpu.memory_space<vmem>>) target_semaphore(%arg17 : memref<!tpu.dma_semaphore, #tpu.memory_space<semaphore_mem>>)
      %dma_start3A_176 = arith.constant 0 : i32
      %dma_start3A_177 = tpu.memref_slice %arg4[%add3A_172, %dma_start3A_176] : memref<321536x128xf32, #tpu.memory_space<hbm>> -> memref<64x128xf32, #tpu.memory_space<hbm>>
      %dma_start3A_178 = arith.constant 0 : i32
      %dma_start3A_179 = tpu.memref_slice %arg4[%add3A_172, %dma_start3A_178] : memref<321536x128xf32, #tpu.memory_space<hbm>> -> memref<64x128xf32, #tpu.memory_space<hbm>>
      tpu.enqueue_dma source(%dma_start3A_179 : memref<64x128xf32, #tpu.memory_space<hbm>>) target(%arg13 : memref<64x128xf32, #tpu.memory_space<vmem>>) target_semaphore(%arg17 : memref<!tpu.dma_semaphore, #tpu.memory_space<semaphore_mem>>)
      %dma_wait3A = tpu.memref_slice %arg5[%add3A_172] : memref<321536xi32, #tpu.memory_space<hbm>> -> memref<64xi32, #tpu.memory_space<hbm>>
      %dma_wait3A_180 = tpu.memref_slice %arg5[%add3A_172] : memref<321536xi32, #tpu.memory_space<hbm>> -> memref<64xi32, #tpu.memory_space<hbm>>
      tpu.wait_dma2 semaphore(%arg17 : memref<!tpu.dma_semaphore, #tpu.memory_space<semaphore_mem>>) src(%dma_wait3A_180 : memref<64xi32, #tpu.memory_space<hbm>>) dst(%arg9 : memref<64xi32, #tpu.memory_space<vmem>>)
      %dma_wait3A_181 = tpu.memref_slice %arg6[%add3A_172] : memref<321536xi32, #tpu.memory_space<hbm>> -> memref<64xi32, #tpu.memory_space<hbm>>
      %dma_wait3A_182 = tpu.memref_slice %arg6[%add3A_172] : memref<321536xi32, #tpu.memory_space<hbm>> -> memref<64xi32, #tpu.memory_space<hbm>>
      tpu.wait_dma2 semaphore(%arg17 : memref<!tpu.dma_semaphore, #tpu.memory_space<semaphore_mem>>) src(%dma_wait3A_182 : memref<64xi32, #tpu.memory_space<hbm>>) dst(%arg10 : memref<64xi32, #tpu.memory_space<vmem>>)
      %dma_start3A_183 = arith.constant 0 : i32
      %dma_start3A_184 = arith.constant 0 : i32
      %dma_start3A_185 = tpu.memref_slice %arg2[%dma_start3A_183, %dma_start3A_184] : memref<10240x128xf32, #tpu.memory_space<hbm>> -> memref<10240x128xf32, #tpu.memory_space<hbm>>
      tpu.enqueue_indirect_dma source(%dma_start3A_185 : memref<10240x128xf32, #tpu.memory_space<hbm>>) target(%arg11 : memref<64x128xf32, #tpu.memory_space<vmem>>) offsets(%arg9 : memref<64xi32, #tpu.memory_space<vmem>>) semaphore(%arg18 : memref<!tpu.dma_semaphore, #tpu.memory_space<semaphore_mem>>)
      %dma_start3A_186 = arith.constant 0 : i32
      %dma_start3A_187 = arith.constant 0 : i32
      %dma_start3A_188 = tpu.memref_slice %arg3[%dma_start3A_186, %dma_start3A_187] : memref<10240x128xf32, #tpu.memory_space<hbm>> -> memref<10240x128xf32, #tpu.memory_space<hbm>>
      tpu.enqueue_indirect_dma source(%dma_start3A_188 : memref<10240x128xf32, #tpu.memory_space<hbm>>) target(%arg12 : memref<64x128xf32, #tpu.memory_space<vmem>>) offsets(%arg10 : memref<64xi32, #tpu.memory_space<vmem>>) semaphore(%arg18 : memref<!tpu.dma_semaphore, #tpu.memory_space<semaphore_mem>>)
      %get3A = arith.constant 0 : index
      %get3A_189 = tpu.vector_load %arg10[%get3A] {strides = array<i32>} : memref<64xi32, #tpu.memory_space<vmem>>, vector<16xi32>,
      %broadcast_in_dim3A_190 = arith.constant true
      %broadcast_in_dim3A_191 = vector.broadcast %broadcast_in_dim3A_190 : i1 to vector<16xi1>
      %unique3A, %unique3A_192 = tpu.scan_count mask(%broadcast_in_dim3A_191 : vector<16xi1>) value(%get3A_189 : vector<16xi32>) : vector<16xi1>, vector<16xi32>
      %convert_element_type3A = arith.sitofp %unique3A_192 : vector<16xi32> to vector<16xf32>
      tpu.vector_store_idx %arg15[%get3A_189], %convert_element_type3A masked %unique3A {add = true} : memref<10240xf32, #tpu.memory_space<vmem>>[vector<16xi32>], vector<16xf32>, vector<16xi1>
      %get3A_193 = arith.constant 16 : index
      %get3A_194 = tpu.vector_load %arg10[%get3A_193] {strides = array<i32>} : memref<64xi32, #tpu.memory_space<vmem>>, vector<16xi32>,
      %broadcast_in_dim3A_195 = arith.constant true
      %broadcast_in_dim3A_196 = vector.broadcast %broadcast_in_dim3A_195 : i1 to vector<16xi1>
      %unique3A_197, %unique3A_198 = tpu.scan_count mask(%broadcast_in_dim3A_196 : vector<16xi1>) value(%get3A_194 : vector<16xi32>) : vector<16xi1>, vector<16xi32>
      %convert_element_type3A_199 = arith.sitofp %unique3A_198 : vector<16xi32> to vector<16xf32>
      tpu.vector_store_idx %arg15[%get3A_194], %convert_element_type3A_199 masked %unique3A_197 {add = true} : memref<10240xf32, #tpu.memory_space<vmem>>[vector<16xi32>], vector<16xf32>, vector<16xi1>
      %get3A_200 = arith.constant 32 : index
      %get3A_201 = tpu.vector_load %arg10[%get3A_200] {strides = array<i32>} : memref<64xi32, #tpu.memory_space<vmem>>, vector<16xi32>,
      %broadcast_in_dim3A_202 = arith.constant true
      %broadcast_in_dim3A_203 = vector.broadcast %broadcast_in_dim3A_202 : i1 to vector<16xi1>
      %unique3A_204, %unique3A_205 = tpu.scan_count mask(%broadcast_in_dim3A_203 : vector<16xi1>) value(%get3A_201 : vector<16xi32>) : vector<16xi1>, vector<16xi32>
      %convert_element_type3A_206 = arith.sitofp %unique3A_205 : vector<16xi32> to vector<16xf32>
      tpu.vector_store_idx %arg15[%get3A_201], %convert_element_type3A_206 masked %unique3A_204 {add = true} : memref<10240xf32, #tpu.memory_space<vmem>>[vector<16xi32>], vector<16xf32>, vector<16xi1>
      %get3A_207 = arith.constant 48 : index
      %get3A_208 = tpu.vector_load %arg10[%get3A_207] {strides = array<i32>} : memref<64xi32, #tpu.memory_space<vmem>>, vector<16xi32>,
      %broadcast_in_dim3A_209 = arith.constant true
      %broadcast_in_dim3A_210 = vector.broadcast %broadcast_in_dim3A_209 : i1 to vector<16xi1>
      %unique3A_211, %unique3A_212 = tpu.scan_count mask(%broadcast_in_dim3A_210 : vector<16xi1>) value(%get3A_208 : vector<16xi32>) : vector<16xi1>, vector<16xi32>
      %convert_element_type3A_213 = arith.sitofp %unique3A_212 : vector<16xi32> to vector<16xf32>
      tpu.vector_store_idx %arg15[%get3A_208], %convert_element_type3A_213 masked %unique3A_211 {add = true} : memref<10240xf32, #tpu.memory_space<vmem>>[vector<16xi32>], vector<16xf32>, vector<16xi1>
      %dma_wait3A_214 = arith.constant 0 : i32
      %dma_wait3A_215 = tpu.memref_slice %arg4[%add3A_172, %dma_wait3A_214] : memref<321536x128xf32, #tpu.memory_space<hbm>> -> memref<64x128xf32, #tpu.memory_space<hbm>>
      %dma_wait3A_216 = arith.constant 0 : i32
      %dma_wait3A_217 = tpu.memref_slice %arg4[%add3A_172, %dma_wait3A_216] : memref<321536x128xf32, #tpu.memory_space<hbm>> -> memref<64x128xf32, #tpu.memory_space<hbm>>
      tpu.wait_dma2 semaphore(%arg17 : memref<!tpu.dma_semaphore, #tpu.memory_space<semaphore_mem>>) src(%dma_wait3A_217 : memref<64x128xf32, #tpu.memory_space<hbm>>) dst(%arg13 : memref<64x128xf32, #tpu.memory_space<vmem>>)
      %dma_wait3A_218 = arith.constant 0 : i32
      %dma_wait3A_219 = arith.constant 0 : i32
      %dma_wait3A_220 = tpu.memref_slice %arg2[%dma_wait3A_218, %dma_wait3A_219] : memref<10240x128xf32, #tpu.memory_space<hbm>> -> memref<10240x128xf32, #tpu.memory_space<hbm>>
      tpu.wait_indirect_dma semaphore(%arg18 : memref<!tpu.dma_semaphore, #tpu.memory_space<semaphore_mem>>) src(%dma_wait3A_220 : memref<10240x128xf32, #tpu.memory_space<hbm>>) dst(%arg11 : memref<64x128xf32, #tpu.memory_space<vmem>>)
      %dma_wait3A_221 = arith.constant 0 : i32
      %dma_wait3A_222 = arith.constant 0 : i32
      %dma_wait3A_223 = tpu.memref_slice %arg3[%dma_wait3A_221, %dma_wait3A_222] : memref<10240x128xf32, #tpu.memory_space<hbm>> -> memref<10240x128xf32, #tpu.memory_space<hbm>>
      tpu.wait_indirect_dma semaphore(%arg18 : memref<!tpu.dma_semaphore, #tpu.memory_space<semaphore_mem>>) src(%dma_wait3A_223 : memref<10240x128xf32, #tpu.memory_space<hbm>>) dst(%arg12 : memref<64x128xf32, #tpu.memory_space<vmem>>)
      %scan3A_224 = arith.constant 0 : i32
      %scan3A_225 = arith.constant 64 : i32
      %scan3A_226 = arith.addi %scan3A_224, %scan3A_225 : i32
      %scan3A_227 = arith.constant 1 : i32
      scf.for %scan3A_229 = %scan3A_224 to %scan3A_226 step %scan3A_227  : i32 {
        %get3A_230 = arith.index_cast %scan3A_229 : i32 to index
        %get3A_231 = arith.constant 0 : index
        %get3A_232 = tpu.vector_load %arg11[%get3A_230, %get3A_231] {strides = array<i32>} : memref<64x128xf32, #tpu.memory_space<vmem>>, vector<16xf32>,
        %get3A_233 = arith.index_cast %scan3A_229 : i32 to index
        %get3A_234 = arith.constant 0 : index
        %get3A_235 = tpu.vector_load %arg12[%get3A_233, %get3A_234] {strides = array<i32>} : memref<64x128xf32, #tpu.memory_space<vmem>>, vector<16xf32>,
        %add3A_236 = arith.addf %get3A_232, %get3A_235 : vector<16xf32>
        %get3A_237 = arith.index_cast %scan3A_229 : i32 to index
        %get3A_238 = arith.constant 0 : index
        %get3A_239 = tpu.vector_load %arg13[%get3A_237, %get3A_238] {strides = array<i32>} : memref<64x128xf32, #tpu.memory_space<vmem>>, vector<16xf32>,
        %add3A_240 = arith.addf %add3A_236, %get3A_239 : vector<16xf32>
        %neg3A = arith.constant 0.000000e+00 : f32
        %neg3A_241 = vector.broadcast %neg3A : f32 to vector<16xf32>
        %neg3A_242 = arith.subf %neg3A_241, %add3A_240 : vector<16xf32>
        %exp3A = math.exp %neg3A_242 : vector<16xf32>
        %add3A_243 = arith.constant 1.000000e+00 : f32
        %add3A_244 = vector.broadcast %add3A_243 : f32 to vector<16xf32>
        %add3A_245 = arith.addf %add3A_244, %exp3A : vector<16xf32>
        %div3A = arith.constant 1.000000e+00 : f32
        %div3A_246 = vector.broadcast %div3A : f32 to vector<16xf32>
        %div3A_247 = arith.divf %div3A_246, %add3A_245 : vector<16xf32>
        %mul3A_248 = arith.mulf %add3A_240, %div3A_247 : vector<16xf32>
        %swap3A = arith.index_cast %scan3A_229 : i32 to index
        %swap3A_249 = arith.constant 0 : index
        %swap3A_250 = tpu.vector_load %arg14[%swap3A, %swap3A_249] {strides = array<i32>} : memref<64x128xf32, #tpu.memory_space<vmem>>, vector<16xf32>,
        tpu.vector_store %arg14[%swap3A, %swap3A_249], %mul3A_248 {strides = array<i32>} : memref<64x128xf32, #tpu.memory_space<vmem>>, vector<16xf32>,
        %get3A_251 = arith.index_cast %scan3A_229 : i32 to index
        %get3A_252 = arith.constant 16 : index
        %get3A_253 = tpu.vector_load %arg11[%get3A_251, %get3A_252] {strides = array<i32>} : memref<64x128xf32, #tpu.memory_space<vmem>>, vector<16xf32>,
        %get3A_254 = arith.index_cast %scan3A_229 : i32 to index
        %get3A_255 = arith.constant 16 : index
        %get3A_256 = tpu.vector_load %arg12[%get3A_254, %get3A_255] {strides = array<i32>} : memref<64x128xf32, #tpu.memory_space<vmem>>, vector<16xf32>,
        %add3A_257 = arith.addf %get3A_253, %get3A_256 : vector<16xf32>
        %get3A_258 = arith.index_cast %scan3A_229 : i32 to index
        %get3A_259 = arith.constant 16 : index
        %get3A_260 = tpu.vector_load %arg13[%get3A_258, %get3A_259] {strides = array<i32>} : memref<64x128xf32, #tpu.memory_space<vmem>>, vector<16xf32>,
        %add3A_261 = arith.addf %add3A_257, %get3A_260 : vector<16xf32>
        %neg3A_262 = arith.constant 0.000000e+00 : f32
        %neg3A_263 = vector.broadcast %neg3A_262 : f32 to vector<16xf32>
        %neg3A_264 = arith.subf %neg3A_263, %add3A_261 : vector<16xf32>
        %exp3A_265 = math.exp %neg3A_264 : vector<16xf32>
        %add3A_266 = arith.constant 1.000000e+00 : f32
        %add3A_267 = vector.broadcast %add3A_266 : f32 to vector<16xf32>
        %add3A_268 = arith.addf %add3A_267, %exp3A_265 : vector<16xf32>
        %div3A_269 = arith.constant 1.000000e+00 : f32
        %div3A_270 = vector.broadcast %div3A_269 : f32 to vector<16xf32>
        %div3A_271 = arith.divf %div3A_270, %add3A_268 : vector<16xf32>
        %mul3A_272 = arith.mulf %add3A_261, %div3A_271 : vector<16xf32>
        %swap3A_273 = arith.index_cast %scan3A_229 : i32 to index
        %swap3A_274 = arith.constant 16 : index
        %swap3A_275 = tpu.vector_load %arg14[%swap3A_273, %swap3A_274] {strides = array<i32>} : memref<64x128xf32, #tpu.memory_space<vmem>>, vector<16xf32>,
        tpu.vector_store %arg14[%swap3A_273, %swap3A_274], %mul3A_272 {strides = array<i32>} : memref<64x128xf32, #tpu.memory_space<vmem>>, vector<16xf32>,
        %get3A_276 = arith.index_cast %scan3A_229 : i32 to index
        %get3A_277 = arith.constant 32 : index
        %get3A_278 = tpu.vector_load %arg11[%get3A_276, %get3A_277] {strides = array<i32>} : memref<64x128xf32, #tpu.memory_space<vmem>>, vector<16xf32>,
        %get3A_279 = arith.index_cast %scan3A_229 : i32 to index
        %get3A_280 = arith.constant 32 : index
        %get3A_281 = tpu.vector_load %arg12[%get3A_279, %get3A_280] {strides = array<i32>} : memref<64x128xf32, #tpu.memory_space<vmem>>, vector<16xf32>,
        %add3A_282 = arith.addf %get3A_278, %get3A_281 : vector<16xf32>
        %get3A_283 = arith.index_cast %scan3A_229 : i32 to index
        %get3A_284 = arith.constant 32 : index
        %get3A_285 = tpu.vector_load %arg13[%get3A_283, %get3A_284] {strides = array<i32>} : memref<64x128xf32, #tpu.memory_space<vmem>>, vector<16xf32>,
        %add3A_286 = arith.addf %add3A_282, %get3A_285 : vector<16xf32>
        %neg3A_287 = arith.constant 0.000000e+00 : f32
        %neg3A_288 = vector.broadcast %neg3A_287 : f32 to vector<16xf32>
        %neg3A_289 = arith.subf %neg3A_288, %add3A_286 : vector<16xf32>
        %exp3A_290 = math.exp %neg3A_289 : vector<16xf32>
        %add3A_291 = arith.constant 1.000000e+00 : f32
        %add3A_292 = vector.broadcast %add3A_291 : f32 to vector<16xf32>
        %add3A_293 = arith.addf %add3A_292, %exp3A_290 : vector<16xf32>
        %div3A_294 = arith.constant 1.000000e+00 : f32
        %div3A_295 = vector.broadcast %div3A_294 : f32 to vector<16xf32>
        %div3A_296 = arith.divf %div3A_295, %add3A_293 : vector<16xf32>
        %mul3A_297 = arith.mulf %add3A_286, %div3A_296 : vector<16xf32>
        %swap3A_298 = arith.index_cast %scan3A_229 : i32 to index
        %swap3A_299 = arith.constant 32 : index
        %swap3A_300 = tpu.vector_load %arg14[%swap3A_298, %swap3A_299] {strides = array<i32>} : memref<64x128xf32, #tpu.memory_space<vmem>>, vector<16xf32>,
        tpu.vector_store %arg14[%swap3A_298, %swap3A_299], %mul3A_297 {strides = array<i32>} : memref<64x128xf32, #tpu.memory_space<vmem>>, vector<16xf32>,
        %get3A_301 = arith.index_cast %scan3A_229 : i32 to index
        %get3A_302 = arith.constant 48 : index
        %get3A_303 = tpu.vector_load %arg11[%get3A_301, %get3A_302] {strides = array<i32>} : memref<64x128xf32, #tpu.memory_space<vmem>>, vector<16xf32>,
        %get3A_304 = arith.index_cast %scan3A_229 : i32 to index
        %get3A_305 = arith.constant 48 : index
        %get3A_306 = tpu.vector_load %arg12[%get3A_304, %get3A_305] {strides = array<i32>} : memref<64x128xf32, #tpu.memory_space<vmem>>, vector<16xf32>,
        %add3A_307 = arith.addf %get3A_303, %get3A_306 : vector<16xf32>
        %get3A_308 = arith.index_cast %scan3A_229 : i32 to index
        %get3A_309 = arith.constant 48 : index
        %get3A_310 = tpu.vector_load %arg13[%get3A_308, %get3A_309] {strides = array<i32>} : memref<64x128xf32, #tpu.memory_space<vmem>>, vector<16xf32>,
        %add3A_311 = arith.addf %add3A_307, %get3A_310 : vector<16xf32>
        %neg3A_312 = arith.constant 0.000000e+00 : f32
        %neg3A_313 = vector.broadcast %neg3A_312 : f32 to vector<16xf32>
        %neg3A_314 = arith.subf %neg3A_313, %add3A_311 : vector<16xf32>
        %exp3A_315 = math.exp %neg3A_314 : vector<16xf32>
        %add3A_316 = arith.constant 1.000000e+00 : f32
        %add3A_317 = vector.broadcast %add3A_316 : f32 to vector<16xf32>
        %add3A_318 = arith.addf %add3A_317, %exp3A_315 : vector<16xf32>
        %div3A_319 = arith.constant 1.000000e+00 : f32
        %div3A_320 = vector.broadcast %div3A_319 : f32 to vector<16xf32>
        %div3A_321 = arith.divf %div3A_320, %add3A_318 : vector<16xf32>
        %mul3A_322 = arith.mulf %add3A_311, %div3A_321 : vector<16xf32>
        %swap3A_323 = arith.index_cast %scan3A_229 : i32 to index
        %swap3A_324 = arith.constant 48 : index
        %swap3A_325 = tpu.vector_load %arg14[%swap3A_323, %swap3A_324] {strides = array<i32>} : memref<64x128xf32, #tpu.memory_space<vmem>>, vector<16xf32>,
        tpu.vector_store %arg14[%swap3A_323, %swap3A_324], %mul3A_322 {strides = array<i32>} : memref<64x128xf32, #tpu.memory_space<vmem>>, vector<16xf32>,
        %get3A_326 = arith.index_cast %scan3A_229 : i32 to index
        %get3A_327 = arith.constant 64 : index
        %get3A_328 = tpu.vector_load %arg11[%get3A_326, %get3A_327] {strides = array<i32>} : memref<64x128xf32, #tpu.memory_space<vmem>>, vector<16xf32>,
        %get3A_329 = arith.index_cast %scan3A_229 : i32 to index
        %get3A_330 = arith.constant 64 : index
        %get3A_331 = tpu.vector_load %arg12[%get3A_329, %get3A_330] {strides = array<i32>} : memref<64x128xf32, #tpu.memory_space<vmem>>, vector<16xf32>,
        %add3A_332 = arith.addf %get3A_328, %get3A_331 : vector<16xf32>
        %get3A_333 = arith.index_cast %scan3A_229 : i32 to index
        %get3A_334 = arith.constant 64 : index
        %get3A_335 = tpu.vector_load %arg13[%get3A_333, %get3A_334] {strides = array<i32>} : memref<64x128xf32, #tpu.memory_space<vmem>>, vector<16xf32>,
        %add3A_336 = arith.addf %add3A_332, %get3A_335 : vector<16xf32>
        %neg3A_337 = arith.constant 0.000000e+00 : f32
        %neg3A_338 = vector.broadcast %neg3A_337 : f32 to vector<16xf32>
        %neg3A_339 = arith.subf %neg3A_338, %add3A_336 : vector<16xf32>
        %exp3A_340 = math.exp %neg3A_339 : vector<16xf32>
        %add3A_341 = arith.constant 1.000000e+00 : f32
        %add3A_342 = vector.broadcast %add3A_341 : f32 to vector<16xf32>
        %add3A_343 = arith.addf %add3A_342, %exp3A_340 : vector<16xf32>
        %div3A_344 = arith.constant 1.000000e+00 : f32
        %div3A_345 = vector.broadcast %div3A_344 : f32 to vector<16xf32>
        %div3A_346 = arith.divf %div3A_345, %add3A_343 : vector<16xf32>
        %mul3A_347 = arith.mulf %add3A_336, %div3A_346 : vector<16xf32>
        %swap3A_348 = arith.index_cast %scan3A_229 : i32 to index
        %swap3A_349 = arith.constant 64 : index
        %swap3A_350 = tpu.vector_load %arg14[%swap3A_348, %swap3A_349] {strides = array<i32>} : memref<64x128xf32, #tpu.memory_space<vmem>>, vector<16xf32>,
        tpu.vector_store %arg14[%swap3A_348, %swap3A_349], %mul3A_347 {strides = array<i32>} : memref<64x128xf32, #tpu.memory_space<vmem>>, vector<16xf32>,
        %get3A_351 = arith.index_cast %scan3A_229 : i32 to index
        %get3A_352 = arith.constant 80 : index
        %get3A_353 = tpu.vector_load %arg11[%get3A_351, %get3A_352] {strides = array<i32>} : memref<64x128xf32, #tpu.memory_space<vmem>>, vector<16xf32>,
        %get3A_354 = arith.index_cast %scan3A_229 : i32 to index
        %get3A_355 = arith.constant 80 : index
        %get3A_356 = tpu.vector_load %arg12[%get3A_354, %get3A_355] {strides = array<i32>} : memref<64x128xf32, #tpu.memory_space<vmem>>, vector<16xf32>,
        %add3A_357 = arith.addf %get3A_353, %get3A_356 : vector<16xf32>
        %get3A_358 = arith.index_cast %scan3A_229 : i32 to index
        %get3A_359 = arith.constant 80 : index
        %get3A_360 = tpu.vector_load %arg13[%get3A_358, %get3A_359] {strides = array<i32>} : memref<64x128xf32, #tpu.memory_space<vmem>>, vector<16xf32>,
        %add3A_361 = arith.addf %add3A_357, %get3A_360 : vector<16xf32>
        %neg3A_362 = arith.constant 0.000000e+00 : f32
        %neg3A_363 = vector.broadcast %neg3A_362 : f32 to vector<16xf32>
        %neg3A_364 = arith.subf %neg3A_363, %add3A_361 : vector<16xf32>
        %exp3A_365 = math.exp %neg3A_364 : vector<16xf32>
        %add3A_366 = arith.constant 1.000000e+00 : f32
        %add3A_367 = vector.broadcast %add3A_366 : f32 to vector<16xf32>
        %add3A_368 = arith.addf %add3A_367, %exp3A_365 : vector<16xf32>
        %div3A_369 = arith.constant 1.000000e+00 : f32
        %div3A_370 = vector.broadcast %div3A_369 : f32 to vector<16xf32>
        %div3A_371 = arith.divf %div3A_370, %add3A_368 : vector<16xf32>
        %mul3A_372 = arith.mulf %add3A_361, %div3A_371 : vector<16xf32>
        %swap3A_373 = arith.index_cast %scan3A_229 : i32 to index
        %swap3A_374 = arith.constant 80 : index
        %swap3A_375 = tpu.vector_load %arg14[%swap3A_373, %swap3A_374] {strides = array<i32>} : memref<64x128xf32, #tpu.memory_space<vmem>>, vector<16xf32>,
        tpu.vector_store %arg14[%swap3A_373, %swap3A_374], %mul3A_372 {strides = array<i32>} : memref<64x128xf32, #tpu.memory_space<vmem>>, vector<16xf32>,
        %get3A_376 = arith.index_cast %scan3A_229 : i32 to index
        %get3A_377 = arith.constant 96 : index
        %get3A_378 = tpu.vector_load %arg11[%get3A_376, %get3A_377] {strides = array<i32>} : memref<64x128xf32, #tpu.memory_space<vmem>>, vector<16xf32>,
        %get3A_379 = arith.index_cast %scan3A_229 : i32 to index
        %get3A_380 = arith.constant 96 : index
        %get3A_381 = tpu.vector_load %arg12[%get3A_379, %get3A_380] {strides = array<i32>} : memref<64x128xf32, #tpu.memory_space<vmem>>, vector<16xf32>,
        %add3A_382 = arith.addf %get3A_378, %get3A_381 : vector<16xf32>
        %get3A_383 = arith.index_cast %scan3A_229 : i32 to index
        %get3A_384 = arith.constant 96 : index
        %get3A_385 = tpu.vector_load %arg13[%get3A_383, %get3A_384] {strides = array<i32>} : memref<64x128xf32, #tpu.memory_space<vmem>>, vector<16xf32>,
        %add3A_386 = arith.addf %add3A_382, %get3A_385 : vector<16xf32>
        %neg3A_387 = arith.constant 0.000000e+00 : f32
        %neg3A_388 = vector.broadcast %neg3A_387 : f32 to vector<16xf32>
        %neg3A_389 = arith.subf %neg3A_388, %add3A_386 : vector<16xf32>
        %exp3A_390 = math.exp %neg3A_389 : vector<16xf32>
        %add3A_391 = arith.constant 1.000000e+00 : f32
        %add3A_392 = vector.broadcast %add3A_391 : f32 to vector<16xf32>
        %add3A_393 = arith.addf %add3A_392, %exp3A_390 : vector<16xf32>
        %div3A_394 = arith.constant 1.000000e+00 : f32
        %div3A_395 = vector.broadcast %div3A_394 : f32 to vector<16xf32>
        %div3A_396 = arith.divf %div3A_395, %add3A_393 : vector<16xf32>
        %mul3A_397 = arith.mulf %add3A_386, %div3A_396 : vector<16xf32>
        %swap3A_398 = arith.index_cast %scan3A_229 : i32 to index
        %swap3A_399 = arith.constant 96 : index
        %swap3A_400 = tpu.vector_load %arg14[%swap3A_398, %swap3A_399] {strides = array<i32>} : memref<64x128xf32, #tpu.memory_space<vmem>>, vector<16xf32>,
        tpu.vector_store %arg14[%swap3A_398, %swap3A_399], %mul3A_397 {strides = array<i32>} : memref<64x128xf32, #tpu.memory_space<vmem>>, vector<16xf32>,
        %get3A_401 = arith.index_cast %scan3A_229 : i32 to index
        %get3A_402 = arith.constant 112 : index
        %get3A_403 = tpu.vector_load %arg11[%get3A_401, %get3A_402] {strides = array<i32>} : memref<64x128xf32, #tpu.memory_space<vmem>>, vector<16xf32>,
        %get3A_404 = arith.index_cast %scan3A_229 : i32 to index
        %get3A_405 = arith.constant 112 : index
        %get3A_406 = tpu.vector_load %arg12[%get3A_404, %get3A_405] {strides = array<i32>} : memref<64x128xf32, #tpu.memory_space<vmem>>, vector<16xf32>,
        %add3A_407 = arith.addf %get3A_403, %get3A_406 : vector<16xf32>
        %get3A_408 = arith.index_cast %scan3A_229 : i32 to index
        %get3A_409 = arith.constant 112 : index
        %get3A_410 = tpu.vector_load %arg13[%get3A_408, %get3A_409] {strides = array<i32>} : memref<64x128xf32, #tpu.memory_space<vmem>>, vector<16xf32>,
        %add3A_411 = arith.addf %add3A_407, %get3A_410 : vector<16xf32>
        %neg3A_412 = arith.constant 0.000000e+00 : f32
        %neg3A_413 = vector.broadcast %neg3A_412 : f32 to vector<16xf32>
        %neg3A_414 = arith.subf %neg3A_413, %add3A_411 : vector<16xf32>
        %exp3A_415 = math.exp %neg3A_414 : vector<16xf32>
        %add3A_416 = arith.constant 1.000000e+00 : f32
        %add3A_417 = vector.broadcast %add3A_416 : f32 to vector<16xf32>
        %add3A_418 = arith.addf %add3A_417, %exp3A_415 : vector<16xf32>
        %div3A_419 = arith.constant 1.000000e+00 : f32
        %div3A_420 = vector.broadcast %div3A_419 : f32 to vector<16xf32>
        %div3A_421 = arith.divf %div3A_420, %add3A_418 : vector<16xf32>
        %mul3A_422 = arith.mulf %add3A_411, %div3A_421 : vector<16xf32>
        %swap3A_423 = arith.index_cast %scan3A_229 : i32 to index
        %swap3A_424 = arith.constant 112 : index
        %swap3A_425 = tpu.vector_load %arg14[%swap3A_423, %swap3A_424] {strides = array<i32>} : memref<64x128xf32, #tpu.memory_space<vmem>>, vector<16xf32>,
        tpu.vector_store %arg14[%swap3A_423, %swap3A_424], %mul3A_422 {strides = array<i32>} : memref<64x128xf32, #tpu.memory_space<vmem>>, vector<16xf32>,
      }
      %scan3A_228 = arith.constant 64 : i32
      "tpu.region"() ({
        %run_scoped3A = tpu.sem_alloc : memref<!tpu.dma_semaphore, #tpu.memory_space<semaphore_mem>>
        %dma_start3A_229 = arith.constant 0 : i32
        %dma_start3A_230 = arith.constant 0 : i32
        %dma_start3A_231 = tpu.memref_slice %arg16[%dma_start3A_229, %dma_start3A_230] : memref<10240x128xf32, #tpu.memory_space<vmem_shared>> -> memref<10240x128xf32, #tpu.memory_space<vmem_shared>>
        tpu.enqueue_indirect_dma source(%arg14 : memref<64x128xf32, #tpu.memory_space<vmem>>) target(%dma_start3A_231 : memref<10240x128xf32, #tpu.memory_space<vmem_shared>>) offsets(%arg10 : memref<64xi32, #tpu.memory_space<vmem>>) semaphore(%run_scoped3A : memref<!tpu.dma_semaphore, #tpu.memory_space<semaphore_mem>>) {add = true}
        %dma_wait3A_232 = arith.constant 0 : i32
        %dma_wait3A_233 = arith.constant 0 : i32
        %dma_wait3A_234 = tpu.memref_slice %arg16[%dma_wait3A_232, %dma_wait3A_233] : memref<10240x128xf32, #tpu.memory_space<vmem_shared>> -> memref<10240x128xf32, #tpu.memory_space<vmem_shared>>
        tpu.wait_indirect_dma semaphore(%run_scoped3A : memref<!tpu.dma_semaphore, #tpu.memory_space<semaphore_mem>>) src(%arg14 : memref<64x128xf32, #tpu.memory_space<vmem>>) dst(%dma_wait3A_234 : memref<10240x128xf32, #tpu.memory_space<vmem_shared>>)
        tpu.yield
      }) : () -> ()
    }
    %scan3A_57 = arith.constant 157 : i32
    "tpu.region"() ({
      %run_scoped3A = tpu.sem_alloc : memref<!tpu.dma_semaphore, #tpu.memory_space<semaphore_mem>>
      %dma_start3A = arith.constant 0 : i32
      %dma_start3A_169 = tpu.memref_slice %arg8[%add3A, %dma_start3A] : memref<32x10240xf32, #tpu.memory_space<hbm>> -> memref<1x10240xf32, #tpu.memory_space<hbm>>
      %dma_start3A_170 = tpu.memref_squeeze %dma_start3A_169 : memref<1x10240xf32, #tpu.memory_space<hbm>> -> memref<10240xf32, #tpu.memory_space<hbm>>
      %dma_start3A_171 = arith.constant 0 : i32
      %dma_start3A_172 = tpu.memref_slice %arg8[%add3A, %dma_start3A_171] : memref<32x10240xf32, #tpu.memory_space<hbm>> -> memref<1x10240xf32, #tpu.memory_space<hbm>>
      %dma_start3A_173 = tpu.memref_squeeze %dma_start3A_172 : memref<1x10240xf32, #tpu.memory_space<hbm>> -> memref<10240xf32, #tpu.memory_space<hbm>>
      tpu.enqueue_dma source(%arg15 : memref<10240xf32, #tpu.memory_space<vmem>>) target(%dma_start3A_173 : memref<10240xf32, #tpu.memory_space<hbm>>) target_semaphore(%run_scoped3A : memref<!tpu.dma_semaphore, #tpu.memory_space<semaphore_mem>>)
      %dma_wait3A = arith.constant 0 : i32
      %dma_wait3A_174 = tpu.memref_slice %arg8[%add3A, %dma_wait3A] : memref<32x10240xf32, #tpu.memory_space<hbm>> -> memref<1x10240xf32, #tpu.memory_space<hbm>>
      %dma_wait3A_175 = tpu.memref_squeeze %dma_wait3A_174 : memref<1x10240xf32, #tpu.memory_space<hbm>> -> memref<10240xf32, #tpu.memory_space<hbm>>
      %dma_wait3A_176 = arith.constant 0 : i32
      %dma_wait3A_177 = tpu.memref_slice %arg8[%add3A, %dma_wait3A_176] : memref<32x10240xf32, #tpu.memory_space<hbm>> -> memref<1x10240xf32, #tpu.memory_space<hbm>>
      %dma_wait3A_178 = tpu.memref_squeeze %dma_wait3A_177 : memref<1x10240xf32, #tpu.memory_space<hbm>> -> memref<10240xf32, #tpu.memory_space<hbm>>
      tpu.wait_dma2 semaphore(%run_scoped3A : memref<!tpu.dma_semaphore, #tpu.memory_space<semaphore_mem>>) src(%arg15 : memref<10240xf32, #tpu.memory_space<vmem>>) dst(%dma_wait3A_178 : memref<10240xf32, #tpu.memory_space<hbm>>)
      tpu.yield
    }) : () -> ()
    %barrier3A_58 = arith.constant 0 : index
    tpu.barrier barrier_id(%barrier3A_58)
    %mul3A_59 = arith.constant 640 : i32
    %mul3A_60 = arith.muli %arg1, %mul3A_59 : i32
    %add3A_61 = arith.constant 0 : i32
    %add3A_62 = arith.addi %mul3A_60, %add3A_61 : i32
    %mul3A_63 = arith.constant 10240 : i32
    %mul3A_64 = arith.muli %arg0, %mul3A_63 : i32
    %mul3A_65 = arith.constant 640 : i32
    %mul3A_66 = arith.muli %arg1, %mul3A_65 : i32
    %add3A_67 = arith.addi %mul3A_64, %mul3A_66 : i32
    %add3A_68 = arith.constant 0 : i32
    %add3A_69 = arith.addi %add3A_67, %add3A_68 : i32
    "tpu.region"() ({
      %run_scoped3A = tpu.sem_alloc : memref<!tpu.dma_semaphore, #tpu.memory_space<semaphore_mem>>
      %dma_start3A = arith.constant 0 : i32
      %dma_start3A_169 = tpu.memref_slice %arg7[%add3A_69, %dma_start3A] : memref<20480x128xf32, #tpu.memory_space<hbm>> -> memref<64x128xf32, #tpu.memory_space<hbm>>
      %dma_start3A_170 = arith.constant 0 : i32
      %dma_start3A_171 = tpu.memref_slice %arg16[%add3A_62, %dma_start3A_170] : memref<10240x128xf32, #tpu.memory_space<vmem_shared>> -> memref<64x128xf32, #tpu.memory_space<vmem_shared>>
      tpu.enqueue_dma source(%dma_start3A_171 : memref<64x128xf32, #tpu.memory_space<vmem_shared>>) target(%dma_start3A_169 : memref<64x128xf32, #tpu.memory_space<hbm>>) target_semaphore(%run_scoped3A : memref<!tpu.dma_semaphore, #tpu.memory_space<semaphore_mem>>)
      %dma_wait3A = arith.constant 0 : i32
      %dma_wait3A_172 = tpu.memref_slice %arg7[%add3A_69, %dma_wait3A] : memref<20480x128xf32, #tpu.memory_space<hbm>> -> memref<64x128xf32, #tpu.memory_space<hbm>>
      %dma_wait3A_173 = arith.constant 0 : i32
      %dma_wait3A_174 = tpu.memref_slice %arg16[%add3A_62, %dma_wait3A_173] : memref<10240x128xf32, #tpu.memory_space<vmem_shared>> -> memref<64x128xf32, #tpu.memory_space<vmem_shared>>
      tpu.wait_dma2 semaphore(%run_scoped3A : memref<!tpu.dma_semaphore, #tpu.memory_space<semaphore_mem>>) src(%dma_wait3A_174 : memref<64x128xf32, #tpu.memory_space<vmem_shared>>) dst(%dma_wait3A_172 : memref<64x128xf32, #tpu.memory_space<hbm>>)
      tpu.yield
    }) : () -> ()
    %mul3A_70 = arith.constant 640 : i32
    %mul3A_71 = arith.muli %arg1, %mul3A_70 : i32
    %add3A_72 = arith.constant 64 : i32
    %add3A_73 = arith.addi %mul3A_71, %add3A_72 : i32
    %mul3A_74 = arith.constant 10240 : i32
    %mul3A_75 = arith.muli %arg0, %mul3A_74 : i32
    %mul3A_76 = arith.constant 640 : i32
    %mul3A_77 = arith.muli %arg1, %mul3A_76 : i32
    %add3A_78 = arith.addi %mul3A_75, %mul3A_77 : i32
    %add3A_79 = arith.constant 64 : i32
    %add3A_80 = arith.addi %add3A_78, %add3A_79 : i32
    "tpu.region"() ({
      %run_scoped3A = tpu.sem_alloc : memref<!tpu.dma_semaphore, #tpu.memory_space<semaphore_mem>>
      %dma_start3A = arith.constant 0 : i32
      %dma_start3A_169 = tpu.memref_slice %arg7[%add3A_80, %dma_start3A] : memref<20480x128xf32, #tpu.memory_space<hbm>> -> memref<64x128xf32, #tpu.memory_space<hbm>>
      %dma_start3A_170 = arith.constant 0 : i32
      %dma_start3A_171 = tpu.memref_slice %arg16[%add3A_73, %dma_start3A_170] : memref<10240x128xf32, #tpu.memory_space<vmem_shared>> -> memref<64x128xf32, #tpu.memory_space<vmem_shared>>
      tpu.enqueue_dma source(%dma_start3A_171 : memref<64x128xf32, #tpu.memory_space<vmem_shared>>) target(%dma_start3A_169 : memref<64x128xf32, #tpu.memory_space<hbm>>) target_semaphore(%run_scoped3A : memref<!tpu.dma_semaphore, #tpu.memory_space<semaphore_mem>>)
      %dma_wait3A = arith.constant 0 : i32
      %dma_wait3A_172 = tpu.memref_slice %arg7[%add3A_80, %dma_wait3A] : memref<20480x128xf32, #tpu.memory_space<hbm>> -> memref<64x128xf32, #tpu.memory_space<hbm>>
      %dma_wait3A_173 = arith.constant 0 : i32
      %dma_wait3A_174 = tpu.memref_slice %arg16[%add3A_73, %dma_wait3A_173] : memref<10240x128xf32, #tpu.memory_space<vmem_shared>> -> memref<64x128xf32, #tpu.memory_space<vmem_shared>>
      tpu.wait_dma2 semaphore(%run_scoped3A : memref<!tpu.dma_semaphore, #tpu.memory_space<semaphore_mem>>) src(%dma_wait3A_174 : memref<64x128xf32, #tpu.memory_space<vmem_shared>>) dst(%dma_wait3A_172 : memref<64x128xf32, #tpu.memory_space<hbm>>)
      tpu.yield
    }) : () -> ()
    %mul3A_81 = arith.constant 640 : i32
    %mul3A_82 = arith.muli %arg1, %mul3A_81 : i32
    %add3A_83 = arith.constant 128 : i32
    %add3A_84 = arith.addi %mul3A_82, %add3A_83 : i32
    %mul3A_85 = arith.constant 10240 : i32
    %mul3A_86 = arith.muli %arg0, %mul3A_85 : i32
    %mul3A_87 = arith.constant 640 : i32
    %mul3A_88 = arith.muli %arg1, %mul3A_87 : i32
    %add3A_89 = arith.addi %mul3A_86, %mul3A_88 : i32
    %add3A_90 = arith.constant 128 : i32
    %add3A_91 = arith.addi %add3A_89, %add3A_90 : i32
    "tpu.region"() ({
      %run_scoped3A = tpu.sem_alloc : memref<!tpu.dma_semaphore, #tpu.memory_space<semaphore_mem>>
      %dma_start3A = arith.constant 0 : i32
      %dma_start3A_169 = tpu.memref_slice %arg7[%add3A_91, %dma_start3A] : memref<20480x128xf32, #tpu.memory_space<hbm>> -> memref<64x128xf32, #tpu.memory_space<hbm>>
      %dma_start3A_170 = arith.constant 0 : i32
      %dma_start3A_171 = tpu.memref_slice %arg16[%add3A_84, %dma_start3A_170] : memref<10240x128xf32, #tpu.memory_space<vmem_shared>> -> memref<64x128xf32, #tpu.memory_space<vmem_shared>>
      tpu.enqueue_dma source(%dma_start3A_171 : memref<64x128xf32, #tpu.memory_space<vmem_shared>>) target(%dma_start3A_169 : memref<64x128xf32, #tpu.memory_space<hbm>>) target_semaphore(%run_scoped3A : memref<!tpu.dma_semaphore, #tpu.memory_space<semaphore_mem>>)
      %dma_wait3A = arith.constant 0 : i32
      %dma_wait3A_172 = tpu.memref_slice %arg7[%add3A_91, %dma_wait3A] : memref<20480x128xf32, #tpu.memory_space<hbm>> -> memref<64x128xf32, #tpu.memory_space<hbm>>
      %dma_wait3A_173 = arith.constant 0 : i32
      %dma_wait3A_174 = tpu.memref_slice %arg16[%add3A_84, %dma_wait3A_173] : memref<10240x128xf32, #tpu.memory_space<vmem_shared>> -> memref<64x128xf32, #tpu.memory_space<vmem_shared>>
      tpu.wait_dma2 semaphore(%run_scoped3A : memref<!tpu.dma_semaphore, #tpu.memory_space<semaphore_mem>>) src(%dma_wait3A_174 : memref<64x128xf32, #tpu.memory_space<vmem_shared>>) dst(%dma_wait3A_172 : memref<64x128xf32, #tpu.memory_space<hbm>>)
      tpu.yield
    }) : () -> ()
    %mul3A_92 = arith.constant 640 : i32
    %mul3A_93 = arith.muli %arg1, %mul3A_92 : i32
    %add3A_94 = arith.constant 192 : i32
    %add3A_95 = arith.addi %mul3A_93, %add3A_94 : i32
    %mul3A_96 = arith.constant 10240 : i32
    %mul3A_97 = arith.muli %arg0, %mul3A_96 : i32
    %mul3A_98 = arith.constant 640 : i32
    %mul3A_99 = arith.muli %arg1, %mul3A_98 : i32
    %add3A_100 = arith.addi %mul3A_97, %mul3A_99 : i32
    %add3A_101 = arith.constant 192 : i32
    %add3A_102 = arith.addi %add3A_100, %add3A_101 : i32
    "tpu.region"() ({
      %run_scoped3A = tpu.sem_alloc : memref<!tpu.dma_semaphore, #tpu.memory_space<semaphore_mem>>
      %dma_start3A = arith.constant 0 : i32
      %dma_start3A_169 = tpu.memref_slice %arg7[%add3A_102, %dma_start3A] : memref<20480x128xf32, #tpu.memory_space<hbm>> -> memref<64x128xf32, #tpu.memory_space<hbm>>
      %dma_start3A_170 = arith.constant 0 : i32
      %dma_start3A_171 = tpu.memref_slice %arg16[%add3A_95, %dma_start3A_170] : memref<10240x128xf32, #tpu.memory_space<vmem_shared>> -> memref<64x128xf32, #tpu.memory_space<vmem_shared>>
      tpu.enqueue_dma source(%dma_start3A_171 : memref<64x128xf32, #tpu.memory_space<vmem_shared>>) target(%dma_start3A_169 : memref<64x128xf32, #tpu.memory_space<hbm>>) target_semaphore(%run_scoped3A : memref<!tpu.dma_semaphore, #tpu.memory_space<semaphore_mem>>)
      %dma_wait3A = arith.constant 0 : i32
      %dma_wait3A_172 = tpu.memref_slice %arg7[%add3A_102, %dma_wait3A] : memref<20480x128xf32, #tpu.memory_space<hbm>> -> memref<64x128xf32, #tpu.memory_space<hbm>>
      %dma_wait3A_173 = arith.constant 0 : i32
      %dma_wait3A_174 = tpu.memref_slice %arg16[%add3A_95, %dma_wait3A_173] : memref<10240x128xf32, #tpu.memory_space<vmem_shared>> -> memref<64x128xf32, #tpu.memory_space<vmem_shared>>
      tpu.wait_dma2 semaphore(%run_scoped3A : memref<!tpu.dma_semaphore, #tpu.memory_space<semaphore_mem>>) src(%dma_wait3A_174 : memref<64x128xf32, #tpu.memory_space<vmem_shared>>) dst(%dma_wait3A_172 : memref<64x128xf32, #tpu.memory_space<hbm>>)
      tpu.yield
    }) : () -> ()
    %mul3A_103 = arith.constant 640 : i32
    %mul3A_104 = arith.muli %arg1, %mul3A_103 : i32
    %add3A_105 = arith.constant 256 : i32
    %add3A_106 = arith.addi %mul3A_104, %add3A_105 : i32
    %mul3A_107 = arith.constant 10240 : i32
    %mul3A_108 = arith.muli %arg0, %mul3A_107 : i32
    %mul3A_109 = arith.constant 640 : i32
    %mul3A_110 = arith.muli %arg1, %mul3A_109 : i32
    %add3A_111 = arith.addi %mul3A_108, %mul3A_110 : i32
    %add3A_112 = arith.constant 256 : i32
    %add3A_113 = arith.addi %add3A_111, %add3A_112 : i32
    "tpu.region"() ({
      %run_scoped3A = tpu.sem_alloc : memref<!tpu.dma_semaphore, #tpu.memory_space<semaphore_mem>>
      %dma_start3A = arith.constant 0 : i32
      %dma_start3A_169 = tpu.memref_slice %arg7[%add3A_113, %dma_start3A] : memref<20480x128xf32, #tpu.memory_space<hbm>> -> memref<64x128xf32, #tpu.memory_space<hbm>>
      %dma_start3A_170 = arith.constant 0 : i32
      %dma_start3A_171 = tpu.memref_slice %arg16[%add3A_106, %dma_start3A_170] : memref<10240x128xf32, #tpu.memory_space<vmem_shared>> -> memref<64x128xf32, #tpu.memory_space<vmem_shared>>
      tpu.enqueue_dma source(%dma_start3A_171 : memref<64x128xf32, #tpu.memory_space<vmem_shared>>) target(%dma_start3A_169 : memref<64x128xf32, #tpu.memory_space<hbm>>) target_semaphore(%run_scoped3A : memref<!tpu.dma_semaphore, #tpu.memory_space<semaphore_mem>>)
      %dma_wait3A = arith.constant 0 : i32
      %dma_wait3A_172 = tpu.memref_slice %arg7[%add3A_113, %dma_wait3A] : memref<20480x128xf32, #tpu.memory_space<hbm>> -> memref<64x128xf32, #tpu.memory_space<hbm>>
      %dma_wait3A_173 = arith.constant 0 : i32
      %dma_wait3A_174 = tpu.memref_slice %arg16[%add3A_106, %dma_wait3A_173] : memref<10240x128xf32, #tpu.memory_space<vmem_shared>> -> memref<64x128xf32, #tpu.memory_space<vmem_shared>>
      tpu.wait_dma2 semaphore(%run_scoped3A : memref<!tpu.dma_semaphore, #tpu.memory_space<semaphore_mem>>) src(%dma_wait3A_174 : memref<64x128xf32, #tpu.memory_space<vmem_shared>>) dst(%dma_wait3A_172 : memref<64x128xf32, #tpu.memory_space<hbm>>)
      tpu.yield
    }) : () -> ()
    %mul3A_114 = arith.constant 640 : i32
    %mul3A_115 = arith.muli %arg1, %mul3A_114 : i32
    %add3A_116 = arith.constant 320 : i32
    %add3A_117 = arith.addi %mul3A_115, %add3A_116 : i32
    %mul3A_118 = arith.constant 10240 : i32
    %mul3A_119 = arith.muli %arg0, %mul3A_118 : i32
    %mul3A_120 = arith.constant 640 : i32
    %mul3A_121 = arith.muli %arg1, %mul3A_120 : i32
    %add3A_122 = arith.addi %mul3A_119, %mul3A_121 : i32
    %add3A_123 = arith.constant 320 : i32
    %add3A_124 = arith.addi %add3A_122, %add3A_123 : i32
    "tpu.region"() ({
      %run_scoped3A = tpu.sem_alloc : memref<!tpu.dma_semaphore, #tpu.memory_space<semaphore_mem>>
      %dma_start3A = arith.constant 0 : i32
      %dma_start3A_169 = tpu.memref_slice %arg7[%add3A_124, %dma_start3A] : memref<20480x128xf32, #tpu.memory_space<hbm>> -> memref<64x128xf32, #tpu.memory_space<hbm>>
      %dma_start3A_170 = arith.constant 0 : i32
      %dma_start3A_171 = tpu.memref_slice %arg16[%add3A_117, %dma_start3A_170] : memref<10240x128xf32, #tpu.memory_space<vmem_shared>> -> memref<64x128xf32, #tpu.memory_space<vmem_shared>>
      tpu.enqueue_dma source(%dma_start3A_171 : memref<64x128xf32, #tpu.memory_space<vmem_shared>>) target(%dma_start3A_169 : memref<64x128xf32, #tpu.memory_space<hbm>>) target_semaphore(%run_scoped3A : memref<!tpu.dma_semaphore, #tpu.memory_space<semaphore_mem>>)
      %dma_wait3A = arith.constant 0 : i32
      %dma_wait3A_172 = tpu.memref_slice %arg7[%add3A_124, %dma_wait3A] : memref<20480x128xf32, #tpu.memory_space<hbm>> -> memref<64x128xf32, #tpu.memory_space<hbm>>
      %dma_wait3A_173 = arith.constant 0 : i32
      %dma_wait3A_174 = tpu.memref_slice %arg16[%add3A_117, %dma_wait3A_173] : memref<10240x128xf32, #tpu.memory_space<vmem_shared>> -> memref<64x128xf32, #tpu.memory_space<vmem_shared>>
      tpu.wait_dma2 semaphore(%run_scoped3A : memref<!tpu.dma_semaphore, #tpu.memory_space<semaphore_mem>>) src(%dma_wait3A_174 : memref<64x128xf32, #tpu.memory_space<vmem_shared>>) dst(%dma_wait3A_172 : memref<64x128xf32, #tpu.memory_space<hbm>>)
      tpu.yield
    }) : () -> ()
    %mul3A_125 = arith.constant 640 : i32
    %mul3A_126 = arith.muli %arg1, %mul3A_125 : i32
    %add3A_127 = arith.constant 384 : i32
    %add3A_128 = arith.addi %mul3A_126, %add3A_127 : i32
    %mul3A_129 = arith.constant 10240 : i32
    %mul3A_130 = arith.muli %arg0, %mul3A_129 : i32
    %mul3A_131 = arith.constant 640 : i32
    %mul3A_132 = arith.muli %arg1, %mul3A_131 : i32
    %add3A_133 = arith.addi %mul3A_130, %mul3A_132 : i32
    %add3A_134 = arith.constant 384 : i32
    %add3A_135 = arith.addi %add3A_133, %add3A_134 : i32
    "tpu.region"() ({
      %run_scoped3A = tpu.sem_alloc : memref<!tpu.dma_semaphore, #tpu.memory_space<semaphore_mem>>
      %dma_start3A = arith.constant 0 : i32
      %dma_start3A_169 = tpu.memref_slice %arg7[%add3A_135, %dma_start3A] : memref<20480x128xf32, #tpu.memory_space<hbm>> -> memref<64x128xf32, #tpu.memory_space<hbm>>
      %dma_start3A_170 = arith.constant 0 : i32
      %dma_start3A_171 = tpu.memref_slice %arg16[%add3A_128, %dma_start3A_170] : memref<10240x128xf32, #tpu.memory_space<vmem_shared>> -> memref<64x128xf32, #tpu.memory_space<vmem_shared>>
      tpu.enqueue_dma source(%dma_start3A_171 : memref<64x128xf32, #tpu.memory_space<vmem_shared>>) target(%dma_start3A_169 : memref<64x128xf32, #tpu.memory_space<hbm>>) target_semaphore(%run_scoped3A : memref<!tpu.dma_semaphore, #tpu.memory_space<semaphore_mem>>)
      %dma_wait3A = arith.constant 0 : i32
      %dma_wait3A_172 = tpu.memref_slice %arg7[%add3A_135, %dma_wait3A] : memref<20480x128xf32, #tpu.memory_space<hbm>> -> memref<64x128xf32, #tpu.memory_space<hbm>>
      %dma_wait3A_173 = arith.constant 0 : i32
      %dma_wait3A_174 = tpu.memref_slice %arg16[%add3A_128, %dma_wait3A_173] : memref<10240x128xf32, #tpu.memory_space<vmem_shared>> -> memref<64x128xf32, #tpu.memory_space<vmem_shared>>
      tpu.wait_dma2 semaphore(%run_scoped3A : memref<!tpu.dma_semaphore, #tpu.memory_space<semaphore_mem>>) src(%dma_wait3A_174 : memref<64x128xf32, #tpu.memory_space<vmem_shared>>) dst(%dma_wait3A_172 : memref<64x128xf32, #tpu.memory_space<hbm>>)
      tpu.yield
    }) : () -> ()
    %mul3A_136 = arith.constant 640 : i32
    %mul3A_137 = arith.muli %arg1, %mul3A_136 : i32
    %add3A_138 = arith.constant 448 : i32
    %add3A_139 = arith.addi %mul3A_137, %add3A_138 : i32
    %mul3A_140 = arith.constant 10240 : i32
    %mul3A_141 = arith.muli %arg0, %mul3A_140 : i32
    %mul3A_142 = arith.constant 640 : i32
    %mul3A_143 = arith.muli %arg1, %mul3A_142 : i32
    %add3A_144 = arith.addi %mul3A_141, %mul3A_143 : i32
    %add3A_145 = arith.constant 448 : i32
    %add3A_146 = arith.addi %add3A_144, %add3A_145 : i32
    "tpu.region"() ({
      %run_scoped3A = tpu.sem_alloc : memref<!tpu.dma_semaphore, #tpu.memory_space<semaphore_mem>>
      %dma_start3A = arith.constant 0 : i32
      %dma_start3A_169 = tpu.memref_slice %arg7[%add3A_146, %dma_start3A] : memref<20480x128xf32, #tpu.memory_space<hbm>> -> memref<64x128xf32, #tpu.memory_space<hbm>>
      %dma_start3A_170 = arith.constant 0 : i32
      %dma_start3A_171 = tpu.memref_slice %arg16[%add3A_139, %dma_start3A_170] : memref<10240x128xf32, #tpu.memory_space<vmem_shared>> -> memref<64x128xf32, #tpu.memory_space<vmem_shared>>
      tpu.enqueue_dma source(%dma_start3A_171 : memref<64x128xf32, #tpu.memory_space<vmem_shared>>) target(%dma_start3A_169 : memref<64x128xf32, #tpu.memory_space<hbm>>) target_semaphore(%run_scoped3A : memref<!tpu.dma_semaphore, #tpu.memory_space<semaphore_mem>>)
      %dma_wait3A = arith.constant 0 : i32
      %dma_wait3A_172 = tpu.memref_slice %arg7[%add3A_146, %dma_wait3A] : memref<20480x128xf32, #tpu.memory_space<hbm>> -> memref<64x128xf32, #tpu.memory_space<hbm>>
      %dma_wait3A_173 = arith.constant 0 : i32
      %dma_wait3A_174 = tpu.memref_slice %arg16[%add3A_139, %dma_wait3A_173] : memref<10240x128xf32, #tpu.memory_space<vmem_shared>> -> memref<64x128xf32, #tpu.memory_space<vmem_shared>>
      tpu.wait_dma2 semaphore(%run_scoped3A : memref<!tpu.dma_semaphore, #tpu.memory_space<semaphore_mem>>) src(%dma_wait3A_174 : memref<64x128xf32, #tpu.memory_space<vmem_shared>>) dst(%dma_wait3A_172 : memref<64x128xf32, #tpu.memory_space<hbm>>)
      tpu.yield
    }) : () -> ()
    %mul3A_147 = arith.constant 640 : i32
    %mul3A_148 = arith.muli %arg1, %mul3A_147 : i32
    %add3A_149 = arith.constant 512 : i32
    %add3A_150 = arith.addi %mul3A_148, %add3A_149 : i32
    %mul3A_151 = arith.constant 10240 : i32
    %mul3A_152 = arith.muli %arg0, %mul3A_151 : i32
    %mul3A_153 = arith.constant 640 : i32
    %mul3A_154 = arith.muli %arg1, %mul3A_153 : i32
    %add3A_155 = arith.addi %mul3A_152, %mul3A_154 : i32
    %add3A_156 = arith.constant 512 : i32
    %add3A_157 = arith.addi %add3A_155, %add3A_156 : i32
    "tpu.region"() ({
      %run_scoped3A = tpu.sem_alloc : memref<!tpu.dma_semaphore, #tpu.memory_space<semaphore_mem>>
      %dma_start3A = arith.constant 0 : i32
      %dma_start3A_169 = tpu.memref_slice %arg7[%add3A_157, %dma_start3A] : memref<20480x128xf32, #tpu.memory_space<hbm>> -> memref<64x128xf32, #tpu.memory_space<hbm>>
      %dma_start3A_170 = arith.constant 0 : i32
      %dma_start3A_171 = tpu.memref_slice %arg16[%add3A_150, %dma_start3A_170] : memref<10240x128xf32, #tpu.memory_space<vmem_shared>> -> memref<64x128xf32, #tpu.memory_space<vmem_shared>>
      tpu.enqueue_dma source(%dma_start3A_171 : memref<64x128xf32, #tpu.memory_space<vmem_shared>>) target(%dma_start3A_169 : memref<64x128xf32, #tpu.memory_space<hbm>>) target_semaphore(%run_scoped3A : memref<!tpu.dma_semaphore, #tpu.memory_space<semaphore_mem>>)
      %dma_wait3A = arith.constant 0 : i32
      %dma_wait3A_172 = tpu.memref_slice %arg7[%add3A_157, %dma_wait3A] : memref<20480x128xf32, #tpu.memory_space<hbm>> -> memref<64x128xf32, #tpu.memory_space<hbm>>
      %dma_wait3A_173 = arith.constant 0 : i32
      %dma_wait3A_174 = tpu.memref_slice %arg16[%add3A_150, %dma_wait3A_173] : memref<10240x128xf32, #tpu.memory_space<vmem_shared>> -> memref<64x128xf32, #tpu.memory_space<vmem_shared>>
      tpu.wait_dma2 semaphore(%run_scoped3A : memref<!tpu.dma_semaphore, #tpu.memory_space<semaphore_mem>>) src(%dma_wait3A_174 : memref<64x128xf32, #tpu.memory_space<vmem_shared>>) dst(%dma_wait3A_172 : memref<64x128xf32, #tpu.memory_space<hbm>>)
      tpu.yield
    }) : () -> ()
    %mul3A_158 = arith.constant 640 : i32
    %mul3A_159 = arith.muli %arg1, %mul3A_158 : i32
    %add3A_160 = arith.constant 576 : i32
    %add3A_161 = arith.addi %mul3A_159, %add3A_160 : i32
    %mul3A_162 = arith.constant 10240 : i32
    %mul3A_163 = arith.muli %arg0, %mul3A_162 : i32
    %mul3A_164 = arith.constant 640 : i32
    %mul3A_165 = arith.muli %arg1, %mul3A_164 : i32
    %add3A_166 = arith.addi %mul3A_163, %mul3A_165 : i32
    %add3A_167 = arith.constant 576 : i32
    %add3A_168 = arith.addi %add3A_166, %add3A_167 : i32
    "tpu.region"() ({
      %run_scoped3A = tpu.sem_alloc : memref<!tpu.dma_semaphore, #tpu.memory_space<semaphore_mem>>
      %dma_start3A = arith.constant 0 : i32
      %dma_start3A_169 = tpu.memref_slice %arg7[%add3A_168, %dma_start3A] : memref<20480x128xf32, #tpu.memory_space<hbm>> -> memref<64x128xf32, #tpu.memory_space<hbm>>
      %dma_start3A_170 = arith.constant 0 : i32
      %dma_start3A_171 = tpu.memref_slice %arg16[%add3A_161, %dma_start3A_170] : memref<10240x128xf32, #tpu.memory_space<vmem_shared>> -> memref<64x128xf32, #tpu.memory_space<vmem_shared>>
      tpu.enqueue_dma source(%dma_start3A_171 : memref<64x128xf32, #tpu.memory_space<vmem_shared>>) target(%dma_start3A_169 : memref<64x128xf32, #tpu.memory_space<hbm>>) target_semaphore(%run_scoped3A : memref<!tpu.dma_semaphore, #tpu.memory_space<semaphore_mem>>)
      %dma_wait3A = arith.constant 0 : i32
      %dma_wait3A_172 = tpu.memref_slice %arg7[%add3A_168, %dma_wait3A] : memref<20480x128xf32, #tpu.memory_space<hbm>> -> memref<64x128xf32, #tpu.memory_space<hbm>>
      %dma_wait3A_173 = arith.constant 0 : i32
      %dma_wait3A_174 = tpu.memref_slice %arg16[%add3A_161, %dma_wait3A_173] : memref<10240x128xf32, #tpu.memory_space<vmem_shared>> -> memref<64x128xf32, #tpu.memory_space<vmem_shared>>
      tpu.wait_dma2 semaphore(%run_scoped3A : memref<!tpu.dma_semaphore, #tpu.memory_space<semaphore_mem>>) src(%dma_wait3A_174 : memref<64x128xf32, #tpu.memory_space<vmem_shared>>) dst(%dma_wait3A_172 : memref<64x128xf32, #tpu.memory_space<hbm>>)
      tpu.yield
    }) : () -> ()
    return
  }
}

#map = affine_map<(d0, d1) -> (0, 0)>
#map1 = affine_map<(d0, d1) -> (0)>
module attributes {stable_mosaic.version = 14 : i64} {
  func.func @sc_edge(%arg0: i32, %arg1: i32, %arg2: memref<10240x128xf32, #tpu.memory_space<hbm>>, %arg3: memref<10240x128xf32, #tpu.memory_space<hbm>>, %arg4: memref<321536x128xf32, #tpu.memory_space<hbm>>, %arg5: memref<321536xi32, #tpu.memory_space<hbm>>, %arg6: memref<321536xi32, #tpu.memory_space<hbm>>, %arg7: memref<20480x128xf32, #tpu.memory_space<hbm>>, %arg8: memref<32x10240xf32, #tpu.memory_space<hbm>>, %arg9: memref<64xi32, #tpu.memory_space<vmem>>, %arg10: memref<64xi32, #tpu.memory_space<vmem>>, %arg11: memref<64x128xf32, #tpu.memory_space<vmem>>, %arg12: memref<64x128xf32, #tpu.memory_space<vmem>>, %arg13: memref<64x128xf32, #tpu.memory_space<vmem>>, %arg14: memref<64x128xf32, #tpu.memory_space<vmem>>, %arg15: memref<10240xf32, #tpu.memory_space<vmem>>, %arg16: memref<10240x128xf32, #tpu.memory_space<vmem_shared>>, %arg17: memref<!tpu.dma_semaphore, #tpu.memory_space<semaphore_mem>>, %arg18: memref<!tpu.dma_semaphore, #tpu.memory_space<semaphore_mem>>) attributes {dimension_semantics = [#tpu.dimension_semantics<core_parallel>, #tpu.dimension_semantics<subcore_parallel>], iteration_bounds = array<i64: 2, 16>, scalar_prefetch = 0 : i64, scratch_operands = 10 : i64, tpu.core_type = #tpu.core_type<sc_vector_subcore>, window_params = [{transform_indices = #map}, {transform_indices = #map}, {transform_indices = #map}, {transform_indices = #map1}, {transform_indices = #map1}, {transform_indices = #map}, {transform_indices = #map}]} {
    %mul3A = arith.constant 2 : i32
    %mul3A_0 = arith.muli %arg1, %mul3A : i32
    %add3A = arith.addi %mul3A_0, %arg0 : i32
    %mul3A_1 = arith.constant 10048 : i32
    %mul3A_2 = arith.muli %add3A, %mul3A_1 : i32
    %broadcast_in_dim3A = arith.constant 0.000000e+00 : f32
    %broadcast_in_dim3A_3 = vector.broadcast %broadcast_in_dim3A : f32 to vector<16xf32>
    %scan3A = arith.constant 0 : i32
    %scan3A_4 = arith.constant 64 : i32
    %scan3A_5 = arith.addi %scan3A, %scan3A_4 : i32
    %scan3A_6 = arith.constant 1 : i32
    scf.for %scan3A_164 = %scan3A to %scan3A_5 step %scan3A_6  : i32 {
      %swap3A = arith.index_cast %scan3A_164 : i32 to index
      %swap3A_165 = arith.constant 0 : index
      %swap3A_166 = tpu.vector_load %arg14[%swap3A, %swap3A_165] {strides = array<i32>} : memref<64x128xf32, #tpu.memory_space<vmem>>, vector<16xf32>,
      tpu.vector_store %arg14[%swap3A, %swap3A_165], %broadcast_in_dim3A_3 {strides = array<i32>} : memref<64x128xf32, #tpu.memory_space<vmem>>, vector<16xf32>,
      %swap3A_167 = arith.index_cast %scan3A_164 : i32 to index
      %swap3A_168 = arith.constant 16 : index
      %swap3A_169 = tpu.vector_load %arg14[%swap3A_167, %swap3A_168] {strides = array<i32>} : memref<64x128xf32, #tpu.memory_space<vmem>>, vector<16xf32>,
      tpu.vector_store %arg14[%swap3A_167, %swap3A_168], %broadcast_in_dim3A_3 {strides = array<i32>} : memref<64x128xf32, #tpu.memory_space<vmem>>, vector<16xf32>,
      %swap3A_170 = arith.index_cast %scan3A_164 : i32 to index
      %swap3A_171 = arith.constant 32 : index
      %swap3A_172 = tpu.vector_load %arg14[%swap3A_170, %swap3A_171] {strides = array<i32>} : memref<64x128xf32, #tpu.memory_space<vmem>>, vector<16xf32>,
      tpu.vector_store %arg14[%swap3A_170, %swap3A_171], %broadcast_in_dim3A_3 {strides = array<i32>} : memref<64x128xf32, #tpu.memory_space<vmem>>, vector<16xf32>,
      %swap3A_173 = arith.index_cast %scan3A_164 : i32 to index
      %swap3A_174 = arith.constant 48 : index
      %swap3A_175 = tpu.vector_load %arg14[%swap3A_173, %swap3A_174] {strides = array<i32>} : memref<64x128xf32, #tpu.memory_space<vmem>>, vector<16xf32>,
      tpu.vector_store %arg14[%swap3A_173, %swap3A_174], %broadcast_in_dim3A_3 {strides = array<i32>} : memref<64x128xf32, #tpu.memory_space<vmem>>, vector<16xf32>,
      %swap3A_176 = arith.index_cast %scan3A_164 : i32 to index
      %swap3A_177 = arith.constant 64 : index
      %swap3A_178 = tpu.vector_load %arg14[%swap3A_176, %swap3A_177] {strides = array<i32>} : memref<64x128xf32, #tpu.memory_space<vmem>>, vector<16xf32>,
      tpu.vector_store %arg14[%swap3A_176, %swap3A_177], %broadcast_in_dim3A_3 {strides = array<i32>} : memref<64x128xf32, #tpu.memory_space<vmem>>, vector<16xf32>,
      %swap3A_179 = arith.index_cast %scan3A_164 : i32 to index
      %swap3A_180 = arith.constant 80 : index
      %swap3A_181 = tpu.vector_load %arg14[%swap3A_179, %swap3A_180] {strides = array<i32>} : memref<64x128xf32, #tpu.memory_space<vmem>>, vector<16xf32>,
      tpu.vector_store %arg14[%swap3A_179, %swap3A_180], %broadcast_in_dim3A_3 {strides = array<i32>} : memref<64x128xf32, #tpu.memory_space<vmem>>, vector<16xf32>,
      %swap3A_182 = arith.index_cast %scan3A_164 : i32 to index
      %swap3A_183 = arith.constant 96 : index
      %swap3A_184 = tpu.vector_load %arg14[%swap3A_182, %swap3A_183] {strides = array<i32>} : memref<64x128xf32, #tpu.memory_space<vmem>>, vector<16xf32>,
      tpu.vector_store %arg14[%swap3A_182, %swap3A_183], %broadcast_in_dim3A_3 {strides = array<i32>} : memref<64x128xf32, #tpu.memory_space<vmem>>, vector<16xf32>,
      %swap3A_185 = arith.index_cast %scan3A_164 : i32 to index
      %swap3A_186 = arith.constant 112 : index
      %swap3A_187 = tpu.vector_load %arg14[%swap3A_185, %swap3A_186] {strides = array<i32>} : memref<64x128xf32, #tpu.memory_space<vmem>>, vector<16xf32>,
      tpu.vector_store %arg14[%swap3A_185, %swap3A_186], %broadcast_in_dim3A_3 {strides = array<i32>} : memref<64x128xf32, #tpu.memory_space<vmem>>, vector<16xf32>,
    }
    %scan3A_7 = arith.constant 64 : i32
    %mul3A_8 = arith.constant 640 : i32
    %mul3A_9 = arith.muli %arg1, %mul3A_8 : i32
    %add3A_10 = arith.constant 0 : i32
    %add3A_11 = arith.addi %mul3A_9, %add3A_10 : i32
    "tpu.region"() ({
      %run_scoped3A = tpu.sem_alloc : memref<!tpu.dma_semaphore, #tpu.memory_space<semaphore_mem>>
      %dma_start3A = arith.constant 0 : i32
      %dma_start3A_164 = tpu.memref_slice %arg16[%add3A_11, %dma_start3A] : memref<10240x128xf32, #tpu.memory_space<vmem_shared>> -> memref<64x128xf32, #tpu.memory_space<vmem_shared>>
      %dma_start3A_165 = arith.constant 0 : i32
      %dma_start3A_166 = tpu.memref_slice %arg16[%add3A_11, %dma_start3A_165] : memref<10240x128xf32, #tpu.memory_space<vmem_shared>> -> memref<64x128xf32, #tpu.memory_space<vmem_shared>>
      tpu.enqueue_dma source(%arg14 : memref<64x128xf32, #tpu.memory_space<vmem>>) target(%dma_start3A_166 : memref<64x128xf32, #tpu.memory_space<vmem_shared>>) target_semaphore(%run_scoped3A : memref<!tpu.dma_semaphore, #tpu.memory_space<semaphore_mem>>)
      %dma_wait3A = arith.constant 0 : i32
      %dma_wait3A_167 = tpu.memref_slice %arg16[%add3A_11, %dma_wait3A] : memref<10240x128xf32, #tpu.memory_space<vmem_shared>> -> memref<64x128xf32, #tpu.memory_space<vmem_shared>>
      %dma_wait3A_168 = arith.constant 0 : i32
      %dma_wait3A_169 = tpu.memref_slice %arg16[%add3A_11, %dma_wait3A_168] : memref<10240x128xf32, #tpu.memory_space<vmem_shared>> -> memref<64x128xf32, #tpu.memory_space<vmem_shared>>
      tpu.wait_dma2 semaphore(%run_scoped3A : memref<!tpu.dma_semaphore, #tpu.memory_space<semaphore_mem>>) src(%arg14 : memref<64x128xf32, #tpu.memory_space<vmem>>) dst(%dma_wait3A_169 : memref<64x128xf32, #tpu.memory_space<vmem_shared>>)
      tpu.yield
    }) : () -> ()
    %mul3A_12 = arith.constant 640 : i32
    %mul3A_13 = arith.muli %arg1, %mul3A_12 : i32
    %add3A_14 = arith.constant 64 : i32
    %add3A_15 = arith.addi %mul3A_13, %add3A_14 : i32
    "tpu.region"() ({
      %run_scoped3A = tpu.sem_alloc : memref<!tpu.dma_semaphore, #tpu.memory_space<semaphore_mem>>
      %dma_start3A = arith.constant 0 : i32
      %dma_start3A_164 = tpu.memref_slice %arg16[%add3A_15, %dma_start3A] : memref<10240x128xf32, #tpu.memory_space<vmem_shared>> -> memref<64x128xf32, #tpu.memory_space<vmem_shared>>
      %dma_start3A_165 = arith.constant 0 : i32
      %dma_start3A_166 = tpu.memref_slice %arg16[%add3A_15, %dma_start3A_165] : memref<10240x128xf32, #tpu.memory_space<vmem_shared>> -> memref<64x128xf32, #tpu.memory_space<vmem_shared>>
      tpu.enqueue_dma source(%arg14 : memref<64x128xf32, #tpu.memory_space<vmem>>) target(%dma_start3A_166 : memref<64x128xf32, #tpu.memory_space<vmem_shared>>) target_semaphore(%run_scoped3A : memref<!tpu.dma_semaphore, #tpu.memory_space<semaphore_mem>>)
      %dma_wait3A = arith.constant 0 : i32
      %dma_wait3A_167 = tpu.memref_slice %arg16[%add3A_15, %dma_wait3A] : memref<10240x128xf32, #tpu.memory_space<vmem_shared>> -> memref<64x128xf32, #tpu.memory_space<vmem_shared>>
      %dma_wait3A_168 = arith.constant 0 : i32
      %dma_wait3A_169 = tpu.memref_slice %arg16[%add3A_15, %dma_wait3A_168] : memref<10240x128xf32, #tpu.memory_space<vmem_shared>> -> memref<64x128xf32, #tpu.memory_space<vmem_shared>>
      tpu.wait_dma2 semaphore(%run_scoped3A : memref<!tpu.dma_semaphore, #tpu.memory_space<semaphore_mem>>) src(%arg14 : memref<64x128xf32, #tpu.memory_space<vmem>>) dst(%dma_wait3A_169 : memref<64x128xf32, #tpu.memory_space<vmem_shared>>)
      tpu.yield
    }) : () -> ()
    %mul3A_16 = arith.constant 640 : i32
    %mul3A_17 = arith.muli %arg1, %mul3A_16 : i32
    %add3A_18 = arith.constant 128 : i32
    %add3A_19 = arith.addi %mul3A_17, %add3A_18 : i32
    "tpu.region"() ({
      %run_scoped3A = tpu.sem_alloc : memref<!tpu.dma_semaphore, #tpu.memory_space<semaphore_mem>>
      %dma_start3A = arith.constant 0 : i32
      %dma_start3A_164 = tpu.memref_slice %arg16[%add3A_19, %dma_start3A] : memref<10240x128xf32, #tpu.memory_space<vmem_shared>> -> memref<64x128xf32, #tpu.memory_space<vmem_shared>>
      %dma_start3A_165 = arith.constant 0 : i32
      %dma_start3A_166 = tpu.memref_slice %arg16[%add3A_19, %dma_start3A_165] : memref<10240x128xf32, #tpu.memory_space<vmem_shared>> -> memref<64x128xf32, #tpu.memory_space<vmem_shared>>
      tpu.enqueue_dma source(%arg14 : memref<64x128xf32, #tpu.memory_space<vmem>>) target(%dma_start3A_166 : memref<64x128xf32, #tpu.memory_space<vmem_shared>>) target_semaphore(%run_scoped3A : memref<!tpu.dma_semaphore, #tpu.memory_space<semaphore_mem>>)
      %dma_wait3A = arith.constant 0 : i32
      %dma_wait3A_167 = tpu.memref_slice %arg16[%add3A_19, %dma_wait3A] : memref<10240x128xf32, #tpu.memory_space<vmem_shared>> -> memref<64x128xf32, #tpu.memory_space<vmem_shared>>
      %dma_wait3A_168 = arith.constant 0 : i32
      %dma_wait3A_169 = tpu.memref_slice %arg16[%add3A_19, %dma_wait3A_168] : memref<10240x128xf32, #tpu.memory_space<vmem_shared>> -> memref<64x128xf32, #tpu.memory_space<vmem_shared>>
      tpu.wait_dma2 semaphore(%run_scoped3A : memref<!tpu.dma_semaphore, #tpu.memory_space<semaphore_mem>>) src(%arg14 : memref<64x128xf32, #tpu.memory_space<vmem>>) dst(%dma_wait3A_169 : memref<64x128xf32, #tpu.memory_space<vmem_shared>>)
      tpu.yield
    }) : () -> ()
    %mul3A_20 = arith.constant 640 : i32
    %mul3A_21 = arith.muli %arg1, %mul3A_20 : i32
    %add3A_22 = arith.constant 192 : i32
    %add3A_23 = arith.addi %mul3A_21, %add3A_22 : i32
    "tpu.region"() ({
      %run_scoped3A = tpu.sem_alloc : memref<!tpu.dma_semaphore, #tpu.memory_space<semaphore_mem>>
      %dma_start3A = arith.constant 0 : i32
      %dma_start3A_164 = tpu.memref_slice %arg16[%add3A_23, %dma_start3A] : memref<10240x128xf32, #tpu.memory_space<vmem_shared>> -> memref<64x128xf32, #tpu.memory_space<vmem_shared>>
      %dma_start3A_165 = arith.constant 0 : i32
      %dma_start3A_166 = tpu.memref_slice %arg16[%add3A_23, %dma_start3A_165] : memref<10240x128xf32, #tpu.memory_space<vmem_shared>> -> memref<64x128xf32, #tpu.memory_space<vmem_shared>>
      tpu.enqueue_dma source(%arg14 : memref<64x128xf32, #tpu.memory_space<vmem>>) target(%dma_start3A_166 : memref<64x128xf32, #tpu.memory_space<vmem_shared>>) target_semaphore(%run_scoped3A : memref<!tpu.dma_semaphore, #tpu.memory_space<semaphore_mem>>)
      %dma_wait3A = arith.constant 0 : i32
      %dma_wait3A_167 = tpu.memref_slice %arg16[%add3A_23, %dma_wait3A] : memref<10240x128xf32, #tpu.memory_space<vmem_shared>> -> memref<64x128xf32, #tpu.memory_space<vmem_shared>>
      %dma_wait3A_168 = arith.constant 0 : i32
      %dma_wait3A_169 = tpu.memref_slice %arg16[%add3A_23, %dma_wait3A_168] : memref<10240x128xf32, #tpu.memory_space<vmem_shared>> -> memref<64x128xf32, #tpu.memory_space<vmem_shared>>
      tpu.wait_dma2 semaphore(%run_scoped3A : memref<!tpu.dma_semaphore, #tpu.memory_space<semaphore_mem>>) src(%arg14 : memref<64x128xf32, #tpu.memory_space<vmem>>) dst(%dma_wait3A_169 : memref<64x128xf32, #tpu.memory_space<vmem_shared>>)
      tpu.yield
    }) : () -> ()
    %mul3A_24 = arith.constant 640 : i32
    %mul3A_25 = arith.muli %arg1, %mul3A_24 : i32
    %add3A_26 = arith.constant 256 : i32
    %add3A_27 = arith.addi %mul3A_25, %add3A_26 : i32
    "tpu.region"() ({
      %run_scoped3A = tpu.sem_alloc : memref<!tpu.dma_semaphore, #tpu.memory_space<semaphore_mem>>
      %dma_start3A = arith.constant 0 : i32
      %dma_start3A_164 = tpu.memref_slice %arg16[%add3A_27, %dma_start3A] : memref<10240x128xf32, #tpu.memory_space<vmem_shared>> -> memref<64x128xf32, #tpu.memory_space<vmem_shared>>
      %dma_start3A_165 = arith.constant 0 : i32
      %dma_start3A_166 = tpu.memref_slice %arg16[%add3A_27, %dma_start3A_165] : memref<10240x128xf32, #tpu.memory_space<vmem_shared>> -> memref<64x128xf32, #tpu.memory_space<vmem_shared>>
      tpu.enqueue_dma source(%arg14 : memref<64x128xf32, #tpu.memory_space<vmem>>) target(%dma_start3A_166 : memref<64x128xf32, #tpu.memory_space<vmem_shared>>) target_semaphore(%run_scoped3A : memref<!tpu.dma_semaphore, #tpu.memory_space<semaphore_mem>>)
      %dma_wait3A = arith.constant 0 : i32
      %dma_wait3A_167 = tpu.memref_slice %arg16[%add3A_27, %dma_wait3A] : memref<10240x128xf32, #tpu.memory_space<vmem_shared>> -> memref<64x128xf32, #tpu.memory_space<vmem_shared>>
      %dma_wait3A_168 = arith.constant 0 : i32
      %dma_wait3A_169 = tpu.memref_slice %arg16[%add3A_27, %dma_wait3A_168] : memref<10240x128xf32, #tpu.memory_space<vmem_shared>> -> memref<64x128xf32, #tpu.memory_space<vmem_shared>>
      tpu.wait_dma2 semaphore(%run_scoped3A : memref<!tpu.dma_semaphore, #tpu.memory_space<semaphore_mem>>) src(%arg14 : memref<64x128xf32, #tpu.memory_space<vmem>>) dst(%dma_wait3A_169 : memref<64x128xf32, #tpu.memory_space<vmem_shared>>)
      tpu.yield
    }) : () -> ()
    %mul3A_28 = arith.constant 640 : i32
    %mul3A_29 = arith.muli %arg1, %mul3A_28 : i32
    %add3A_30 = arith.constant 320 : i32
    %add3A_31 = arith.addi %mul3A_29, %add3A_30 : i32
    "tpu.region"() ({
      %run_scoped3A = tpu.sem_alloc : memref<!tpu.dma_semaphore, #tpu.memory_space<semaphore_mem>>
      %dma_start3A = arith.constant 0 : i32
      %dma_start3A_164 = tpu.memref_slice %arg16[%add3A_31, %dma_start3A] : memref<10240x128xf32, #tpu.memory_space<vmem_shared>> -> memref<64x128xf32, #tpu.memory_space<vmem_shared>>
      %dma_start3A_165 = arith.constant 0 : i32
      %dma_start3A_166 = tpu.memref_slice %arg16[%add3A_31, %dma_start3A_165] : memref<10240x128xf32, #tpu.memory_space<vmem_shared>> -> memref<64x128xf32, #tpu.memory_space<vmem_shared>>
      tpu.enqueue_dma source(%arg14 : memref<64x128xf32, #tpu.memory_space<vmem>>) target(%dma_start3A_166 : memref<64x128xf32, #tpu.memory_space<vmem_shared>>) target_semaphore(%run_scoped3A : memref<!tpu.dma_semaphore, #tpu.memory_space<semaphore_mem>>)
      %dma_wait3A = arith.constant 0 : i32
      %dma_wait3A_167 = tpu.memref_slice %arg16[%add3A_31, %dma_wait3A] : memref<10240x128xf32, #tpu.memory_space<vmem_shared>> -> memref<64x128xf32, #tpu.memory_space<vmem_shared>>
      %dma_wait3A_168 = arith.constant 0 : i32
      %dma_wait3A_169 = tpu.memref_slice %arg16[%add3A_31, %dma_wait3A_168] : memref<10240x128xf32, #tpu.memory_space<vmem_shared>> -> memref<64x128xf32, #tpu.memory_space<vmem_shared>>
      tpu.wait_dma2 semaphore(%run_scoped3A : memref<!tpu.dma_semaphore, #tpu.memory_space<semaphore_mem>>) src(%arg14 : memref<64x128xf32, #tpu.memory_space<vmem>>) dst(%dma_wait3A_169 : memref<64x128xf32, #tpu.memory_space<vmem_shared>>)
      tpu.yield
    }) : () -> ()
    %mul3A_32 = arith.constant 640 : i32
    %mul3A_33 = arith.muli %arg1, %mul3A_32 : i32
    %add3A_34 = arith.constant 384 : i32
    %add3A_35 = arith.addi %mul3A_33, %add3A_34 : i32
    "tpu.region"() ({
      %run_scoped3A = tpu.sem_alloc : memref<!tpu.dma_semaphore, #tpu.memory_space<semaphore_mem>>
      %dma_start3A = arith.constant 0 : i32
      %dma_start3A_164 = tpu.memref_slice %arg16[%add3A_35, %dma_start3A] : memref<10240x128xf32, #tpu.memory_space<vmem_shared>> -> memref<64x128xf32, #tpu.memory_space<vmem_shared>>
      %dma_start3A_165 = arith.constant 0 : i32
      %dma_start3A_166 = tpu.memref_slice %arg16[%add3A_35, %dma_start3A_165] : memref<10240x128xf32, #tpu.memory_space<vmem_shared>> -> memref<64x128xf32, #tpu.memory_space<vmem_shared>>
      tpu.enqueue_dma source(%arg14 : memref<64x128xf32, #tpu.memory_space<vmem>>) target(%dma_start3A_166 : memref<64x128xf32, #tpu.memory_space<vmem_shared>>) target_semaphore(%run_scoped3A : memref<!tpu.dma_semaphore, #tpu.memory_space<semaphore_mem>>)
      %dma_wait3A = arith.constant 0 : i32
      %dma_wait3A_167 = tpu.memref_slice %arg16[%add3A_35, %dma_wait3A] : memref<10240x128xf32, #tpu.memory_space<vmem_shared>> -> memref<64x128xf32, #tpu.memory_space<vmem_shared>>
      %dma_wait3A_168 = arith.constant 0 : i32
      %dma_wait3A_169 = tpu.memref_slice %arg16[%add3A_35, %dma_wait3A_168] : memref<10240x128xf32, #tpu.memory_space<vmem_shared>> -> memref<64x128xf32, #tpu.memory_space<vmem_shared>>
      tpu.wait_dma2 semaphore(%run_scoped3A : memref<!tpu.dma_semaphore, #tpu.memory_space<semaphore_mem>>) src(%arg14 : memref<64x128xf32, #tpu.memory_space<vmem>>) dst(%dma_wait3A_169 : memref<64x128xf32, #tpu.memory_space<vmem_shared>>)
      tpu.yield
    }) : () -> ()
    %mul3A_36 = arith.constant 640 : i32
    %mul3A_37 = arith.muli %arg1, %mul3A_36 : i32
    %add3A_38 = arith.constant 448 : i32
    %add3A_39 = arith.addi %mul3A_37, %add3A_38 : i32
    "tpu.region"() ({
      %run_scoped3A = tpu.sem_alloc : memref<!tpu.dma_semaphore, #tpu.memory_space<semaphore_mem>>
      %dma_start3A = arith.constant 0 : i32
      %dma_start3A_164 = tpu.memref_slice %arg16[%add3A_39, %dma_start3A] : memref<10240x128xf32, #tpu.memory_space<vmem_shared>> -> memref<64x128xf32, #tpu.memory_space<vmem_shared>>
      %dma_start3A_165 = arith.constant 0 : i32
      %dma_start3A_166 = tpu.memref_slice %arg16[%add3A_39, %dma_start3A_165] : memref<10240x128xf32, #tpu.memory_space<vmem_shared>> -> memref<64x128xf32, #tpu.memory_space<vmem_shared>>
      tpu.enqueue_dma source(%arg14 : memref<64x128xf32, #tpu.memory_space<vmem>>) target(%dma_start3A_166 : memref<64x128xf32, #tpu.memory_space<vmem_shared>>) target_semaphore(%run_scoped3A : memref<!tpu.dma_semaphore, #tpu.memory_space<semaphore_mem>>)
      %dma_wait3A = arith.constant 0 : i32
      %dma_wait3A_167 = tpu.memref_slice %arg16[%add3A_39, %dma_wait3A] : memref<10240x128xf32, #tpu.memory_space<vmem_shared>> -> memref<64x128xf32, #tpu.memory_space<vmem_shared>>
      %dma_wait3A_168 = arith.constant 0 : i32
      %dma_wait3A_169 = tpu.memref_slice %arg16[%add3A_39, %dma_wait3A_168] : memref<10240x128xf32, #tpu.memory_space<vmem_shared>> -> memref<64x128xf32, #tpu.memory_space<vmem_shared>>
      tpu.wait_dma2 semaphore(%run_scoped3A : memref<!tpu.dma_semaphore, #tpu.memory_space<semaphore_mem>>) src(%arg14 : memref<64x128xf32, #tpu.memory_space<vmem>>) dst(%dma_wait3A_169 : memref<64x128xf32, #tpu.memory_space<vmem_shared>>)
      tpu.yield
    }) : () -> ()
    %mul3A_40 = arith.constant 640 : i32
    %mul3A_41 = arith.muli %arg1, %mul3A_40 : i32
    %add3A_42 = arith.constant 512 : i32
    %add3A_43 = arith.addi %mul3A_41, %add3A_42 : i32
    "tpu.region"() ({
      %run_scoped3A = tpu.sem_alloc : memref<!tpu.dma_semaphore, #tpu.memory_space<semaphore_mem>>
      %dma_start3A = arith.constant 0 : i32
      %dma_start3A_164 = tpu.memref_slice %arg16[%add3A_43, %dma_start3A] : memref<10240x128xf32, #tpu.memory_space<vmem_shared>> -> memref<64x128xf32, #tpu.memory_space<vmem_shared>>
      %dma_start3A_165 = arith.constant 0 : i32
      %dma_start3A_166 = tpu.memref_slice %arg16[%add3A_43, %dma_start3A_165] : memref<10240x128xf32, #tpu.memory_space<vmem_shared>> -> memref<64x128xf32, #tpu.memory_space<vmem_shared>>
      tpu.enqueue_dma source(%arg14 : memref<64x128xf32, #tpu.memory_space<vmem>>) target(%dma_start3A_166 : memref<64x128xf32, #tpu.memory_space<vmem_shared>>) target_semaphore(%run_scoped3A : memref<!tpu.dma_semaphore, #tpu.memory_space<semaphore_mem>>)
      %dma_wait3A = arith.constant 0 : i32
      %dma_wait3A_167 = tpu.memref_slice %arg16[%add3A_43, %dma_wait3A] : memref<10240x128xf32, #tpu.memory_space<vmem_shared>> -> memref<64x128xf32, #tpu.memory_space<vmem_shared>>
      %dma_wait3A_168 = arith.constant 0 : i32
      %dma_wait3A_169 = tpu.memref_slice %arg16[%add3A_43, %dma_wait3A_168] : memref<10240x128xf32, #tpu.memory_space<vmem_shared>> -> memref<64x128xf32, #tpu.memory_space<vmem_shared>>
      tpu.wait_dma2 semaphore(%run_scoped3A : memref<!tpu.dma_semaphore, #tpu.memory_space<semaphore_mem>>) src(%arg14 : memref<64x128xf32, #tpu.memory_space<vmem>>) dst(%dma_wait3A_169 : memref<64x128xf32, #tpu.memory_space<vmem_shared>>)
      tpu.yield
    }) : () -> ()
    %mul3A_44 = arith.constant 640 : i32
    %mul3A_45 = arith.muli %arg1, %mul3A_44 : i32
    %add3A_46 = arith.constant 576 : i32
    %add3A_47 = arith.addi %mul3A_45, %add3A_46 : i32
    "tpu.region"() ({
      %run_scoped3A = tpu.sem_alloc : memref<!tpu.dma_semaphore, #tpu.memory_space<semaphore_mem>>
      %dma_start3A = arith.constant 0 : i32
      %dma_start3A_164 = tpu.memref_slice %arg16[%add3A_47, %dma_start3A] : memref<10240x128xf32, #tpu.memory_space<vmem_shared>> -> memref<64x128xf32, #tpu.memory_space<vmem_shared>>
      %dma_start3A_165 = arith.constant 0 : i32
      %dma_start3A_166 = tpu.memref_slice %arg16[%add3A_47, %dma_start3A_165] : memref<10240x128xf32, #tpu.memory_space<vmem_shared>> -> memref<64x128xf32, #tpu.memory_space<vmem_shared>>
      tpu.enqueue_dma source(%arg14 : memref<64x128xf32, #tpu.memory_space<vmem>>) target(%dma_start3A_166 : memref<64x128xf32, #tpu.memory_space<vmem_shared>>) target_semaphore(%run_scoped3A : memref<!tpu.dma_semaphore, #tpu.memory_space<semaphore_mem>>)
      %dma_wait3A = arith.constant 0 : i32
      %dma_wait3A_167 = tpu.memref_slice %arg16[%add3A_47, %dma_wait3A] : memref<10240x128xf32, #tpu.memory_space<vmem_shared>> -> memref<64x128xf32, #tpu.memory_space<vmem_shared>>
      %dma_wait3A_168 = arith.constant 0 : i32
      %dma_wait3A_169 = tpu.memref_slice %arg16[%add3A_47, %dma_wait3A_168] : memref<10240x128xf32, #tpu.memory_space<vmem_shared>> -> memref<64x128xf32, #tpu.memory_space<vmem_shared>>
      tpu.wait_dma2 semaphore(%run_scoped3A : memref<!tpu.dma_semaphore, #tpu.memory_space<semaphore_mem>>) src(%arg14 : memref<64x128xf32, #tpu.memory_space<vmem>>) dst(%dma_wait3A_169 : memref<64x128xf32, #tpu.memory_space<vmem_shared>>)
      tpu.yield
    }) : () -> ()
    %barrier3A = arith.constant 0 : index
    tpu.barrier barrier_id(%barrier3A)
    %scan3A_48 = arith.constant 0 : i32
    %scan3A_49 = arith.constant 157 : i32
    %scan3A_50 = arith.addi %scan3A_48, %scan3A_49 : i32
    %scan3A_51 = arith.constant 1 : i32
    scf.for %scan3A_164 = %scan3A_48 to %scan3A_50 step %scan3A_51  : i32 {
      %mul3A_165 = arith.constant 64 : i32
      %mul3A_166 = arith.muli %scan3A_164, %mul3A_165 : i32
      %add3A_167 = arith.addi %mul3A_2, %mul3A_166 : i32
      %dma_start3A = tpu.memref_slice %arg5[%add3A_167] : memref<321536xi32, #tpu.memory_space<hbm>> -> memref<64xi32, #tpu.memory_space<hbm>>
      %dma_start3A_168 = tpu.memref_slice %arg5[%add3A_167] : memref<321536xi32, #tpu.memory_space<hbm>> -> memref<64xi32, #tpu.memory_space<hbm>>
      tpu.enqueue_dma source(%dma_start3A_168 : memref<64xi32, #tpu.memory_space<hbm>>) target(%arg9 : memref<64xi32, #tpu.memory_space<vmem>>) target_semaphore(%arg17 : memref<!tpu.dma_semaphore, #tpu.memory_space<semaphore_mem>>)
      %dma_start3A_169 = tpu.memref_slice %arg6[%add3A_167] : memref<321536xi32, #tpu.memory_space<hbm>> -> memref<64xi32, #tpu.memory_space<hbm>>
      %dma_start3A_170 = tpu.memref_slice %arg6[%add3A_167] : memref<321536xi32, #tpu.memory_space<hbm>> -> memref<64xi32, #tpu.memory_space<hbm>>
      tpu.enqueue_dma source(%dma_start3A_170 : memref<64xi32, #tpu.memory_space<hbm>>) target(%arg10 : memref<64xi32, #tpu.memory_space<vmem>>) target_semaphore(%arg17 : memref<!tpu.dma_semaphore, #tpu.memory_space<semaphore_mem>>)
      %dma_start3A_171 = arith.constant 0 : i32
      %dma_start3A_172 = tpu.memref_slice %arg4[%add3A_167, %dma_start3A_171] : memref<321536x128xf32, #tpu.memory_space<hbm>> -> memref<64x128xf32, #tpu.memory_space<hbm>>
      %dma_start3A_173 = arith.constant 0 : i32
      %dma_start3A_174 = tpu.memref_slice %arg4[%add3A_167, %dma_start3A_173] : memref<321536x128xf32, #tpu.memory_space<hbm>> -> memref<64x128xf32, #tpu.memory_space<hbm>>
      tpu.enqueue_dma source(%dma_start3A_174 : memref<64x128xf32, #tpu.memory_space<hbm>>) target(%arg13 : memref<64x128xf32, #tpu.memory_space<vmem>>) target_semaphore(%arg17 : memref<!tpu.dma_semaphore, #tpu.memory_space<semaphore_mem>>)
      %dma_wait3A = tpu.memref_slice %arg5[%add3A_167] : memref<321536xi32, #tpu.memory_space<hbm>> -> memref<64xi32, #tpu.memory_space<hbm>>
      %dma_wait3A_175 = tpu.memref_slice %arg5[%add3A_167] : memref<321536xi32, #tpu.memory_space<hbm>> -> memref<64xi32, #tpu.memory_space<hbm>>
      tpu.wait_dma2 semaphore(%arg17 : memref<!tpu.dma_semaphore, #tpu.memory_space<semaphore_mem>>) src(%dma_wait3A_175 : memref<64xi32, #tpu.memory_space<hbm>>) dst(%arg9 : memref<64xi32, #tpu.memory_space<vmem>>)
      %dma_wait3A_176 = tpu.memref_slice %arg6[%add3A_167] : memref<321536xi32, #tpu.memory_space<hbm>> -> memref<64xi32, #tpu.memory_space<hbm>>
      %dma_wait3A_177 = tpu.memref_slice %arg6[%add3A_167] : memref<321536xi32, #tpu.memory_space<hbm>> -> memref<64xi32, #tpu.memory_space<hbm>>
      tpu.wait_dma2 semaphore(%arg17 : memref<!tpu.dma_semaphore, #tpu.memory_space<semaphore_mem>>) src(%dma_wait3A_177 : memref<64xi32, #tpu.memory_space<hbm>>) dst(%arg10 : memref<64xi32, #tpu.memory_space<vmem>>)
      %dma_start3A_178 = arith.constant 0 : i32
      %dma_start3A_179 = arith.constant 0 : i32
      %dma_start3A_180 = tpu.memref_slice %arg2[%dma_start3A_178, %dma_start3A_179] : memref<10240x128xf32, #tpu.memory_space<hbm>> -> memref<10240x128xf32, #tpu.memory_space<hbm>>
      tpu.enqueue_indirect_dma source(%dma_start3A_180 : memref<10240x128xf32, #tpu.memory_space<hbm>>) target(%arg11 : memref<64x128xf32, #tpu.memory_space<vmem>>) offsets(%arg9 : memref<64xi32, #tpu.memory_space<vmem>>) semaphore(%arg18 : memref<!tpu.dma_semaphore, #tpu.memory_space<semaphore_mem>>)
      %dma_start3A_181 = arith.constant 0 : i32
      %dma_start3A_182 = arith.constant 0 : i32
      %dma_start3A_183 = tpu.memref_slice %arg3[%dma_start3A_181, %dma_start3A_182] : memref<10240x128xf32, #tpu.memory_space<hbm>> -> memref<10240x128xf32, #tpu.memory_space<hbm>>
      tpu.enqueue_indirect_dma source(%dma_start3A_183 : memref<10240x128xf32, #tpu.memory_space<hbm>>) target(%arg12 : memref<64x128xf32, #tpu.memory_space<vmem>>) offsets(%arg10 : memref<64xi32, #tpu.memory_space<vmem>>) semaphore(%arg18 : memref<!tpu.dma_semaphore, #tpu.memory_space<semaphore_mem>>)
      %dma_wait3A_184 = arith.constant 0 : i32
      %dma_wait3A_185 = tpu.memref_slice %arg4[%add3A_167, %dma_wait3A_184] : memref<321536x128xf32, #tpu.memory_space<hbm>> -> memref<64x128xf32, #tpu.memory_space<hbm>>
      %dma_wait3A_186 = arith.constant 0 : i32
      %dma_wait3A_187 = tpu.memref_slice %arg4[%add3A_167, %dma_wait3A_186] : memref<321536x128xf32, #tpu.memory_space<hbm>> -> memref<64x128xf32, #tpu.memory_space<hbm>>
      tpu.wait_dma2 semaphore(%arg17 : memref<!tpu.dma_semaphore, #tpu.memory_space<semaphore_mem>>) src(%dma_wait3A_187 : memref<64x128xf32, #tpu.memory_space<hbm>>) dst(%arg13 : memref<64x128xf32, #tpu.memory_space<vmem>>)
      %dma_wait3A_188 = arith.constant 0 : i32
      %dma_wait3A_189 = arith.constant 0 : i32
      %dma_wait3A_190 = tpu.memref_slice %arg2[%dma_wait3A_188, %dma_wait3A_189] : memref<10240x128xf32, #tpu.memory_space<hbm>> -> memref<10240x128xf32, #tpu.memory_space<hbm>>
      tpu.wait_indirect_dma semaphore(%arg18 : memref<!tpu.dma_semaphore, #tpu.memory_space<semaphore_mem>>) src(%dma_wait3A_190 : memref<10240x128xf32, #tpu.memory_space<hbm>>) dst(%arg11 : memref<64x128xf32, #tpu.memory_space<vmem>>)
      %dma_wait3A_191 = arith.constant 0 : i32
      %dma_wait3A_192 = arith.constant 0 : i32
      %dma_wait3A_193 = tpu.memref_slice %arg3[%dma_wait3A_191, %dma_wait3A_192] : memref<10240x128xf32, #tpu.memory_space<hbm>> -> memref<10240x128xf32, #tpu.memory_space<hbm>>
      tpu.wait_indirect_dma semaphore(%arg18 : memref<!tpu.dma_semaphore, #tpu.memory_space<semaphore_mem>>) src(%dma_wait3A_193 : memref<10240x128xf32, #tpu.memory_space<hbm>>) dst(%arg12 : memref<64x128xf32, #tpu.memory_space<vmem>>)
      %scan3A_194 = arith.constant 0 : i32
      %scan3A_195 = arith.constant 64 : i32
      %scan3A_196 = arith.addi %scan3A_194, %scan3A_195 : i32
      %scan3A_197 = arith.constant 1 : i32
      scf.for %scan3A_199 = %scan3A_194 to %scan3A_196 step %scan3A_197  : i32 {
        %get3A = arith.index_cast %scan3A_199 : i32 to index
        %get3A_200 = arith.constant 0 : index
        %get3A_201 = tpu.vector_load %arg11[%get3A, %get3A_200] {strides = array<i32>} : memref<64x128xf32, #tpu.memory_space<vmem>>, vector<16xf32>,
        %get3A_202 = arith.index_cast %scan3A_199 : i32 to index
        %get3A_203 = arith.constant 0 : index
        %get3A_204 = tpu.vector_load %arg12[%get3A_202, %get3A_203] {strides = array<i32>} : memref<64x128xf32, #tpu.memory_space<vmem>>, vector<16xf32>,
        %add3A_205 = arith.addf %get3A_201, %get3A_204 : vector<16xf32>
        %get3A_206 = arith.index_cast %scan3A_199 : i32 to index
        %get3A_207 = arith.constant 0 : index
        %get3A_208 = tpu.vector_load %arg13[%get3A_206, %get3A_207] {strides = array<i32>} : memref<64x128xf32, #tpu.memory_space<vmem>>, vector<16xf32>,
        %add3A_209 = arith.addf %add3A_205, %get3A_208 : vector<16xf32>
        %neg3A = arith.constant 0.000000e+00 : f32
        %neg3A_210 = vector.broadcast %neg3A : f32 to vector<16xf32>
        %neg3A_211 = arith.subf %neg3A_210, %add3A_209 : vector<16xf32>
        %exp3A = math.exp %neg3A_211 : vector<16xf32>
        %add3A_212 = arith.constant 1.000000e+00 : f32
        %add3A_213 = vector.broadcast %add3A_212 : f32 to vector<16xf32>
        %add3A_214 = arith.addf %add3A_213, %exp3A : vector<16xf32>
        %div3A = arith.constant 1.000000e+00 : f32
        %div3A_215 = vector.broadcast %div3A : f32 to vector<16xf32>
        %div3A_216 = arith.divf %div3A_215, %add3A_214 : vector<16xf32>
        %mul3A_217 = arith.mulf %add3A_209, %div3A_216 : vector<16xf32>
        %swap3A = arith.index_cast %scan3A_199 : i32 to index
        %swap3A_218 = arith.constant 0 : index
        %swap3A_219 = tpu.vector_load %arg14[%swap3A, %swap3A_218] {strides = array<i32>} : memref<64x128xf32, #tpu.memory_space<vmem>>, vector<16xf32>,
        tpu.vector_store %arg14[%swap3A, %swap3A_218], %mul3A_217 {strides = array<i32>} : memref<64x128xf32, #tpu.memory_space<vmem>>, vector<16xf32>,
        %get3A_220 = arith.index_cast %scan3A_199 : i32 to index
        %get3A_221 = arith.constant 16 : index
        %get3A_222 = tpu.vector_load %arg11[%get3A_220, %get3A_221] {strides = array<i32>} : memref<64x128xf32, #tpu.memory_space<vmem>>, vector<16xf32>,
        %get3A_223 = arith.index_cast %scan3A_199 : i32 to index
        %get3A_224 = arith.constant 16 : index
        %get3A_225 = tpu.vector_load %arg12[%get3A_223, %get3A_224] {strides = array<i32>} : memref<64x128xf32, #tpu.memory_space<vmem>>, vector<16xf32>,
        %add3A_226 = arith.addf %get3A_222, %get3A_225 : vector<16xf32>
        %get3A_227 = arith.index_cast %scan3A_199 : i32 to index
        %get3A_228 = arith.constant 16 : index
        %get3A_229 = tpu.vector_load %arg13[%get3A_227, %get3A_228] {strides = array<i32>} : memref<64x128xf32, #tpu.memory_space<vmem>>, vector<16xf32>,
        %add3A_230 = arith.addf %add3A_226, %get3A_229 : vector<16xf32>
        %neg3A_231 = arith.constant 0.000000e+00 : f32
        %neg3A_232 = vector.broadcast %neg3A_231 : f32 to vector<16xf32>
        %neg3A_233 = arith.subf %neg3A_232, %add3A_230 : vector<16xf32>
        %exp3A_234 = math.exp %neg3A_233 : vector<16xf32>
        %add3A_235 = arith.constant 1.000000e+00 : f32
        %add3A_236 = vector.broadcast %add3A_235 : f32 to vector<16xf32>
        %add3A_237 = arith.addf %add3A_236, %exp3A_234 : vector<16xf32>
        %div3A_238 = arith.constant 1.000000e+00 : f32
        %div3A_239 = vector.broadcast %div3A_238 : f32 to vector<16xf32>
        %div3A_240 = arith.divf %div3A_239, %add3A_237 : vector<16xf32>
        %mul3A_241 = arith.mulf %add3A_230, %div3A_240 : vector<16xf32>
        %swap3A_242 = arith.index_cast %scan3A_199 : i32 to index
        %swap3A_243 = arith.constant 16 : index
        %swap3A_244 = tpu.vector_load %arg14[%swap3A_242, %swap3A_243] {strides = array<i32>} : memref<64x128xf32, #tpu.memory_space<vmem>>, vector<16xf32>,
        tpu.vector_store %arg14[%swap3A_242, %swap3A_243], %mul3A_241 {strides = array<i32>} : memref<64x128xf32, #tpu.memory_space<vmem>>, vector<16xf32>,
        %get3A_245 = arith.index_cast %scan3A_199 : i32 to index
        %get3A_246 = arith.constant 32 : index
        %get3A_247 = tpu.vector_load %arg11[%get3A_245, %get3A_246] {strides = array<i32>} : memref<64x128xf32, #tpu.memory_space<vmem>>, vector<16xf32>,
        %get3A_248 = arith.index_cast %scan3A_199 : i32 to index
        %get3A_249 = arith.constant 32 : index
        %get3A_250 = tpu.vector_load %arg12[%get3A_248, %get3A_249] {strides = array<i32>} : memref<64x128xf32, #tpu.memory_space<vmem>>, vector<16xf32>,
        %add3A_251 = arith.addf %get3A_247, %get3A_250 : vector<16xf32>
        %get3A_252 = arith.index_cast %scan3A_199 : i32 to index
        %get3A_253 = arith.constant 32 : index
        %get3A_254 = tpu.vector_load %arg13[%get3A_252, %get3A_253] {strides = array<i32>} : memref<64x128xf32, #tpu.memory_space<vmem>>, vector<16xf32>,
        %add3A_255 = arith.addf %add3A_251, %get3A_254 : vector<16xf32>
        %neg3A_256 = arith.constant 0.000000e+00 : f32
        %neg3A_257 = vector.broadcast %neg3A_256 : f32 to vector<16xf32>
        %neg3A_258 = arith.subf %neg3A_257, %add3A_255 : vector<16xf32>
        %exp3A_259 = math.exp %neg3A_258 : vector<16xf32>
        %add3A_260 = arith.constant 1.000000e+00 : f32
        %add3A_261 = vector.broadcast %add3A_260 : f32 to vector<16xf32>
        %add3A_262 = arith.addf %add3A_261, %exp3A_259 : vector<16xf32>
        %div3A_263 = arith.constant 1.000000e+00 : f32
        %div3A_264 = vector.broadcast %div3A_263 : f32 to vector<16xf32>
        %div3A_265 = arith.divf %div3A_264, %add3A_262 : vector<16xf32>
        %mul3A_266 = arith.mulf %add3A_255, %div3A_265 : vector<16xf32>
        %swap3A_267 = arith.index_cast %scan3A_199 : i32 to index
        %swap3A_268 = arith.constant 32 : index
        %swap3A_269 = tpu.vector_load %arg14[%swap3A_267, %swap3A_268] {strides = array<i32>} : memref<64x128xf32, #tpu.memory_space<vmem>>, vector<16xf32>,
        tpu.vector_store %arg14[%swap3A_267, %swap3A_268], %mul3A_266 {strides = array<i32>} : memref<64x128xf32, #tpu.memory_space<vmem>>, vector<16xf32>,
        %get3A_270 = arith.index_cast %scan3A_199 : i32 to index
        %get3A_271 = arith.constant 48 : index
        %get3A_272 = tpu.vector_load %arg11[%get3A_270, %get3A_271] {strides = array<i32>} : memref<64x128xf32, #tpu.memory_space<vmem>>, vector<16xf32>,
        %get3A_273 = arith.index_cast %scan3A_199 : i32 to index
        %get3A_274 = arith.constant 48 : index
        %get3A_275 = tpu.vector_load %arg12[%get3A_273, %get3A_274] {strides = array<i32>} : memref<64x128xf32, #tpu.memory_space<vmem>>, vector<16xf32>,
        %add3A_276 = arith.addf %get3A_272, %get3A_275 : vector<16xf32>
        %get3A_277 = arith.index_cast %scan3A_199 : i32 to index
        %get3A_278 = arith.constant 48 : index
        %get3A_279 = tpu.vector_load %arg13[%get3A_277, %get3A_278] {strides = array<i32>} : memref<64x128xf32, #tpu.memory_space<vmem>>, vector<16xf32>,
        %add3A_280 = arith.addf %add3A_276, %get3A_279 : vector<16xf32>
        %neg3A_281 = arith.constant 0.000000e+00 : f32
        %neg3A_282 = vector.broadcast %neg3A_281 : f32 to vector<16xf32>
        %neg3A_283 = arith.subf %neg3A_282, %add3A_280 : vector<16xf32>
        %exp3A_284 = math.exp %neg3A_283 : vector<16xf32>
        %add3A_285 = arith.constant 1.000000e+00 : f32
        %add3A_286 = vector.broadcast %add3A_285 : f32 to vector<16xf32>
        %add3A_287 = arith.addf %add3A_286, %exp3A_284 : vector<16xf32>
        %div3A_288 = arith.constant 1.000000e+00 : f32
        %div3A_289 = vector.broadcast %div3A_288 : f32 to vector<16xf32>
        %div3A_290 = arith.divf %div3A_289, %add3A_287 : vector<16xf32>
        %mul3A_291 = arith.mulf %add3A_280, %div3A_290 : vector<16xf32>
        %swap3A_292 = arith.index_cast %scan3A_199 : i32 to index
        %swap3A_293 = arith.constant 48 : index
        %swap3A_294 = tpu.vector_load %arg14[%swap3A_292, %swap3A_293] {strides = array<i32>} : memref<64x128xf32, #tpu.memory_space<vmem>>, vector<16xf32>,
        tpu.vector_store %arg14[%swap3A_292, %swap3A_293], %mul3A_291 {strides = array<i32>} : memref<64x128xf32, #tpu.memory_space<vmem>>, vector<16xf32>,
        %get3A_295 = arith.index_cast %scan3A_199 : i32 to index
        %get3A_296 = arith.constant 64 : index
        %get3A_297 = tpu.vector_load %arg11[%get3A_295, %get3A_296] {strides = array<i32>} : memref<64x128xf32, #tpu.memory_space<vmem>>, vector<16xf32>,
        %get3A_298 = arith.index_cast %scan3A_199 : i32 to index
        %get3A_299 = arith.constant 64 : index
        %get3A_300 = tpu.vector_load %arg12[%get3A_298, %get3A_299] {strides = array<i32>} : memref<64x128xf32, #tpu.memory_space<vmem>>, vector<16xf32>,
        %add3A_301 = arith.addf %get3A_297, %get3A_300 : vector<16xf32>
        %get3A_302 = arith.index_cast %scan3A_199 : i32 to index
        %get3A_303 = arith.constant 64 : index
        %get3A_304 = tpu.vector_load %arg13[%get3A_302, %get3A_303] {strides = array<i32>} : memref<64x128xf32, #tpu.memory_space<vmem>>, vector<16xf32>,
        %add3A_305 = arith.addf %add3A_301, %get3A_304 : vector<16xf32>
        %neg3A_306 = arith.constant 0.000000e+00 : f32
        %neg3A_307 = vector.broadcast %neg3A_306 : f32 to vector<16xf32>
        %neg3A_308 = arith.subf %neg3A_307, %add3A_305 : vector<16xf32>
        %exp3A_309 = math.exp %neg3A_308 : vector<16xf32>
        %add3A_310 = arith.constant 1.000000e+00 : f32
        %add3A_311 = vector.broadcast %add3A_310 : f32 to vector<16xf32>
        %add3A_312 = arith.addf %add3A_311, %exp3A_309 : vector<16xf32>
        %div3A_313 = arith.constant 1.000000e+00 : f32
        %div3A_314 = vector.broadcast %div3A_313 : f32 to vector<16xf32>
        %div3A_315 = arith.divf %div3A_314, %add3A_312 : vector<16xf32>
        %mul3A_316 = arith.mulf %add3A_305, %div3A_315 : vector<16xf32>
        %swap3A_317 = arith.index_cast %scan3A_199 : i32 to index
        %swap3A_318 = arith.constant 64 : index
        %swap3A_319 = tpu.vector_load %arg14[%swap3A_317, %swap3A_318] {strides = array<i32>} : memref<64x128xf32, #tpu.memory_space<vmem>>, vector<16xf32>,
        tpu.vector_store %arg14[%swap3A_317, %swap3A_318], %mul3A_316 {strides = array<i32>} : memref<64x128xf32, #tpu.memory_space<vmem>>, vector<16xf32>,
        %get3A_320 = arith.index_cast %scan3A_199 : i32 to index
        %get3A_321 = arith.constant 80 : index
        %get3A_322 = tpu.vector_load %arg11[%get3A_320, %get3A_321] {strides = array<i32>} : memref<64x128xf32, #tpu.memory_space<vmem>>, vector<16xf32>,
        %get3A_323 = arith.index_cast %scan3A_199 : i32 to index
        %get3A_324 = arith.constant 80 : index
        %get3A_325 = tpu.vector_load %arg12[%get3A_323, %get3A_324] {strides = array<i32>} : memref<64x128xf32, #tpu.memory_space<vmem>>, vector<16xf32>,
        %add3A_326 = arith.addf %get3A_322, %get3A_325 : vector<16xf32>
        %get3A_327 = arith.index_cast %scan3A_199 : i32 to index
        %get3A_328 = arith.constant 80 : index
        %get3A_329 = tpu.vector_load %arg13[%get3A_327, %get3A_328] {strides = array<i32>} : memref<64x128xf32, #tpu.memory_space<vmem>>, vector<16xf32>,
        %add3A_330 = arith.addf %add3A_326, %get3A_329 : vector<16xf32>
        %neg3A_331 = arith.constant 0.000000e+00 : f32
        %neg3A_332 = vector.broadcast %neg3A_331 : f32 to vector<16xf32>
        %neg3A_333 = arith.subf %neg3A_332, %add3A_330 : vector<16xf32>
        %exp3A_334 = math.exp %neg3A_333 : vector<16xf32>
        %add3A_335 = arith.constant 1.000000e+00 : f32
        %add3A_336 = vector.broadcast %add3A_335 : f32 to vector<16xf32>
        %add3A_337 = arith.addf %add3A_336, %exp3A_334 : vector<16xf32>
        %div3A_338 = arith.constant 1.000000e+00 : f32
        %div3A_339 = vector.broadcast %div3A_338 : f32 to vector<16xf32>
        %div3A_340 = arith.divf %div3A_339, %add3A_337 : vector<16xf32>
        %mul3A_341 = arith.mulf %add3A_330, %div3A_340 : vector<16xf32>
        %swap3A_342 = arith.index_cast %scan3A_199 : i32 to index
        %swap3A_343 = arith.constant 80 : index
        %swap3A_344 = tpu.vector_load %arg14[%swap3A_342, %swap3A_343] {strides = array<i32>} : memref<64x128xf32, #tpu.memory_space<vmem>>, vector<16xf32>,
        tpu.vector_store %arg14[%swap3A_342, %swap3A_343], %mul3A_341 {strides = array<i32>} : memref<64x128xf32, #tpu.memory_space<vmem>>, vector<16xf32>,
        %get3A_345 = arith.index_cast %scan3A_199 : i32 to index
        %get3A_346 = arith.constant 96 : index
        %get3A_347 = tpu.vector_load %arg11[%get3A_345, %get3A_346] {strides = array<i32>} : memref<64x128xf32, #tpu.memory_space<vmem>>, vector<16xf32>,
        %get3A_348 = arith.index_cast %scan3A_199 : i32 to index
        %get3A_349 = arith.constant 96 : index
        %get3A_350 = tpu.vector_load %arg12[%get3A_348, %get3A_349] {strides = array<i32>} : memref<64x128xf32, #tpu.memory_space<vmem>>, vector<16xf32>,
        %add3A_351 = arith.addf %get3A_347, %get3A_350 : vector<16xf32>
        %get3A_352 = arith.index_cast %scan3A_199 : i32 to index
        %get3A_353 = arith.constant 96 : index
        %get3A_354 = tpu.vector_load %arg13[%get3A_352, %get3A_353] {strides = array<i32>} : memref<64x128xf32, #tpu.memory_space<vmem>>, vector<16xf32>,
        %add3A_355 = arith.addf %add3A_351, %get3A_354 : vector<16xf32>
        %neg3A_356 = arith.constant 0.000000e+00 : f32
        %neg3A_357 = vector.broadcast %neg3A_356 : f32 to vector<16xf32>
        %neg3A_358 = arith.subf %neg3A_357, %add3A_355 : vector<16xf32>
        %exp3A_359 = math.exp %neg3A_358 : vector<16xf32>
        %add3A_360 = arith.constant 1.000000e+00 : f32
        %add3A_361 = vector.broadcast %add3A_360 : f32 to vector<16xf32>
        %add3A_362 = arith.addf %add3A_361, %exp3A_359 : vector<16xf32>
        %div3A_363 = arith.constant 1.000000e+00 : f32
        %div3A_364 = vector.broadcast %div3A_363 : f32 to vector<16xf32>
        %div3A_365 = arith.divf %div3A_364, %add3A_362 : vector<16xf32>
        %mul3A_366 = arith.mulf %add3A_355, %div3A_365 : vector<16xf32>
        %swap3A_367 = arith.index_cast %scan3A_199 : i32 to index
        %swap3A_368 = arith.constant 96 : index
        %swap3A_369 = tpu.vector_load %arg14[%swap3A_367, %swap3A_368] {strides = array<i32>} : memref<64x128xf32, #tpu.memory_space<vmem>>, vector<16xf32>,
        tpu.vector_store %arg14[%swap3A_367, %swap3A_368], %mul3A_366 {strides = array<i32>} : memref<64x128xf32, #tpu.memory_space<vmem>>, vector<16xf32>,
        %get3A_370 = arith.index_cast %scan3A_199 : i32 to index
        %get3A_371 = arith.constant 112 : index
        %get3A_372 = tpu.vector_load %arg11[%get3A_370, %get3A_371] {strides = array<i32>} : memref<64x128xf32, #tpu.memory_space<vmem>>, vector<16xf32>,
        %get3A_373 = arith.index_cast %scan3A_199 : i32 to index
        %get3A_374 = arith.constant 112 : index
        %get3A_375 = tpu.vector_load %arg12[%get3A_373, %get3A_374] {strides = array<i32>} : memref<64x128xf32, #tpu.memory_space<vmem>>, vector<16xf32>,
        %add3A_376 = arith.addf %get3A_372, %get3A_375 : vector<16xf32>
        %get3A_377 = arith.index_cast %scan3A_199 : i32 to index
        %get3A_378 = arith.constant 112 : index
        %get3A_379 = tpu.vector_load %arg13[%get3A_377, %get3A_378] {strides = array<i32>} : memref<64x128xf32, #tpu.memory_space<vmem>>, vector<16xf32>,
        %add3A_380 = arith.addf %add3A_376, %get3A_379 : vector<16xf32>
        %neg3A_381 = arith.constant 0.000000e+00 : f32
        %neg3A_382 = vector.broadcast %neg3A_381 : f32 to vector<16xf32>
        %neg3A_383 = arith.subf %neg3A_382, %add3A_380 : vector<16xf32>
        %exp3A_384 = math.exp %neg3A_383 : vector<16xf32>
        %add3A_385 = arith.constant 1.000000e+00 : f32
        %add3A_386 = vector.broadcast %add3A_385 : f32 to vector<16xf32>
        %add3A_387 = arith.addf %add3A_386, %exp3A_384 : vector<16xf32>
        %div3A_388 = arith.constant 1.000000e+00 : f32
        %div3A_389 = vector.broadcast %div3A_388 : f32 to vector<16xf32>
        %div3A_390 = arith.divf %div3A_389, %add3A_387 : vector<16xf32>
        %mul3A_391 = arith.mulf %add3A_380, %div3A_390 : vector<16xf32>
        %swap3A_392 = arith.index_cast %scan3A_199 : i32 to index
        %swap3A_393 = arith.constant 112 : index
        %swap3A_394 = tpu.vector_load %arg14[%swap3A_392, %swap3A_393] {strides = array<i32>} : memref<64x128xf32, #tpu.memory_space<vmem>>, vector<16xf32>,
        tpu.vector_store %arg14[%swap3A_392, %swap3A_393], %mul3A_391 {strides = array<i32>} : memref<64x128xf32, #tpu.memory_space<vmem>>, vector<16xf32>,
      }
      %scan3A_198 = arith.constant 64 : i32
      "tpu.region"() ({
        %run_scoped3A = tpu.sem_alloc : memref<!tpu.dma_semaphore, #tpu.memory_space<semaphore_mem>>
        %dma_start3A_199 = arith.constant 0 : i32
        %dma_start3A_200 = arith.constant 0 : i32
        %dma_start3A_201 = tpu.memref_slice %arg16[%dma_start3A_199, %dma_start3A_200] : memref<10240x128xf32, #tpu.memory_space<vmem_shared>> -> memref<10240x128xf32, #tpu.memory_space<vmem_shared>>
        tpu.enqueue_indirect_dma source(%arg14 : memref<64x128xf32, #tpu.memory_space<vmem>>) target(%dma_start3A_201 : memref<10240x128xf32, #tpu.memory_space<vmem_shared>>) offsets(%arg10 : memref<64xi32, #tpu.memory_space<vmem>>) semaphore(%run_scoped3A : memref<!tpu.dma_semaphore, #tpu.memory_space<semaphore_mem>>) {add = true}
        %dma_wait3A_202 = arith.constant 0 : i32
        %dma_wait3A_203 = arith.constant 0 : i32
        %dma_wait3A_204 = tpu.memref_slice %arg16[%dma_wait3A_202, %dma_wait3A_203] : memref<10240x128xf32, #tpu.memory_space<vmem_shared>> -> memref<10240x128xf32, #tpu.memory_space<vmem_shared>>
        tpu.wait_indirect_dma semaphore(%run_scoped3A : memref<!tpu.dma_semaphore, #tpu.memory_space<semaphore_mem>>) src(%arg14 : memref<64x128xf32, #tpu.memory_space<vmem>>) dst(%dma_wait3A_204 : memref<10240x128xf32, #tpu.memory_space<vmem_shared>>)
        tpu.yield
      }) : () -> ()
    }
    %scan3A_52 = arith.constant 157 : i32
    %barrier3A_53 = arith.constant 0 : index
    tpu.barrier barrier_id(%barrier3A_53)
    %mul3A_54 = arith.constant 640 : i32
    %mul3A_55 = arith.muli %arg1, %mul3A_54 : i32
    %add3A_56 = arith.constant 0 : i32
    %add3A_57 = arith.addi %mul3A_55, %add3A_56 : i32
    %mul3A_58 = arith.constant 10240 : i32
    %mul3A_59 = arith.muli %arg0, %mul3A_58 : i32
    %mul3A_60 = arith.constant 640 : i32
    %mul3A_61 = arith.muli %arg1, %mul3A_60 : i32
    %add3A_62 = arith.addi %mul3A_59, %mul3A_61 : i32
    %add3A_63 = arith.constant 0 : i32
    %add3A_64 = arith.addi %add3A_62, %add3A_63 : i32
    "tpu.region"() ({
      %run_scoped3A = tpu.sem_alloc : memref<!tpu.dma_semaphore, #tpu.memory_space<semaphore_mem>>
      %dma_start3A = arith.constant 0 : i32
      %dma_start3A_164 = tpu.memref_slice %arg7[%add3A_64, %dma_start3A] : memref<20480x128xf32, #tpu.memory_space<hbm>> -> memref<64x128xf32, #tpu.memory_space<hbm>>
      %dma_start3A_165 = arith.constant 0 : i32
      %dma_start3A_166 = tpu.memref_slice %arg16[%add3A_57, %dma_start3A_165] : memref<10240x128xf32, #tpu.memory_space<vmem_shared>> -> memref<64x128xf32, #tpu.memory_space<vmem_shared>>
      tpu.enqueue_dma source(%dma_start3A_166 : memref<64x128xf32, #tpu.memory_space<vmem_shared>>) target(%dma_start3A_164 : memref<64x128xf32, #tpu.memory_space<hbm>>) target_semaphore(%run_scoped3A : memref<!tpu.dma_semaphore, #tpu.memory_space<semaphore_mem>>)
      %dma_wait3A = arith.constant 0 : i32
      %dma_wait3A_167 = tpu.memref_slice %arg7[%add3A_64, %dma_wait3A] : memref<20480x128xf32, #tpu.memory_space<hbm>> -> memref<64x128xf32, #tpu.memory_space<hbm>>
      %dma_wait3A_168 = arith.constant 0 : i32
      %dma_wait3A_169 = tpu.memref_slice %arg16[%add3A_57, %dma_wait3A_168] : memref<10240x128xf32, #tpu.memory_space<vmem_shared>> -> memref<64x128xf32, #tpu.memory_space<vmem_shared>>
      tpu.wait_dma2 semaphore(%run_scoped3A : memref<!tpu.dma_semaphore, #tpu.memory_space<semaphore_mem>>) src(%dma_wait3A_169 : memref<64x128xf32, #tpu.memory_space<vmem_shared>>) dst(%dma_wait3A_167 : memref<64x128xf32, #tpu.memory_space<hbm>>)
      tpu.yield
    }) : () -> ()
    %mul3A_65 = arith.constant 640 : i32
    %mul3A_66 = arith.muli %arg1, %mul3A_65 : i32
    %add3A_67 = arith.constant 64 : i32
    %add3A_68 = arith.addi %mul3A_66, %add3A_67 : i32
    %mul3A_69 = arith.constant 10240 : i32
    %mul3A_70 = arith.muli %arg0, %mul3A_69 : i32
    %mul3A_71 = arith.constant 640 : i32
    %mul3A_72 = arith.muli %arg1, %mul3A_71 : i32
    %add3A_73 = arith.addi %mul3A_70, %mul3A_72 : i32
    %add3A_74 = arith.constant 64 : i32
    %add3A_75 = arith.addi %add3A_73, %add3A_74 : i32
    "tpu.region"() ({
      %run_scoped3A = tpu.sem_alloc : memref<!tpu.dma_semaphore, #tpu.memory_space<semaphore_mem>>
      %dma_start3A = arith.constant 0 : i32
      %dma_start3A_164 = tpu.memref_slice %arg7[%add3A_75, %dma_start3A] : memref<20480x128xf32, #tpu.memory_space<hbm>> -> memref<64x128xf32, #tpu.memory_space<hbm>>
      %dma_start3A_165 = arith.constant 0 : i32
      %dma_start3A_166 = tpu.memref_slice %arg16[%add3A_68, %dma_start3A_165] : memref<10240x128xf32, #tpu.memory_space<vmem_shared>> -> memref<64x128xf32, #tpu.memory_space<vmem_shared>>
      tpu.enqueue_dma source(%dma_start3A_166 : memref<64x128xf32, #tpu.memory_space<vmem_shared>>) target(%dma_start3A_164 : memref<64x128xf32, #tpu.memory_space<hbm>>) target_semaphore(%run_scoped3A : memref<!tpu.dma_semaphore, #tpu.memory_space<semaphore_mem>>)
      %dma_wait3A = arith.constant 0 : i32
      %dma_wait3A_167 = tpu.memref_slice %arg7[%add3A_75, %dma_wait3A] : memref<20480x128xf32, #tpu.memory_space<hbm>> -> memref<64x128xf32, #tpu.memory_space<hbm>>
      %dma_wait3A_168 = arith.constant 0 : i32
      %dma_wait3A_169 = tpu.memref_slice %arg16[%add3A_68, %dma_wait3A_168] : memref<10240x128xf32, #tpu.memory_space<vmem_shared>> -> memref<64x128xf32, #tpu.memory_space<vmem_shared>>
      tpu.wait_dma2 semaphore(%run_scoped3A : memref<!tpu.dma_semaphore, #tpu.memory_space<semaphore_mem>>) src(%dma_wait3A_169 : memref<64x128xf32, #tpu.memory_space<vmem_shared>>) dst(%dma_wait3A_167 : memref<64x128xf32, #tpu.memory_space<hbm>>)
      tpu.yield
    }) : () -> ()
    %mul3A_76 = arith.constant 640 : i32
    %mul3A_77 = arith.muli %arg1, %mul3A_76 : i32
    %add3A_78 = arith.constant 128 : i32
    %add3A_79 = arith.addi %mul3A_77, %add3A_78 : i32
    %mul3A_80 = arith.constant 10240 : i32
    %mul3A_81 = arith.muli %arg0, %mul3A_80 : i32
    %mul3A_82 = arith.constant 640 : i32
    %mul3A_83 = arith.muli %arg1, %mul3A_82 : i32
    %add3A_84 = arith.addi %mul3A_81, %mul3A_83 : i32
    %add3A_85 = arith.constant 128 : i32
    %add3A_86 = arith.addi %add3A_84, %add3A_85 : i32
    "tpu.region"() ({
      %run_scoped3A = tpu.sem_alloc : memref<!tpu.dma_semaphore, #tpu.memory_space<semaphore_mem>>
      %dma_start3A = arith.constant 0 : i32
      %dma_start3A_164 = tpu.memref_slice %arg7[%add3A_86, %dma_start3A] : memref<20480x128xf32, #tpu.memory_space<hbm>> -> memref<64x128xf32, #tpu.memory_space<hbm>>
      %dma_start3A_165 = arith.constant 0 : i32
      %dma_start3A_166 = tpu.memref_slice %arg16[%add3A_79, %dma_start3A_165] : memref<10240x128xf32, #tpu.memory_space<vmem_shared>> -> memref<64x128xf32, #tpu.memory_space<vmem_shared>>
      tpu.enqueue_dma source(%dma_start3A_166 : memref<64x128xf32, #tpu.memory_space<vmem_shared>>) target(%dma_start3A_164 : memref<64x128xf32, #tpu.memory_space<hbm>>) target_semaphore(%run_scoped3A : memref<!tpu.dma_semaphore, #tpu.memory_space<semaphore_mem>>)
      %dma_wait3A = arith.constant 0 : i32
      %dma_wait3A_167 = tpu.memref_slice %arg7[%add3A_86, %dma_wait3A] : memref<20480x128xf32, #tpu.memory_space<hbm>> -> memref<64x128xf32, #tpu.memory_space<hbm>>
      %dma_wait3A_168 = arith.constant 0 : i32
      %dma_wait3A_169 = tpu.memref_slice %arg16[%add3A_79, %dma_wait3A_168] : memref<10240x128xf32, #tpu.memory_space<vmem_shared>> -> memref<64x128xf32, #tpu.memory_space<vmem_shared>>
      tpu.wait_dma2 semaphore(%run_scoped3A : memref<!tpu.dma_semaphore, #tpu.memory_space<semaphore_mem>>) src(%dma_wait3A_169 : memref<64x128xf32, #tpu.memory_space<vmem_shared>>) dst(%dma_wait3A_167 : memref<64x128xf32, #tpu.memory_space<hbm>>)
      tpu.yield
    }) : () -> ()
    %mul3A_87 = arith.constant 640 : i32
    %mul3A_88 = arith.muli %arg1, %mul3A_87 : i32
    %add3A_89 = arith.constant 192 : i32
    %add3A_90 = arith.addi %mul3A_88, %add3A_89 : i32
    %mul3A_91 = arith.constant 10240 : i32
    %mul3A_92 = arith.muli %arg0, %mul3A_91 : i32
    %mul3A_93 = arith.constant 640 : i32
    %mul3A_94 = arith.muli %arg1, %mul3A_93 : i32
    %add3A_95 = arith.addi %mul3A_92, %mul3A_94 : i32
    %add3A_96 = arith.constant 192 : i32
    %add3A_97 = arith.addi %add3A_95, %add3A_96 : i32
    "tpu.region"() ({
      %run_scoped3A = tpu.sem_alloc : memref<!tpu.dma_semaphore, #tpu.memory_space<semaphore_mem>>
      %dma_start3A = arith.constant 0 : i32
      %dma_start3A_164 = tpu.memref_slice %arg7[%add3A_97, %dma_start3A] : memref<20480x128xf32, #tpu.memory_space<hbm>> -> memref<64x128xf32, #tpu.memory_space<hbm>>
      %dma_start3A_165 = arith.constant 0 : i32
      %dma_start3A_166 = tpu.memref_slice %arg16[%add3A_90, %dma_start3A_165] : memref<10240x128xf32, #tpu.memory_space<vmem_shared>> -> memref<64x128xf32, #tpu.memory_space<vmem_shared>>
      tpu.enqueue_dma source(%dma_start3A_166 : memref<64x128xf32, #tpu.memory_space<vmem_shared>>) target(%dma_start3A_164 : memref<64x128xf32, #tpu.memory_space<hbm>>) target_semaphore(%run_scoped3A : memref<!tpu.dma_semaphore, #tpu.memory_space<semaphore_mem>>)
      %dma_wait3A = arith.constant 0 : i32
      %dma_wait3A_167 = tpu.memref_slice %arg7[%add3A_97, %dma_wait3A] : memref<20480x128xf32, #tpu.memory_space<hbm>> -> memref<64x128xf32, #tpu.memory_space<hbm>>
      %dma_wait3A_168 = arith.constant 0 : i32
      %dma_wait3A_169 = tpu.memref_slice %arg16[%add3A_90, %dma_wait3A_168] : memref<10240x128xf32, #tpu.memory_space<vmem_shared>> -> memref<64x128xf32, #tpu.memory_space<vmem_shared>>
      tpu.wait_dma2 semaphore(%run_scoped3A : memref<!tpu.dma_semaphore, #tpu.memory_space<semaphore_mem>>) src(%dma_wait3A_169 : memref<64x128xf32, #tpu.memory_space<vmem_shared>>) dst(%dma_wait3A_167 : memref<64x128xf32, #tpu.memory_space<hbm>>)
      tpu.yield
    }) : () -> ()
    %mul3A_98 = arith.constant 640 : i32
    %mul3A_99 = arith.muli %arg1, %mul3A_98 : i32
    %add3A_100 = arith.constant 256 : i32
    %add3A_101 = arith.addi %mul3A_99, %add3A_100 : i32
    %mul3A_102 = arith.constant 10240 : i32
    %mul3A_103 = arith.muli %arg0, %mul3A_102 : i32
    %mul3A_104 = arith.constant 640 : i32
    %mul3A_105 = arith.muli %arg1, %mul3A_104 : i32
    %add3A_106 = arith.addi %mul3A_103, %mul3A_105 : i32
    %add3A_107 = arith.constant 256 : i32
    %add3A_108 = arith.addi %add3A_106, %add3A_107 : i32
    "tpu.region"() ({
      %run_scoped3A = tpu.sem_alloc : memref<!tpu.dma_semaphore, #tpu.memory_space<semaphore_mem>>
      %dma_start3A = arith.constant 0 : i32
      %dma_start3A_164 = tpu.memref_slice %arg7[%add3A_108, %dma_start3A] : memref<20480x128xf32, #tpu.memory_space<hbm>> -> memref<64x128xf32, #tpu.memory_space<hbm>>
      %dma_start3A_165 = arith.constant 0 : i32
      %dma_start3A_166 = tpu.memref_slice %arg16[%add3A_101, %dma_start3A_165] : memref<10240x128xf32, #tpu.memory_space<vmem_shared>> -> memref<64x128xf32, #tpu.memory_space<vmem_shared>>
      tpu.enqueue_dma source(%dma_start3A_166 : memref<64x128xf32, #tpu.memory_space<vmem_shared>>) target(%dma_start3A_164 : memref<64x128xf32, #tpu.memory_space<hbm>>) target_semaphore(%run_scoped3A : memref<!tpu.dma_semaphore, #tpu.memory_space<semaphore_mem>>)
      %dma_wait3A = arith.constant 0 : i32
      %dma_wait3A_167 = tpu.memref_slice %arg7[%add3A_108, %dma_wait3A] : memref<20480x128xf32, #tpu.memory_space<hbm>> -> memref<64x128xf32, #tpu.memory_space<hbm>>
      %dma_wait3A_168 = arith.constant 0 : i32
      %dma_wait3A_169 = tpu.memref_slice %arg16[%add3A_101, %dma_wait3A_168] : memref<10240x128xf32, #tpu.memory_space<vmem_shared>> -> memref<64x128xf32, #tpu.memory_space<vmem_shared>>
      tpu.wait_dma2 semaphore(%run_scoped3A : memref<!tpu.dma_semaphore, #tpu.memory_space<semaphore_mem>>) src(%dma_wait3A_169 : memref<64x128xf32, #tpu.memory_space<vmem_shared>>) dst(%dma_wait3A_167 : memref<64x128xf32, #tpu.memory_space<hbm>>)
      tpu.yield
    }) : () -> ()
    %mul3A_109 = arith.constant 640 : i32
    %mul3A_110 = arith.muli %arg1, %mul3A_109 : i32
    %add3A_111 = arith.constant 320 : i32
    %add3A_112 = arith.addi %mul3A_110, %add3A_111 : i32
    %mul3A_113 = arith.constant 10240 : i32
    %mul3A_114 = arith.muli %arg0, %mul3A_113 : i32
    %mul3A_115 = arith.constant 640 : i32
    %mul3A_116 = arith.muli %arg1, %mul3A_115 : i32
    %add3A_117 = arith.addi %mul3A_114, %mul3A_116 : i32
    %add3A_118 = arith.constant 320 : i32
    %add3A_119 = arith.addi %add3A_117, %add3A_118 : i32
    "tpu.region"() ({
      %run_scoped3A = tpu.sem_alloc : memref<!tpu.dma_semaphore, #tpu.memory_space<semaphore_mem>>
      %dma_start3A = arith.constant 0 : i32
      %dma_start3A_164 = tpu.memref_slice %arg7[%add3A_119, %dma_start3A] : memref<20480x128xf32, #tpu.memory_space<hbm>> -> memref<64x128xf32, #tpu.memory_space<hbm>>
      %dma_start3A_165 = arith.constant 0 : i32
      %dma_start3A_166 = tpu.memref_slice %arg16[%add3A_112, %dma_start3A_165] : memref<10240x128xf32, #tpu.memory_space<vmem_shared>> -> memref<64x128xf32, #tpu.memory_space<vmem_shared>>
      tpu.enqueue_dma source(%dma_start3A_166 : memref<64x128xf32, #tpu.memory_space<vmem_shared>>) target(%dma_start3A_164 : memref<64x128xf32, #tpu.memory_space<hbm>>) target_semaphore(%run_scoped3A : memref<!tpu.dma_semaphore, #tpu.memory_space<semaphore_mem>>)
      %dma_wait3A = arith.constant 0 : i32
      %dma_wait3A_167 = tpu.memref_slice %arg7[%add3A_119, %dma_wait3A] : memref<20480x128xf32, #tpu.memory_space<hbm>> -> memref<64x128xf32, #tpu.memory_space<hbm>>
      %dma_wait3A_168 = arith.constant 0 : i32
      %dma_wait3A_169 = tpu.memref_slice %arg16[%add3A_112, %dma_wait3A_168] : memref<10240x128xf32, #tpu.memory_space<vmem_shared>> -> memref<64x128xf32, #tpu.memory_space<vmem_shared>>
      tpu.wait_dma2 semaphore(%run_scoped3A : memref<!tpu.dma_semaphore, #tpu.memory_space<semaphore_mem>>) src(%dma_wait3A_169 : memref<64x128xf32, #tpu.memory_space<vmem_shared>>) dst(%dma_wait3A_167 : memref<64x128xf32, #tpu.memory_space<hbm>>)
      tpu.yield
    }) : () -> ()
    %mul3A_120 = arith.constant 640 : i32
    %mul3A_121 = arith.muli %arg1, %mul3A_120 : i32
    %add3A_122 = arith.constant 384 : i32
    %add3A_123 = arith.addi %mul3A_121, %add3A_122 : i32
    %mul3A_124 = arith.constant 10240 : i32
    %mul3A_125 = arith.muli %arg0, %mul3A_124 : i32
    %mul3A_126 = arith.constant 640 : i32
    %mul3A_127 = arith.muli %arg1, %mul3A_126 : i32
    %add3A_128 = arith.addi %mul3A_125, %mul3A_127 : i32
    %add3A_129 = arith.constant 384 : i32
    %add3A_130 = arith.addi %add3A_128, %add3A_129 : i32
    "tpu.region"() ({
      %run_scoped3A = tpu.sem_alloc : memref<!tpu.dma_semaphore, #tpu.memory_space<semaphore_mem>>
      %dma_start3A = arith.constant 0 : i32
      %dma_start3A_164 = tpu.memref_slice %arg7[%add3A_130, %dma_start3A] : memref<20480x128xf32, #tpu.memory_space<hbm>> -> memref<64x128xf32, #tpu.memory_space<hbm>>
      %dma_start3A_165 = arith.constant 0 : i32
      %dma_start3A_166 = tpu.memref_slice %arg16[%add3A_123, %dma_start3A_165] : memref<10240x128xf32, #tpu.memory_space<vmem_shared>> -> memref<64x128xf32, #tpu.memory_space<vmem_shared>>
      tpu.enqueue_dma source(%dma_start3A_166 : memref<64x128xf32, #tpu.memory_space<vmem_shared>>) target(%dma_start3A_164 : memref<64x128xf32, #tpu.memory_space<hbm>>) target_semaphore(%run_scoped3A : memref<!tpu.dma_semaphore, #tpu.memory_space<semaphore_mem>>)
      %dma_wait3A = arith.constant 0 : i32
      %dma_wait3A_167 = tpu.memref_slice %arg7[%add3A_130, %dma_wait3A] : memref<20480x128xf32, #tpu.memory_space<hbm>> -> memref<64x128xf32, #tpu.memory_space<hbm>>
      %dma_wait3A_168 = arith.constant 0 : i32
      %dma_wait3A_169 = tpu.memref_slice %arg16[%add3A_123, %dma_wait3A_168] : memref<10240x128xf32, #tpu.memory_space<vmem_shared>> -> memref<64x128xf32, #tpu.memory_space<vmem_shared>>
      tpu.wait_dma2 semaphore(%run_scoped3A : memref<!tpu.dma_semaphore, #tpu.memory_space<semaphore_mem>>) src(%dma_wait3A_169 : memref<64x128xf32, #tpu.memory_space<vmem_shared>>) dst(%dma_wait3A_167 : memref<64x128xf32, #tpu.memory_space<hbm>>)
      tpu.yield
    }) : () -> ()
    %mul3A_131 = arith.constant 640 : i32
    %mul3A_132 = arith.muli %arg1, %mul3A_131 : i32
    %add3A_133 = arith.constant 448 : i32
    %add3A_134 = arith.addi %mul3A_132, %add3A_133 : i32
    %mul3A_135 = arith.constant 10240 : i32
    %mul3A_136 = arith.muli %arg0, %mul3A_135 : i32
    %mul3A_137 = arith.constant 640 : i32
    %mul3A_138 = arith.muli %arg1, %mul3A_137 : i32
    %add3A_139 = arith.addi %mul3A_136, %mul3A_138 : i32
    %add3A_140 = arith.constant 448 : i32
    %add3A_141 = arith.addi %add3A_139, %add3A_140 : i32
    "tpu.region"() ({
      %run_scoped3A = tpu.sem_alloc : memref<!tpu.dma_semaphore, #tpu.memory_space<semaphore_mem>>
      %dma_start3A = arith.constant 0 : i32
      %dma_start3A_164 = tpu.memref_slice %arg7[%add3A_141, %dma_start3A] : memref<20480x128xf32, #tpu.memory_space<hbm>> -> memref<64x128xf32, #tpu.memory_space<hbm>>
      %dma_start3A_165 = arith.constant 0 : i32
      %dma_start3A_166 = tpu.memref_slice %arg16[%add3A_134, %dma_start3A_165] : memref<10240x128xf32, #tpu.memory_space<vmem_shared>> -> memref<64x128xf32, #tpu.memory_space<vmem_shared>>
      tpu.enqueue_dma source(%dma_start3A_166 : memref<64x128xf32, #tpu.memory_space<vmem_shared>>) target(%dma_start3A_164 : memref<64x128xf32, #tpu.memory_space<hbm>>) target_semaphore(%run_scoped3A : memref<!tpu.dma_semaphore, #tpu.memory_space<semaphore_mem>>)
      %dma_wait3A = arith.constant 0 : i32
      %dma_wait3A_167 = tpu.memref_slice %arg7[%add3A_141, %dma_wait3A] : memref<20480x128xf32, #tpu.memory_space<hbm>> -> memref<64x128xf32, #tpu.memory_space<hbm>>
      %dma_wait3A_168 = arith.constant 0 : i32
      %dma_wait3A_169 = tpu.memref_slice %arg16[%add3A_134, %dma_wait3A_168] : memref<10240x128xf32, #tpu.memory_space<vmem_shared>> -> memref<64x128xf32, #tpu.memory_space<vmem_shared>>
      tpu.wait_dma2 semaphore(%run_scoped3A : memref<!tpu.dma_semaphore, #tpu.memory_space<semaphore_mem>>) src(%dma_wait3A_169 : memref<64x128xf32, #tpu.memory_space<vmem_shared>>) dst(%dma_wait3A_167 : memref<64x128xf32, #tpu.memory_space<hbm>>)
      tpu.yield
    }) : () -> ()
    %mul3A_142 = arith.constant 640 : i32
    %mul3A_143 = arith.muli %arg1, %mul3A_142 : i32
    %add3A_144 = arith.constant 512 : i32
    %add3A_145 = arith.addi %mul3A_143, %add3A_144 : i32
    %mul3A_146 = arith.constant 10240 : i32
    %mul3A_147 = arith.muli %arg0, %mul3A_146 : i32
    %mul3A_148 = arith.constant 640 : i32
    %mul3A_149 = arith.muli %arg1, %mul3A_148 : i32
    %add3A_150 = arith.addi %mul3A_147, %mul3A_149 : i32
    %add3A_151 = arith.constant 512 : i32
    %add3A_152 = arith.addi %add3A_150, %add3A_151 : i32
    "tpu.region"() ({
      %run_scoped3A = tpu.sem_alloc : memref<!tpu.dma_semaphore, #tpu.memory_space<semaphore_mem>>
      %dma_start3A = arith.constant 0 : i32
      %dma_start3A_164 = tpu.memref_slice %arg7[%add3A_152, %dma_start3A] : memref<20480x128xf32, #tpu.memory_space<hbm>> -> memref<64x128xf32, #tpu.memory_space<hbm>>
      %dma_start3A_165 = arith.constant 0 : i32
      %dma_start3A_166 = tpu.memref_slice %arg16[%add3A_145, %dma_start3A_165] : memref<10240x128xf32, #tpu.memory_space<vmem_shared>> -> memref<64x128xf32, #tpu.memory_space<vmem_shared>>
      tpu.enqueue_dma source(%dma_start3A_166 : memref<64x128xf32, #tpu.memory_space<vmem_shared>>) target(%dma_start3A_164 : memref<64x128xf32, #tpu.memory_space<hbm>>) target_semaphore(%run_scoped3A : memref<!tpu.dma_semaphore, #tpu.memory_space<semaphore_mem>>)
      %dma_wait3A = arith.constant 0 : i32
      %dma_wait3A_167 = tpu.memref_slice %arg7[%add3A_152, %dma_wait3A] : memref<20480x128xf32, #tpu.memory_space<hbm>> -> memref<64x128xf32, #tpu.memory_space<hbm>>
      %dma_wait3A_168 = arith.constant 0 : i32
      %dma_wait3A_169 = tpu.memref_slice %arg16[%add3A_145, %dma_wait3A_168] : memref<10240x128xf32, #tpu.memory_space<vmem_shared>> -> memref<64x128xf32, #tpu.memory_space<vmem_shared>>
      tpu.wait_dma2 semaphore(%run_scoped3A : memref<!tpu.dma_semaphore, #tpu.memory_space<semaphore_mem>>) src(%dma_wait3A_169 : memref<64x128xf32, #tpu.memory_space<vmem_shared>>) dst(%dma_wait3A_167 : memref<64x128xf32, #tpu.memory_space<hbm>>)
      tpu.yield
    }) : () -> ()
    %mul3A_153 = arith.constant 640 : i32
    %mul3A_154 = arith.muli %arg1, %mul3A_153 : i32
    %add3A_155 = arith.constant 576 : i32
    %add3A_156 = arith.addi %mul3A_154, %add3A_155 : i32
    %mul3A_157 = arith.constant 10240 : i32
    %mul3A_158 = arith.muli %arg0, %mul3A_157 : i32
    %mul3A_159 = arith.constant 640 : i32
    %mul3A_160 = arith.muli %arg1, %mul3A_159 : i32
    %add3A_161 = arith.addi %mul3A_158, %mul3A_160 : i32
    %add3A_162 = arith.constant 576 : i32
    %add3A_163 = arith.addi %add3A_161, %add3A_162 : i32
    "tpu.region"() ({
      %run_scoped3A = tpu.sem_alloc : memref<!tpu.dma_semaphore, #tpu.memory_space<semaphore_mem>>
      %dma_start3A = arith.constant 0 : i32
      %dma_start3A_164 = tpu.memref_slice %arg7[%add3A_163, %dma_start3A] : memref<20480x128xf32, #tpu.memory_space<hbm>> -> memref<64x128xf32, #tpu.memory_space<hbm>>
      %dma_start3A_165 = arith.constant 0 : i32
      %dma_start3A_166 = tpu.memref_slice %arg16[%add3A_156, %dma_start3A_165] : memref<10240x128xf32, #tpu.memory_space<vmem_shared>> -> memref<64x128xf32, #tpu.memory_space<vmem_shared>>
      tpu.enqueue_dma source(%dma_start3A_166 : memref<64x128xf32, #tpu.memory_space<vmem_shared>>) target(%dma_start3A_164 : memref<64x128xf32, #tpu.memory_space<hbm>>) target_semaphore(%run_scoped3A : memref<!tpu.dma_semaphore, #tpu.memory_space<semaphore_mem>>)
      %dma_wait3A = arith.constant 0 : i32
      %dma_wait3A_167 = tpu.memref_slice %arg7[%add3A_163, %dma_wait3A] : memref<20480x128xf32, #tpu.memory_space<hbm>> -> memref<64x128xf32, #tpu.memory_space<hbm>>
      %dma_wait3A_168 = arith.constant 0 : i32
      %dma_wait3A_169 = tpu.memref_slice %arg16[%add3A_156, %dma_wait3A_168] : memref<10240x128xf32, #tpu.memory_space<vmem_shared>> -> memref<64x128xf32, #tpu.memory_space<vmem_shared>>
      tpu.wait_dma2 semaphore(%run_scoped3A : memref<!tpu.dma_semaphore, #tpu.memory_space<semaphore_mem>>) src(%dma_wait3A_169 : memref<64x128xf32, #tpu.memory_space<vmem_shared>>) dst(%dma_wait3A_167 : memref<64x128xf32, #tpu.memory_space<hbm>>)
      tpu.yield
    }) : () -> ()
    return
  }
}

module attributes {stable_mosaic.version = 14 : i64} {
  func.func @body(%arg0: i32, %arg1: memref<1280x128xf32, #tpu.memory_space<vmem>>, %arg2: memref<128x128xf32, #tpu.memory_space<vmem>>, %arg3: memref<128x128xf32, #tpu.memory_space<vmem>>, %arg4: memref<1280x128xf32, #tpu.memory_space<vmem>>, %arg5: memref<1280x128xf32, #tpu.memory_space<vmem>>) attributes {dimension_semantics = [#tpu.dimension_semantics<arbitrary>], iteration_bounds = array<i64: 8>, scalar_prefetch = 0 : i64, scratch_operands = 0 : i64, tpu.core_type = #tpu.core_type<tc>, window_params = [{transform_indices = @transform_0, window_bounds = array<i64: 1280, 128>}, {pipeline_mode = #tpu.pipeline_mode<synchronous>, transform_indices = @transform_1, window_bounds = array<i64: 128, 128>}, {pipeline_mode = #tpu.pipeline_mode<synchronous>, transform_indices = @transform_2, window_bounds = array<i64: 128, 128>}, {transform_indices = @transform_3, window_bounds = array<i64: 1280, 128>}, {transform_indices = @transform_4, window_bounds = array<i64: 1280, 128>}]} {
    %get3A = arith.constant 0 : index
    %get3A_0 = arith.constant 0 : index
    %get3A_1 = vector.load %arg1[%get3A, %get3A_0] : memref<1280x128xf32, #tpu.memory_space<vmem>>, vector<1280x128xf32>
    %get3A_2 = arith.constant 0 : index
    %get3A_3 = arith.constant 0 : index
    %get3A_4 = vector.load %arg2[%get3A_2, %get3A_3] : memref<128x128xf32, #tpu.memory_space<vmem>>, vector<128x128xf32>
    %dot_general3A = arith.constant dense<0.000000e+00> : vector<1280x128xf32>
    %dot_general3A_5 = tpu.matmul %get3A_1, %get3A_4, %dot_general3A {dimension_numbers = #tpu.dot_dimension_numbers<[1], [0], [0], [1], [0, 0, 1, 1], [], []>, transpose_lhs_hint = false} : vector<1280x128xf32>, vector<128x128xf32>, vector<1280x128xf32> -> vector<1280x128xf32>
    %swap3A = arith.constant 0 : index
    %swap3A_6 = arith.constant 0 : index
    %swap3A_7 = vector.load %arg4[%swap3A, %swap3A_6] : memref<1280x128xf32, #tpu.memory_space<vmem>>, vector<1280x128xf32>
    tpu.vector_store %arg4[%swap3A, %swap3A_6], %dot_general3A_5 {strides = array<i32>} : memref<1280x128xf32, #tpu.memory_space<vmem>>, vector<1280x128xf32>,
    %get3A_8 = arith.constant 0 : index
    %get3A_9 = arith.constant 0 : index
    %get3A_10 = vector.load %arg3[%get3A_8, %get3A_9] : memref<128x128xf32, #tpu.memory_space<vmem>>, vector<128x128xf32>
    %dot_general3A_11 = arith.constant dense<0.000000e+00> : vector<1280x128xf32>
    %dot_general3A_12 = tpu.matmul %get3A_1, %get3A_10, %dot_general3A_11 {dimension_numbers = #tpu.dot_dimension_numbers<[1], [0], [0], [1], [0, 0, 1, 1], [], []>, transpose_lhs_hint = false} : vector<1280x128xf32>, vector<128x128xf32>, vector<1280x128xf32> -> vector<1280x128xf32>
    %swap3A_13 = arith.constant 0 : index
    %swap3A_14 = arith.constant 0 : index
    %swap3A_15 = vector.load %arg5[%swap3A_13, %swap3A_14] : memref<1280x128xf32, #tpu.memory_space<vmem>>, vector<1280x128xf32>
    tpu.vector_store %arg5[%swap3A_13, %swap3A_14], %dot_general3A_12 {strides = array<i32>} : memref<1280x128xf32, #tpu.memory_space<vmem>>, vector<1280x128xf32>,
    return
  }
  func.func @transform_0(%arg0: i32) -> (i32, i32) {
    %c0_i32 = arith.constant 0 : i32
    %c0_i32_0 = arith.constant 0 : i32
    return %arg0, %c0_i32 : i32, i32
  }
  func.func @transform_1(%arg0: i32) -> (i32, i32) {
    %c0_i32 = arith.constant 0 : i32
    %c0_i32_0 = arith.constant 0 : i32
    %c0_i32_1 = arith.constant 0 : i32
    return %c0_i32, %c0_i32_0 : i32, i32
  }
  func.func @transform_2(%arg0: i32) -> (i32, i32) {
    %c0_i32 = arith.constant 0 : i32
    %c0_i32_0 = arith.constant 0 : i32
    %c0_i32_1 = arith.constant 0 : i32
    return %c0_i32, %c0_i32_0 : i32, i32
  }
  func.func @transform_3(%arg0: i32) -> (i32, i32) {
    %c0_i32 = arith.constant 0 : i32
    %c0_i32_0 = arith.constant 0 : i32
    return %arg0, %c0_i32 : i32, i32
  }
  func.func @transform_4(%arg0: i32) -> (i32, i32) {
    %c0_i32 = arith.constant 0 : i32
    %c0_i32_0 = arith.constant 0 : i32
    return %arg0, %c0_i32 : i32, i32
  }
}

module attributes {stable_mosaic.version = 14 : i64} {
  func.func @body(%arg0: i32, %arg1: memref<10048x16xf32, #tpu.memory_space<vmem>>, %arg2: memref<16x128xf32, #tpu.memory_space<vmem>>, %arg3: memref<1x128xf32, #tpu.memory_space<vmem>>, %arg4: memref<10048x128xf32, #tpu.memory_space<vmem>>) attributes {dimension_semantics = [#tpu.dimension_semantics<arbitrary>], iteration_bounds = array<i64: 32>, scalar_prefetch = 0 : i64, scratch_operands = 0 : i64, tpu.core_type = #tpu.core_type<tc>, window_params = [{transform_indices = @transform_0, window_bounds = array<i64: 10048, 16>}, {pipeline_mode = #tpu.pipeline_mode<synchronous>, transform_indices = @transform_1, window_bounds = array<i64: 16, 128>}, {pipeline_mode = #tpu.pipeline_mode<synchronous>, transform_indices = @transform_2, window_bounds = array<i64: 1, 128>}, {transform_indices = @transform_3, window_bounds = array<i64: 10048, 128>}]} {
    %get3A = arith.constant 0 : index
    %get3A_0 = arith.constant 0 : index
    %get3A_1 = vector.load %arg1[%get3A, %get3A_0] : memref<10048x16xf32, #tpu.memory_space<vmem>>, vector<10048x16xf32>
    %get3A_2 = arith.constant 0 : index
    %get3A_3 = arith.constant 0 : index
    %get3A_4 = vector.load %arg2[%get3A_2, %get3A_3] : memref<16x128xf32, #tpu.memory_space<vmem>>, vector<16x128xf32>
    %dot_general3A = arith.constant dense<0.000000e+00> : vector<10048x128xf32>
    %dot_general3A_5 = tpu.matmul %get3A_1, %get3A_4, %dot_general3A {dimension_numbers = #tpu.dot_dimension_numbers<[1], [0], [0], [1], [0, 0, 1, 1], [], []>, transpose_lhs_hint = false} : vector<10048x16xf32>, vector<16x128xf32>, vector<10048x128xf32> -> vector<10048x128xf32>
    %get3A_6 = arith.constant 0 : index
    %get3A_7 = arith.constant 0 : index
    %get3A_8 = vector.load %arg3[%get3A_6, %get3A_7] : memref<1x128xf32, #tpu.memory_space<vmem>>, vector<1x128xf32>
    %add3A = vector.broadcast %get3A_8 : vector<1x128xf32> to vector<10048x128xf32>
    %add3A_9 = arith.addf %dot_general3A_5, %add3A : vector<10048x128xf32>
    %swap3A = arith.constant 0 : index
    %swap3A_10 = arith.constant 0 : index
    %swap3A_11 = vector.load %arg4[%swap3A, %swap3A_10] : memref<10048x128xf32, #tpu.memory_space<vmem>>, vector<10048x128xf32>
    tpu.vector_store %arg4[%swap3A, %swap3A_10], %add3A_9 {strides = array<i32>} : memref<10048x128xf32, #tpu.memory_space<vmem>>, vector<10048x128xf32>,
    return
  }
  func.func @transform_0(%arg0: i32) -> (i32, i32) {
    %c0_i32 = arith.constant 0 : i32
    %c0_i32_0 = arith.constant 0 : i32
    return %arg0, %c0_i32 : i32, i32
  }
  func.func @transform_1(%arg0: i32) -> (i32, i32) {
    %c0_i32 = arith.constant 0 : i32
    %c0_i32_0 = arith.constant 0 : i32
    %c0_i32_1 = arith.constant 0 : i32
    return %c0_i32, %c0_i32_0 : i32, i32
  }
  func.func @transform_2(%arg0: i32) -> (i32, i32) {
    %c0_i32 = arith.constant 0 : i32
    %c0_i32_0 = arith.constant 0 : i32
    %c0_i32_1 = arith.constant 0 : i32
    return %c0_i32, %c0_i32_0 : i32, i32
  }
  func.func @transform_3(%arg0: i32) -> (i32, i32) {
    %c0_i32 = arith.constant 0 : i32
    %c0_i32_0 = arith.constant 0 : i32
    return %arg0, %c0_i32 : i32, i32
  }
}

module attributes {stable_mosaic.version = 14 : i64} {
  func.func @body(%arg0: i32, %arg1: memref<2x1280x128xf32, #tpu.memory_space<vmem>>, %arg2: memref<32x1280xf32, #tpu.memory_space<vmem>>, %arg3: memref<1280x128xf32, #tpu.memory_space<vmem>>, %arg4: memref<128x128xf32, #tpu.memory_space<vmem>>, %arg5: memref<1x128xf32, #tpu.memory_space<vmem>>, %arg6: memref<256x128xf32, #tpu.memory_space<vmem>>, %arg7: memref<1x128xf32, #tpu.memory_space<vmem>>, %arg8: memref<128x128xf32, #tpu.memory_space<vmem>>, %arg9: memref<1x128xf32, #tpu.memory_space<vmem>>, %arg10: memref<128x128xf32, #tpu.memory_space<vmem>>, %arg11: memref<128x128xf32, #tpu.memory_space<vmem>>, %arg12: memref<1280x128xf32, #tpu.memory_space<vmem>>, %arg13: memref<1280x128xf32, #tpu.memory_space<vmem>>, %arg14: memref<1280x128xf32, #tpu.memory_space<vmem>>) attributes {dimension_semantics = [#tpu.dimension_semantics<arbitrary>], iteration_bounds = array<i64: 8>, scalar_prefetch = 0 : i64, scratch_operands = 0 : i64, tpu.core_type = #tpu.core_type<tc>, window_params = [{transform_indices = @transform_0, window_bounds = array<i64: 2, 1280, 128>}, {transform_indices = @transform_1, window_bounds = array<i64: 32, 1280>}, {transform_indices = @transform_2, window_bounds = array<i64: 1280, 128>}, {pipeline_mode = #tpu.pipeline_mode<synchronous>, transform_indices = @transform_3, window_bounds = array<i64: 128, 128>}, {pipeline_mode = #tpu.pipeline_mode<synchronous>, transform_indices = @transform_4, window_bounds = array<i64: 1, 128>}, {pipeline_mode = #tpu.pipeline_mode<synchronous>, transform_indices = @transform_5, window_bounds = array<i64: 256, 128>}, {pipeline_mode = #tpu.pipeline_mode<synchronous>, transform_indices = @transform_6, window_bounds = array<i64: 1, 128>}, {pipeline_mode = #tpu.pipeline_mode<synchronous>, transform_indices = @transform_7, window_bounds = array<i64: 128, 128>}, {pipeline_mode = #tpu.pipeline_mode<synchronous>, transform_indices = @transform_8, window_bounds = array<i64: 1, 128>}, {pipeline_mode = #tpu.pipeline_mode<synchronous>, transform_indices = @transform_9, window_bounds = array<i64: 128, 128>}, {pipeline_mode = #tpu.pipeline_mode<synchronous>, transform_indices = @transform_10, window_bounds = array<i64: 128, 128>}, {transform_indices = @transform_11, window_bounds = array<i64: 1280, 128>}, {transform_indices = @transform_12, window_bounds = array<i64: 1280, 128>}, {transform_indices = @transform_13, window_bounds = array<i64: 1280, 128>}]} {
    %get3A = arith.constant 0 : index
    %get3A_0 = arith.constant 0 : index
    %get3A_1 = arith.constant 0 : index
    %get3A_2 = vector.load %arg1[%get3A, %get3A_0, %get3A_1] : memref<2x1280x128xf32, #tpu.memory_space<vmem>>, vector<1x1280x128xf32>
    %get3A_3 = vector.shape_cast %get3A_2 : vector<1x1280x128xf32> to vector<1280x128xf32>
    %get3A_4 = arith.constant 1 : index
    %get3A_5 = arith.constant 0 : index
    %get3A_6 = arith.constant 0 : index
    %get3A_7 = vector.load %arg1[%get3A_4, %get3A_5, %get3A_6] : memref<2x1280x128xf32, #tpu.memory_space<vmem>>, vector<1x1280x128xf32>
    %get3A_8 = vector.shape_cast %get3A_7 : vector<1x1280x128xf32> to vector<1280x128xf32>
    %add3A = arith.addf %get3A_3, %get3A_8 : vector<1280x128xf32>
    %get3A_9 = arith.constant 0 : index
    %get3A_10 = arith.constant 0 : index
    %get3A_11 = vector.load %arg2[%get3A_9, %get3A_10] : memref<32x1280xf32, #tpu.memory_space<vmem>>, vector<32x1280xf32>
    %reduce_sum3A = arith.constant dense<0.000000e+00> : vector<1280xf32>
    %reduce_sum3A_12 = vector.multi_reduction <add>, %get3A_11, %reduce_sum3A [0] : vector<32x1280xf32> to vector<1280xf32>
    %broadcast_in_dim3A = vector.shape_cast %reduce_sum3A_12 : vector<1280xf32> to vector<1280x1xf32>
    %max3A = arith.constant 1.000000e+00 : f32
    %max3A_13 = vector.broadcast %max3A : f32 to vector<1280x1xf32>
    %max3A_14 = arith.maximumf %broadcast_in_dim3A, %max3A_13 : vector<1280x1xf32>
    %gt3A = arith.constant 0.000000e+00 : f32
    %gt3A_15 = vector.broadcast %gt3A : f32 to vector<1280x1xf32>
    %gt3A_16 = arith.cmpf ogt, %broadcast_in_dim3A, %gt3A_15 : vector<1280x1xf32>
    %convert_element_type3A = arith.extui %gt3A_16 : vector<1280x1xi1> to vector<1280x1xi32>
    %convert_element_type3A_17 = arith.sitofp %convert_element_type3A : vector<1280x1xi32> to vector<1280x1xf32>
    %get3A_18 = arith.constant 0 : index
    %get3A_19 = arith.constant 0 : index
    %get3A_20 = vector.load %arg4[%get3A_18, %get3A_19] : memref<128x128xf32, #tpu.memory_space<vmem>>, vector<128x128xf32>
    %dot_general3A = arith.constant dense<0.000000e+00> : vector<1280x128xf32>
    %dot_general3A_21 = tpu.matmul %add3A, %get3A_20, %dot_general3A {dimension_numbers = #tpu.dot_dimension_numbers<[1], [0], [0], [1], [0, 0, 1, 1], [], []>, transpose_lhs_hint = false} : vector<1280x128xf32>, vector<128x128xf32>, vector<1280x128xf32> -> vector<1280x128xf32>
    %div3A = vector.broadcast %max3A_14 : vector<1280x1xf32> to vector<1280x128xf32>
    %div3A_22 = arith.divf %dot_general3A_21, %div3A : vector<1280x128xf32>
    %get3A_23 = arith.constant 0 : index
    %get3A_24 = arith.constant 0 : index
    %get3A_25 = vector.load %arg5[%get3A_23, %get3A_24] : memref<1x128xf32, #tpu.memory_space<vmem>>, vector<1x128xf32>
    %mul3A = vector.broadcast %get3A_25 : vector<1x128xf32> to vector<1280x128xf32>
    %mul3A_26 = vector.broadcast %convert_element_type3A_17 : vector<1280x1xf32> to vector<1280x128xf32>
    %mul3A_27 = arith.mulf %mul3A, %mul3A_26 : vector<1280x128xf32>
    %add3A_28 = arith.addf %div3A_22, %mul3A_27 : vector<1280x128xf32>
    %get3A_29 = arith.constant 0 : index
    %get3A_30 = arith.constant 0 : index
    %get3A_31 = vector.load %arg3[%get3A_29, %get3A_30] : memref<1280x128xf32, #tpu.memory_space<vmem>>, vector<1280x128xf32>
    %get3A_32 = arith.constant 0 : index
    %get3A_33 = arith.constant 0 : index
    %get3A_34 = vector.load %arg6[%get3A_32, %get3A_33] : memref<256x128xf32, #tpu.memory_space<vmem>>, vector<128x128xf32>
    %dot_general3A_35 = arith.constant dense<0.000000e+00> : vector<1280x128xf32>
    %dot_general3A_36 = tpu.matmul %get3A_31, %get3A_34, %dot_general3A_35 {dimension_numbers = #tpu.dot_dimension_numbers<[1], [0], [0], [1], [0, 0, 1, 1], [], []>, transpose_lhs_hint = false} : vector<1280x128xf32>, vector<128x128xf32>, vector<1280x128xf32> -> vector<1280x128xf32>
    %get3A_37 = arith.constant 128 : index
    %get3A_38 = arith.constant 0 : index
    %get3A_39 = vector.load %arg6[%get3A_37, %get3A_38] : memref<256x128xf32, #tpu.memory_space<vmem>>, vector<128x128xf32>
    %dot_general3A_40 = arith.constant dense<0.000000e+00> : vector<1280x128xf32>
    %dot_general3A_41 = tpu.matmul %add3A_28, %get3A_39, %dot_general3A_40 {dimension_numbers = #tpu.dot_dimension_numbers<[1], [0], [0], [1], [0, 0, 1, 1], [], []>, transpose_lhs_hint = false} : vector<1280x128xf32>, vector<128x128xf32>, vector<1280x128xf32> -> vector<1280x128xf32>
    %add3A_42 = arith.addf %dot_general3A_36, %dot_general3A_41 : vector<1280x128xf32>
    %get3A_43 = arith.constant 0 : index
    %get3A_44 = arith.constant 0 : index
    %get3A_45 = vector.load %arg7[%get3A_43, %get3A_44] : memref<1x128xf32, #tpu.memory_space<vmem>>, vector<1x128xf32>
    %add3A_46 = vector.broadcast %get3A_45 : vector<1x128xf32> to vector<1280x128xf32>
    %add3A_47 = arith.addf %add3A_42, %add3A_46 : vector<1280x128xf32>
    %neg3A = arith.constant 0.000000e+00 : f32
    %neg3A_48 = vector.broadcast %neg3A : f32 to vector<1280x128xf32>
    %neg3A_49 = arith.subf %neg3A_48, %add3A_47 : vector<1280x128xf32>
    %exp3A = math.exp %neg3A_49 : vector<1280x128xf32>
    %add3A_50 = arith.constant 1.000000e+00 : f32
    %add3A_51 = vector.broadcast %add3A_50 : f32 to vector<1280x128xf32>
    %add3A_52 = arith.addf %add3A_51, %exp3A : vector<1280x128xf32>
    %div3A_53 = arith.constant 1.000000e+00 : f32
    %div3A_54 = vector.broadcast %div3A_53 : f32 to vector<1280x128xf32>
    %div3A_55 = arith.divf %div3A_54, %add3A_52 : vector<1280x128xf32>
    %mul3A_56 = arith.mulf %add3A_47, %div3A_55 : vector<1280x128xf32>
    %get3A_57 = arith.constant 0 : index
    %get3A_58 = arith.constant 0 : index
    %get3A_59 = vector.load %arg8[%get3A_57, %get3A_58] : memref<128x128xf32, #tpu.memory_space<vmem>>, vector<128x128xf32>
    %dot_general3A_60 = arith.constant dense<0.000000e+00> : vector<1280x128xf32>
    %dot_general3A_61 = tpu.matmul %mul3A_56, %get3A_59, %dot_general3A_60 {dimension_numbers = #tpu.dot_dimension_numbers<[1], [0], [0], [1], [0, 0, 1, 1], [], []>, transpose_lhs_hint = false} : vector<1280x128xf32>, vector<128x128xf32>, vector<1280x128xf32> -> vector<1280x128xf32>
    %add3A_62 = arith.addf %get3A_31, %dot_general3A_61 : vector<1280x128xf32>
    %get3A_63 = arith.constant 0 : index
    %get3A_64 = arith.constant 0 : index
    %get3A_65 = vector.load %arg9[%get3A_63, %get3A_64] : memref<1x128xf32, #tpu.memory_space<vmem>>, vector<1x128xf32>
    %add3A_66 = vector.broadcast %get3A_65 : vector<1x128xf32> to vector<1280x128xf32>
    %add3A_67 = arith.addf %add3A_62, %add3A_66 : vector<1280x128xf32>
    %swap3A = arith.constant 0 : index
    %swap3A_68 = arith.constant 0 : index
    %swap3A_69 = vector.load %arg12[%swap3A, %swap3A_68] : memref<1280x128xf32, #tpu.memory_space<vmem>>, vector<1280x128xf32>
    tpu.vector_store %arg12[%swap3A, %swap3A_68], %add3A_67 {strides = array<i32>} : memref<1280x128xf32, #tpu.memory_space<vmem>>, vector<1280x128xf32>,
    %get3A_70 = arith.constant 0 : index
    %get3A_71 = arith.constant 0 : index
    %get3A_72 = vector.load %arg10[%get3A_70, %get3A_71] : memref<128x128xf32, #tpu.memory_space<vmem>>, vector<128x128xf32>
    %dot_general3A_73 = arith.constant dense<0.000000e+00> : vector<1280x128xf32>
    %dot_general3A_74 = tpu.matmul %add3A_67, %get3A_72, %dot_general3A_73 {dimension_numbers = #tpu.dot_dimension_numbers<[1], [0], [0], [1], [0, 0, 1, 1], [], []>, transpose_lhs_hint = false} : vector<1280x128xf32>, vector<128x128xf32>, vector<1280x128xf32> -> vector<1280x128xf32>
    %swap3A_75 = arith.constant 0 : index
    %swap3A_76 = arith.constant 0 : index
    %swap3A_77 = vector.load %arg13[%swap3A_75, %swap3A_76] : memref<1280x128xf32, #tpu.memory_space<vmem>>, vector<1280x128xf32>
    tpu.vector_store %arg13[%swap3A_75, %swap3A_76], %dot_general3A_74 {strides = array<i32>} : memref<1280x128xf32, #tpu.memory_space<vmem>>, vector<1280x128xf32>,
    %get3A_78 = arith.constant 0 : index
    %get3A_79 = arith.constant 0 : index
    %get3A_80 = vector.load %arg11[%get3A_78, %get3A_79] : memref<128x128xf32, #tpu.memory_space<vmem>>, vector<128x128xf32>
    %dot_general3A_81 = arith.constant dense<0.000000e+00> : vector<1280x128xf32>
    %dot_general3A_82 = tpu.matmul %add3A_67, %get3A_80, %dot_general3A_81 {dimension_numbers = #tpu.dot_dimension_numbers<[1], [0], [0], [1], [0, 0, 1, 1], [], []>, transpose_lhs_hint = false} : vector<1280x128xf32>, vector<128x128xf32>, vector<1280x128xf32> -> vector<1280x128xf32>
    %swap3A_83 = arith.constant 0 : index
    %swap3A_84 = arith.constant 0 : index
    %swap3A_85 = vector.load %arg14[%swap3A_83, %swap3A_84] : memref<1280x128xf32, #tpu.memory_space<vmem>>, vector<1280x128xf32>
    tpu.vector_store %arg14[%swap3A_83, %swap3A_84], %dot_general3A_82 {strides = array<i32>} : memref<1280x128xf32, #tpu.memory_space<vmem>>, vector<1280x128xf32>,
    return
  }
  func.func @transform_0(%arg0: i32) -> (i32, i32, i32) {
    %c0_i32 = arith.constant 0 : i32
    %c0_i32_0 = arith.constant 0 : i32
    %c0_i32_1 = arith.constant 0 : i32
    return %c0_i32, %arg0, %c0_i32_0 : i32, i32, i32
  }
  func.func @transform_1(%arg0: i32) -> (i32, i32) {
    %c0_i32 = arith.constant 0 : i32
    %c0_i32_0 = arith.constant 0 : i32
    return %c0_i32, %arg0 : i32, i32
  }
  func.func @transform_2(%arg0: i32) -> (i32, i32) {
    %c0_i32 = arith.constant 0 : i32
    %c0_i32_0 = arith.constant 0 : i32
    return %arg0, %c0_i32 : i32, i32
  }
  func.func @transform_3(%arg0: i32) -> (i32, i32) {
    %c0_i32 = arith.constant 0 : i32
    %c0_i32_0 = arith.constant 0 : i32
    %c0_i32_1 = arith.constant 0 : i32
    return %c0_i32, %c0_i32_0 : i32, i32
  }
  func.func @transform_4(%arg0: i32) -> (i32, i32) {
    %c0_i32 = arith.constant 0 : i32
    %c0_i32_0 = arith.constant 0 : i32
    %c0_i32_1 = arith.constant 0 : i32
    return %c0_i32, %c0_i32_0 : i32, i32
  }
  func.func @transform_5(%arg0: i32) -> (i32, i32) {
    %c0_i32 = arith.constant 0 : i32
    %c0_i32_0 = arith.constant 0 : i32
    %c0_i32_1 = arith.constant 0 : i32
    return %c0_i32, %c0_i32_0 : i32, i32
  }
  func.func @transform_6(%arg0: i32) -> (i32, i32) {
    %c0_i32 = arith.constant 0 : i32
    %c0_i32_0 = arith.constant 0 : i32
    %c0_i32_1 = arith.constant 0 : i32
    return %c0_i32, %c0_i32_0 : i32, i32
  }
  func.func @transform_7(%arg0: i32) -> (i32, i32) {
    %c0_i32 = arith.constant 0 : i32
    %c0_i32_0 = arith.constant 0 : i32
    %c0_i32_1 = arith.constant 0 : i32
    return %c0_i32, %c0_i32_0 : i32, i32
  }
  func.func @transform_8(%arg0: i32) -> (i32, i32) {
    %c0_i32 = arith.constant 0 : i32
    %c0_i32_0 = arith.constant 0 : i32
    %c0_i32_1 = arith.constant 0 : i32
    return %c0_i32, %c0_i32_0 : i32, i32
  }
  func.func @transform_9(%arg0: i32) -> (i32, i32) {
    %c0_i32 = arith.constant 0 : i32
    %c0_i32_0 = arith.constant 0 : i32
    %c0_i32_1 = arith.constant 0 : i32
    return %c0_i32, %c0_i32_0 : i32, i32
  }
  func.func @transform_10(%arg0: i32) -> (i32, i32) {
    %c0_i32 = arith.constant 0 : i32
    %c0_i32_0 = arith.constant 0 : i32
    %c0_i32_1 = arith.constant 0 : i32
    return %c0_i32, %c0_i32_0 : i32, i32
  }
  func.func @transform_11(%arg0: i32) -> (i32, i32) {
    %c0_i32 = arith.constant 0 : i32
    %c0_i32_0 = arith.constant 0 : i32
    return %arg0, %c0_i32 : i32, i32
  }
  func.func @transform_12(%arg0: i32) -> (i32, i32) {
    %c0_i32 = arith.constant 0 : i32
    %c0_i32_0 = arith.constant 0 : i32
    return %arg0, %c0_i32 : i32, i32
  }
  func.func @transform_13(%arg0: i32) -> (i32, i32) {
    %c0_i32 = arith.constant 0 : i32
    %c0_i32_0 = arith.constant 0 : i32
    return %arg0, %c0_i32 : i32, i32
  }
}

module attributes {stable_mosaic.version = 14 : i64} {
  func.func @body(%arg0: i32, %arg1: memref<2x1280x128xf32, #tpu.memory_space<vmem>>, %arg2: memref<32x1280xf32, #tpu.memory_space<vmem>>, %arg3: memref<1280x128xf32, #tpu.memory_space<vmem>>, %arg4: memref<128x128xf32, #tpu.memory_space<vmem>>, %arg5: memref<1x128xf32, #tpu.memory_space<vmem>>, %arg6: memref<256x128xf32, #tpu.memory_space<vmem>>, %arg7: memref<1x128xf32, #tpu.memory_space<vmem>>, %arg8: memref<128x128xf32, #tpu.memory_space<vmem>>, %arg9: memref<1x128xf32, #tpu.memory_space<vmem>>, %arg10: memref<128x128xf32, #tpu.memory_space<vmem>>, %arg11: memref<128x128xf32, #tpu.memory_space<vmem>>, %arg12: memref<1280x128xf32, #tpu.memory_space<vmem>>) attributes {dimension_semantics = [#tpu.dimension_semantics<arbitrary>], iteration_bounds = array<i64: 8>, scalar_prefetch = 0 : i64, scratch_operands = 0 : i64, tpu.core_type = #tpu.core_type<tc>, window_params = [{transform_indices = @transform_0, window_bounds = array<i64: 2, 1280, 128>}, {transform_indices = @transform_1, window_bounds = array<i64: 32, 1280>}, {transform_indices = @transform_2, window_bounds = array<i64: 1280, 128>}, {pipeline_mode = #tpu.pipeline_mode<synchronous>, transform_indices = @transform_3, window_bounds = array<i64: 128, 128>}, {pipeline_mode = #tpu.pipeline_mode<synchronous>, transform_indices = @transform_4, window_bounds = array<i64: 1, 128>}, {pipeline_mode = #tpu.pipeline_mode<synchronous>, transform_indices = @transform_5, window_bounds = array<i64: 256, 128>}, {pipeline_mode = #tpu.pipeline_mode<synchronous>, transform_indices = @transform_6, window_bounds = array<i64: 1, 128>}, {pipeline_mode = #tpu.pipeline_mode<synchronous>, transform_indices = @transform_7, window_bounds = array<i64: 128, 128>}, {pipeline_mode = #tpu.pipeline_mode<synchronous>, transform_indices = @transform_8, window_bounds = array<i64: 1, 128>}, {pipeline_mode = #tpu.pipeline_mode<synchronous>, transform_indices = @transform_9, window_bounds = array<i64: 128, 128>}, {pipeline_mode = #tpu.pipeline_mode<synchronous>, transform_indices = @transform_10, window_bounds = array<i64: 128, 128>}, {transform_indices = @transform_11, window_bounds = array<i64: 1280, 128>}]} {
    %get3A = arith.constant 0 : index
    %get3A_0 = arith.constant 0 : index
    %get3A_1 = arith.constant 0 : index
    %get3A_2 = vector.load %arg1[%get3A, %get3A_0, %get3A_1] : memref<2x1280x128xf32, #tpu.memory_space<vmem>>, vector<1x1280x128xf32>
    %get3A_3 = vector.shape_cast %get3A_2 : vector<1x1280x128xf32> to vector<1280x128xf32>
    %get3A_4 = arith.constant 1 : index
    %get3A_5 = arith.constant 0 : index
    %get3A_6 = arith.constant 0 : index
    %get3A_7 = vector.load %arg1[%get3A_4, %get3A_5, %get3A_6] : memref<2x1280x128xf32, #tpu.memory_space<vmem>>, vector<1x1280x128xf32>
    %get3A_8 = vector.shape_cast %get3A_7 : vector<1x1280x128xf32> to vector<1280x128xf32>
    %add3A = arith.addf %get3A_3, %get3A_8 : vector<1280x128xf32>
    %get3A_9 = arith.constant 0 : index
    %get3A_10 = arith.constant 0 : index
    %get3A_11 = vector.load %arg2[%get3A_9, %get3A_10] : memref<32x1280xf32, #tpu.memory_space<vmem>>, vector<32x1280xf32>
    %reduce_sum3A = arith.constant dense<0.000000e+00> : vector<1280xf32>
    %reduce_sum3A_12 = vector.multi_reduction <add>, %get3A_11, %reduce_sum3A [0] : vector<32x1280xf32> to vector<1280xf32>
    %broadcast_in_dim3A = vector.shape_cast %reduce_sum3A_12 : vector<1280xf32> to vector<1280x1xf32>
    %max3A = arith.constant 1.000000e+00 : f32
    %max3A_13 = vector.broadcast %max3A : f32 to vector<1280x1xf32>
    %max3A_14 = arith.maximumf %broadcast_in_dim3A, %max3A_13 : vector<1280x1xf32>
    %gt3A = arith.constant 0.000000e+00 : f32
    %gt3A_15 = vector.broadcast %gt3A : f32 to vector<1280x1xf32>
    %gt3A_16 = arith.cmpf ogt, %broadcast_in_dim3A, %gt3A_15 : vector<1280x1xf32>
    %convert_element_type3A = arith.extui %gt3A_16 : vector<1280x1xi1> to vector<1280x1xi32>
    %convert_element_type3A_17 = arith.sitofp %convert_element_type3A : vector<1280x1xi32> to vector<1280x1xf32>
    %get3A_18 = arith.constant 0 : index
    %get3A_19 = arith.constant 0 : index
    %get3A_20 = vector.load %arg4[%get3A_18, %get3A_19] : memref<128x128xf32, #tpu.memory_space<vmem>>, vector<128x128xf32>
    %dot_general3A = arith.constant dense<0.000000e+00> : vector<1280x128xf32>
    %dot_general3A_21 = tpu.matmul %add3A, %get3A_20, %dot_general3A {dimension_numbers = #tpu.dot_dimension_numbers<[1], [0], [0], [1], [0, 0, 1, 1], [], []>, transpose_lhs_hint = false} : vector<1280x128xf32>, vector<128x128xf32>, vector<1280x128xf32> -> vector<1280x128xf32>
    %div3A = vector.broadcast %max3A_14 : vector<1280x1xf32> to vector<1280x128xf32>
    %div3A_22 = arith.divf %dot_general3A_21, %div3A : vector<1280x128xf32>
    %get3A_23 = arith.constant 0 : index
    %get3A_24 = arith.constant 0 : index
    %get3A_25 = vector.load %arg5[%get3A_23, %get3A_24] : memref<1x128xf32, #tpu.memory_space<vmem>>, vector<1x128xf32>
    %mul3A = vector.broadcast %get3A_25 : vector<1x128xf32> to vector<1280x128xf32>
    %mul3A_26 = vector.broadcast %convert_element_type3A_17 : vector<1280x1xf32> to vector<1280x128xf32>
    %mul3A_27 = arith.mulf %mul3A, %mul3A_26 : vector<1280x128xf32>
    %add3A_28 = arith.addf %div3A_22, %mul3A_27 : vector<1280x128xf32>
    %get3A_29 = arith.constant 0 : index
    %get3A_30 = arith.constant 0 : index
    %get3A_31 = vector.load %arg3[%get3A_29, %get3A_30] : memref<1280x128xf32, #tpu.memory_space<vmem>>, vector<1280x128xf32>
    %get3A_32 = arith.constant 0 : index
    %get3A_33 = arith.constant 0 : index
    %get3A_34 = vector.load %arg6[%get3A_32, %get3A_33] : memref<256x128xf32, #tpu.memory_space<vmem>>, vector<128x128xf32>
    %dot_general3A_35 = arith.constant dense<0.000000e+00> : vector<1280x128xf32>
    %dot_general3A_36 = tpu.matmul %get3A_31, %get3A_34, %dot_general3A_35 {dimension_numbers = #tpu.dot_dimension_numbers<[1], [0], [0], [1], [0, 0, 1, 1], [], []>, transpose_lhs_hint = false} : vector<1280x128xf32>, vector<128x128xf32>, vector<1280x128xf32> -> vector<1280x128xf32>
    %get3A_37 = arith.constant 128 : index
    %get3A_38 = arith.constant 0 : index
    %get3A_39 = vector.load %arg6[%get3A_37, %get3A_38] : memref<256x128xf32, #tpu.memory_space<vmem>>, vector<128x128xf32>
    %dot_general3A_40 = arith.constant dense<0.000000e+00> : vector<1280x128xf32>
    %dot_general3A_41 = tpu.matmul %add3A_28, %get3A_39, %dot_general3A_40 {dimension_numbers = #tpu.dot_dimension_numbers<[1], [0], [0], [1], [0, 0, 1, 1], [], []>, transpose_lhs_hint = false} : vector<1280x128xf32>, vector<128x128xf32>, vector<1280x128xf32> -> vector<1280x128xf32>
    %add3A_42 = arith.addf %dot_general3A_36, %dot_general3A_41 : vector<1280x128xf32>
    %get3A_43 = arith.constant 0 : index
    %get3A_44 = arith.constant 0 : index
    %get3A_45 = vector.load %arg7[%get3A_43, %get3A_44] : memref<1x128xf32, #tpu.memory_space<vmem>>, vector<1x128xf32>
    %add3A_46 = vector.broadcast %get3A_45 : vector<1x128xf32> to vector<1280x128xf32>
    %add3A_47 = arith.addf %add3A_42, %add3A_46 : vector<1280x128xf32>
    %neg3A = arith.constant 0.000000e+00 : f32
    %neg3A_48 = vector.broadcast %neg3A : f32 to vector<1280x128xf32>
    %neg3A_49 = arith.subf %neg3A_48, %add3A_47 : vector<1280x128xf32>
    %exp3A = math.exp %neg3A_49 : vector<1280x128xf32>
    %add3A_50 = arith.constant 1.000000e+00 : f32
    %add3A_51 = vector.broadcast %add3A_50 : f32 to vector<1280x128xf32>
    %add3A_52 = arith.addf %add3A_51, %exp3A : vector<1280x128xf32>
    %div3A_53 = arith.constant 1.000000e+00 : f32
    %div3A_54 = vector.broadcast %div3A_53 : f32 to vector<1280x128xf32>
    %div3A_55 = arith.divf %div3A_54, %add3A_52 : vector<1280x128xf32>
    %mul3A_56 = arith.mulf %add3A_47, %div3A_55 : vector<1280x128xf32>
    %get3A_57 = arith.constant 0 : index
    %get3A_58 = arith.constant 0 : index
    %get3A_59 = vector.load %arg8[%get3A_57, %get3A_58] : memref<128x128xf32, #tpu.memory_space<vmem>>, vector<128x128xf32>
    %dot_general3A_60 = arith.constant dense<0.000000e+00> : vector<1280x128xf32>
    %dot_general3A_61 = tpu.matmul %mul3A_56, %get3A_59, %dot_general3A_60 {dimension_numbers = #tpu.dot_dimension_numbers<[1], [0], [0], [1], [0, 0, 1, 1], [], []>, transpose_lhs_hint = false} : vector<1280x128xf32>, vector<128x128xf32>, vector<1280x128xf32> -> vector<1280x128xf32>
    %add3A_62 = arith.addf %get3A_31, %dot_general3A_61 : vector<1280x128xf32>
    %get3A_63 = arith.constant 0 : index
    %get3A_64 = arith.constant 0 : index
    %get3A_65 = vector.load %arg9[%get3A_63, %get3A_64] : memref<1x128xf32, #tpu.memory_space<vmem>>, vector<1x128xf32>
    %add3A_66 = vector.broadcast %get3A_65 : vector<1x128xf32> to vector<1280x128xf32>
    %add3A_67 = arith.addf %add3A_62, %add3A_66 : vector<1280x128xf32>
    %swap3A = arith.constant 0 : index
    %swap3A_68 = arith.constant 0 : index
    %swap3A_69 = vector.load %arg12[%swap3A, %swap3A_68] : memref<1280x128xf32, #tpu.memory_space<vmem>>, vector<1280x128xf32>
    tpu.vector_store %arg12[%swap3A, %swap3A_68], %add3A_67 {strides = array<i32>} : memref<1280x128xf32, #tpu.memory_space<vmem>>, vector<1280x128xf32>,
    return
  }
  func.func @transform_0(%arg0: i32) -> (i32, i32, i32) {
    %c0_i32 = arith.constant 0 : i32
    %c0_i32_0 = arith.constant 0 : i32
    %c0_i32_1 = arith.constant 0 : i32
    return %c0_i32, %arg0, %c0_i32_0 : i32, i32, i32
  }
  func.func @transform_1(%arg0: i32) -> (i32, i32) {
    %c0_i32 = arith.constant 0 : i32
    %c0_i32_0 = arith.constant 0 : i32
    return %c0_i32, %arg0 : i32, i32
  }
  func.func @transform_2(%arg0: i32) -> (i32, i32) {
    %c0_i32 = arith.constant 0 : i32
    %c0_i32_0 = arith.constant 0 : i32
    return %arg0, %c0_i32 : i32, i32
  }
  func.func @transform_3(%arg0: i32) -> (i32, i32) {
    %c0_i32 = arith.constant 0 : i32
    %c0_i32_0 = arith.constant 0 : i32
    %c0_i32_1 = arith.constant 0 : i32
    return %c0_i32, %c0_i32_0 : i32, i32
  }
  func.func @transform_4(%arg0: i32) -> (i32, i32) {
    %c0_i32 = arith.constant 0 : i32
    %c0_i32_0 = arith.constant 0 : i32
    %c0_i32_1 = arith.constant 0 : i32
    return %c0_i32, %c0_i32_0 : i32, i32
  }
  func.func @transform_5(%arg0: i32) -> (i32, i32) {
    %c0_i32 = arith.constant 0 : i32
    %c0_i32_0 = arith.constant 0 : i32
    %c0_i32_1 = arith.constant 0 : i32
    return %c0_i32, %c0_i32_0 : i32, i32
  }
  func.func @transform_6(%arg0: i32) -> (i32, i32) {
    %c0_i32 = arith.constant 0 : i32
    %c0_i32_0 = arith.constant 0 : i32
    %c0_i32_1 = arith.constant 0 : i32
    return %c0_i32, %c0_i32_0 : i32, i32
  }
  func.func @transform_7(%arg0: i32) -> (i32, i32) {
    %c0_i32 = arith.constant 0 : i32
    %c0_i32_0 = arith.constant 0 : i32
    %c0_i32_1 = arith.constant 0 : i32
    return %c0_i32, %c0_i32_0 : i32, i32
  }
  func.func @transform_8(%arg0: i32) -> (i32, i32) {
    %c0_i32 = arith.constant 0 : i32
    %c0_i32_0 = arith.constant 0 : i32
    %c0_i32_1 = arith.constant 0 : i32
    return %c0_i32, %c0_i32_0 : i32, i32
  }
  func.func @transform_9(%arg0: i32) -> (i32, i32) {
    %c0_i32 = arith.constant 0 : i32
    %c0_i32_0 = arith.constant 0 : i32
    %c0_i32_1 = arith.constant 0 : i32
    return %c0_i32, %c0_i32_0 : i32, i32
  }
  func.func @transform_10(%arg0: i32) -> (i32, i32) {
    %c0_i32 = arith.constant 0 : i32
    %c0_i32_0 = arith.constant 0 : i32
    %c0_i32_1 = arith.constant 0 : i32
    return %c0_i32, %c0_i32_0 : i32, i32
  }
  func.func @transform_11(%arg0: i32) -> (i32, i32) {
    %c0_i32 = arith.constant 0 : i32
    %c0_i32_0 = arith.constant 0 : i32
    return %arg0, %c0_i32 : i32, i32
  }
}

</mosaic_0001>

<sc_bundles>
// kernel: kernel.11.cloned.1.call-start
scs
__scs_entry_jumppad:
0x0: {  	(pc) =	sbr.rel $0x88, $3  }
0x1: {  	(tag) =	ssettag $0x0;
	lr =	simm.s32 $0x1  }
0x2: {  	[smem:$0x3F96] =	sst lr;
	_ =	strace $0xD0000000  }
0x3: {  	_ = 	snop  }
0x4: {  	_ = 	snop  }
0x5: {  	_ = 	snop  }
0x6: {  	_ = 	snop  }
0x7: {  	_ = 	snop  }
__scs_overlays_trampoline_lowered:
0x8: {  	[smem:$0x3FA5] =	sst s0  }
0x9: {  	[smem:$0x3FA6] =	sst s1  }
0xa: {  	[smem:$0x3FA7] =	sst s2  }
0xb: {  	[smem:$0x3FA8] =	sst s3  }
0xc: {  	[smem:$0x3FA9] =	sst s4  }
0xd: {  	[smem:$0x3FAA] =	sst s5  }
0xe: {  	[smem:$0x3FAB] =	sst s6  }
0xf: {  	[smem:$0x3FAC] =	sst s7  }
0x10: {  	[smem:$0x3FAD] =	sst s8  }
0x11: {  	[smem:$0x3FAE] =	sst s9;
	s0 =	simm.s32 @!p0 $0x0  }
0x12: {  	s1 =	sld [smem:$0x3F94];
	s0 =	simm.s32 @p0 $0x1  }
0x13: {  	[smem:$0x3FAF] =	sst s0;
	s0 =	simm.s32 @!p1 $0x0  }
0x14: {  	s2 =	sld [smem:$0x3F93];
	s0 =	simm.s32 @p1 $0x1  }
0x15: {  	[smem:$0x3FB0] =	sst s0;
	s0 =	simm.s32 @!p2 $0x0  }
0x16: {  	s3 =	sld [smem:$0x3FDB];
	s0 =	simm.s32 @p2 $0x1  }
0x17: {  	s4 =	simm.s32 $0x1BF5;
	[smem:$0x3FB2] =	sst s0  }
0x18: {  	s0 =	sld [smem:$0x3F95];
	_ =	swait.ge [sflag:s4], $0x0  }
0x19: {  	s7 =	sld [smem:$0x3F96]  }
0x1a: {  	s8 =	sadd.s32 $0xFFFFE003, lr  }
0x1b: {  	s9 =	sadd.s32 $0xFFFFFEF7, lr;
	s5 =	simm.s32 $0xFFFFFFFF;
	p2 =	slt.u32 s8, $0xFFFFF086  }
0x1c: {  	p1 =	slt.u32 s9, $0xF7A;
	s5 =	simm.s32 @!p2 $0x0  }
0x1d: {  	s5 =	simm.s32 @p1 $0x1;
	p0 =	seq.s32 s7, s2  }
0x1e: {  	s7 =	smul.u32 @!p0 $0xF7A, s2;
	p2 =	seq.s32 @!p0 s5, $0x0  }
0x1f: {  	s9 =	smul.u32 $0xF7A, s1;
	s8 =	simm.s32 @!p0 $0x1BF5;
	p2 =	por !p2, p0  }
0x20: {  	[sflag:s8] =	ssyncset.s32 @!p0 $0xFFFFF086;
	s6 =	sadd.s32 @!p0 s3, s7;
	s7 =	simm.s32 @!p0 $0x108  }
0x21: {  	s3 =	sadd.s32 s3, s9;
	s6 =	sadd.s32 @!p0 $0x88, s6;
	s7 =	simm.s32 @p2 $0x1082  }
0x22: {  	[simem:s7], [sflag:s8] =	dma.local @!p0 [hbm:s6], $0xF7A  }
0x23: {  	s9 =	sor.u32 $0xD0000000, s2;
	s6 =	simm.s32 $0x108;
	_ =	swait.ge @!p0 [sflag:s8], $0x0  }
0x24: {  	s3 =	sadd.s32 $0x88, s3;
	s6 =	simm.s32 @!p1 $0x1082;
	[sflag:s4] =	ssyncset.s32 $0xFFFFF086  }
0x25: {  	[simem:s6], [sflag:s4] =	dma.local [hbm:s3], $0xF7A  }
0x26: {  	[smem:$0x3F96] =	sst s1;
	(tag) =	ssettag s2;
	_ =	strace s9  }
0x27: {  	s1 =	sld [smem:$0x3FA6]  }
0x28: {  	s2 =	sld [smem:$0x3FA7]  }
0x29: {  	s4 =	sld [smem:$0x3FA9]  }
0x2a: {  	p0 =	seq.s32 s5, $0x0;
	s5 =	sld [smem:$0x3FAA]  }
0x2b: {  	s6 =	sld [smem:$0x3FAB]  }
0x2c: {  	s7 =	sld [smem:$0x3FAC]  }
0x2d: {  	s3 =	simm.s32 $0x108;
	s8 =	sld [smem:$0x3FAD]  }
0x2e: {  	s3 =	simm.s32 @!p0 $0x1082;
	s9 =	sld [smem:$0x3FAE]  }
0x2f: {  	lr =	sadd.s32 s0, s3;
	s0 =	sld [smem:$0x3FA5]  }
0x30: {  	s3 =	sld [smem:$0x3FA8]  }
0x31: {  	[smem:$0x3FB1] =	sst s10  }
0x32: {  	s10 =	sld [smem:$0x3FAF];
	_ =	sdelay $0x3  }
0x33: {  	p0 =	seq.s32 s10, $0x1;
	s10 =	sld [smem:$0x3FB1];
	_ =	sdelay $0x3  }
0x34: {  	[smem:$0x3FB1] =	sst s10  }
0x35: {  	s10 =	sld [smem:$0x3FB0];
	_ =	sdelay $0x3  }
0x36: {  	p1 =	seq.s32 s10, $0x1;
	s10 =	sld [smem:$0x3FB1];
	_ =	sdelay $0x3  }
0x37: {  	[smem:$0x3FB1] =	sst s10  }
0x38: {  	s10 =	sld [smem:$0x3FB2]  }
0x39: {  	_ = 	snop;
	(pc) =	sbr.ind lr, $3  }
0x3a: {  	_ = 	snop  }
0x3b: {  	_ = 	snop  }
0x3c: {  	p2 =	seq.s32 s10, $0x1;
	s10 =	sld [smem:$0x3FB1]  }
0x3d: {  	_ =	shalt  }
0x3e: {  	_ =	shalt  }
0x3f: {  	_ =	shalt  }
0x40: {  	_ =	shalt  }
0x41: {  	_ =	shalt  }
0x42: {  	_ =	shalt  }
0x43: {  	_ =	shalt  }
0x44: {  	_ =	shalt  }
0x45: {  	_ =	shalt  }
0x46: {  	_ =	shalt  }
0x47: {  	_ =	shalt  }
0x48: {  	_ =	shalt  }
0x49: {  	_ =	shalt  }
0x4a: {  	_ =	shalt  }
0x4b: {  	_ =	shalt  }
0x4c: {  	_ =	shalt  }
0x4d: {  	_ =	shalt  }
0x4e: {  	_ =	shalt  }
0x4f: {  	_ =	shalt  }
0x50: {  	_ =	shalt  }
0x51: {  	_ =	shalt  }
0x52: {  	_ =	shalt  }
0x53: {  	_ =	shalt  }
0x54: {  	_ =	shalt  }
0x55: {  	_ =	shalt  }
0x56: {  	_ =	shalt  }
0x57: {  	_ =	shalt  }
0x58: {  	_ =	shalt  }
0x59: {  	_ =	shalt  }
0x5a: {  	_ =	shalt  }
0x5b: {  	_ =	shalt  }
0x5c: {  	_ =	shalt  }
0x5d: {  	_ =	shalt  }
0x5e: {  	_ =	shalt  }
0x5f: {  	_ =	shalt  }
0x60: {  	_ =	shalt  }
0x61: {  	_ =	shalt  }
0x62: {  	_ =	shalt  }
0x63: {  	_ =	shalt  }
0x64: {  	_ =	shalt  }
0x65: {  	_ =	shalt  }
0x66: {  	_ =	shalt  }
0x67: {  	_ =	shalt  }
0x68: {  	_ =	shalt  }
0x69: {  	_ =	shalt  }
0x6a: {  	_ =	shalt  }
0x6b: {  	_ =	shalt  }
0x6c: {  	_ =	shalt  }
0x6d: {  	_ =	shalt  }
0x6e: {  	_ =	shalt  }
0x6f: {  	_ =	shalt  }
0x70: {  	_ =	shalt  }
0x71: {  	_ =	shalt  }
0x72: {  	_ =	shalt  }
0x73: {  	_ =	shalt  }
0x74: {  	_ =	shalt  }
0x75: {  	_ =	shalt  }
0x76: {  	_ =	shalt  }
0x77: {  	_ =	shalt  }
0x78: {  	_ =	shalt  }
0x79: {  	_ =	shalt  }
0x7a: {  	_ =	shalt  }
0x7b: {  	_ =	shalt  }
0x7c: {  	_ =	shalt  }
0x7d: {  	_ =	shalt  }
0x7e: {  	_ =	shalt  }
0x7f: {  	_ =	shalt  }
0x80: {  	_ =	shalt  }
0x81: {  	_ =	shalt  }
0x82: {  	_ =	shalt  }
0x83: {  	_ =	shalt  }
0x84: {  	_ =	shalt  }
0x85: {  	_ =	shalt  }
0x86: {  	_ =	shalt  }
0x87: {  	_ =	shalt  }
.Lfunc_end0:
.L_simem_size_0:
called_computation.1_lowered:
.L_overlay_start_0:
0x88: {  	s2 =	sld [smem:$0x3FD9]  }
0x89: {  	s3 =	sld [smem:$0x3FFE];
	_ =	sdelay $0x1  }
0x8a: {  	s1 =	srdreg.scid  }
0x8b: {  	s0 =	sand.u32 $0x1, s1  }
0x8c: {  	s16 =	sshll.u32 s0, $0xA;
	s2 =	sadd.s32 s3, s2  }
0x8d: {  	s2 =	sadd.s32 s2, s16  }
0x8e: {  	[smem:$0x3FBD] =	sst s2  }
0x8f: {  	_ = 	snop  }
0x90: {  	(tm) =	ssettm $0x1  }
0x91: {  	s17 =	sld [smem:$0x3FFB];
	_ =	sdelay $0x3  }
0x92: {  	_ =	strace s17  }
0x93: {  	s2 =	sld [smem:$0x3FFC];
	_ =	sdelay $0x3  }
0x94: {  	_ =	strace s2  }
0x95: {  	s2 =	sld [smem:$0x3FFD];
	_ =	sdelay $0x3  }
0x96: {  	_ =	strace s2  }
0x97: {  	_ =	strace $0x8FFFFFFF  }
0x98: {  	s18 =	sld [smem:$0x3FDB];
	_ =	sdelay $0x1  }
0x99: {  	s19 =	simm.s32 $_scs_section_size  }
0x9a: {  	s4 =	simm.s32 $_size__tile_overlayer_lowered;
	s5 =	simm.s32 $_tile_overlayer_lowered  }
0x9b: {  	s22 =	simm.s32 $0x1BFF;
	s21 =	sshll.u32 s5, $0x1;
	s2 =	sadd.s32 s19, s18  }
0x9c: {  	s6 =	simm.s32 $0x0;
	s20 =	sshll.u32 s4, $0x1;
	s4 =	sadd.s32 s21, s2  }
0x9d: {  	[timem:s6], [sflag:s22] =	dma.local [hbm:s4], s20  }
0x9e: {  	_ =	swait.ge [sflag:s22], s20  }
0x9f: {  	s3 =	ssub.s32 $0x0, s20;
	[sflag:s22] =	ssyncset.done $0x0  }
0xa0: {  	[sflag:s22] =	ssyncadd.s32 s3;
	_ =	sdelay $0x1  }
0xa1: {  	s23 =	simm.s32 $0x1B8B  }
0xa2: {  	_ =	swait.ge [sflag:s23], $0x1  }
0xa3: {  	[sflag:s23] =	ssyncset.done $0x0  }
0xa4: {  	s25 =	simm.s32 $0x1B8E;
	s24 =	sld [smem:$0x3FFE];
	[sflag:s23] =	ssyncadd.s32 $0xFFFFFFFF  }
0xa5: {  	s26 =	simm.s32 $execute0_lowered;
	[smem:$0x3FD2] =	sst s25  }
0xa6: {  	s4 =	sshll.u32 s26, $0x1;
	_ =	strace $0x80000049;
	[dreg:$0x1] =	wrdreg $0xFFFFFFFF  }
0xa7: {  	s28 =	simm.s32 $_size_execute0_lowered;
	s2 =	sadd.s32 s2, s4;
	[dreg:$0x0] =	wrdreg $0x0  }
0xa8: {  	s4 =	sshll.u32 s28, $0x1;
	[dreg:$0x2] =	wrdreg s2  }
0xa9: {  	[dreg:$0x3] =	wrdreg s4  }
0xaa: {  	[dreg:$0x4] =	wrdreg $0xC0  }
0xab: {  	_ =	task [dreg:s6], $0x5FFFF  }
0xac: {  	[dreg:$0x1] =	wrdreg $0xFFFFFFFF  }
0xad: {  	[dreg:$0x0] =	wrdreg $0x60  }
0xae: {  	[dreg:$0x2] =	wrdreg s24  }
0xaf: {  	[dreg:$0x3] =	wrdreg $0x81000  }
0xb0: {  	[dreg:$0x4] =	wrdreg $0x9  }
0xb1: {  	_ =	task.clear_ibuf [dreg:s6], $0x5FFFF;
	_ =	strace $0x90000049  }
0xb2: {  	s29 =	simm.s32 $0x9;
	_ =	strace $0x8000004B  }
0xb3: {  	_ =	swait.ge [sflag:s29], $0x1  }
0xb4: {  	[sflag:s29] =	ssyncadd.s32 $0xFFFFFFFF  }
0xb5: {  	_ =	strace $0x9000004B  }
0xb6: {  	_ =	sfence  }
0xb7: {  	s30 =	sld [smem:$0x0];
	_ =	sdelay $0x2  }
0xb8: {  	s31 =	sshll.u32 s1, $0xD;
	s1 =	sshrl.u32 s1, $0x2  }
0xb9: {  	s3 =	sand.u32 $0x4000, s31;
	s1 =	sadd.s32 s1, s30  }
0xba: {  	s0 =	sor.u32 s3, s0;
	s1 =	sshll.u32 s1, $0x11  }
0xbb: {  	s0 =	sor.u32 s1, s0  }
0xbc: {  	s0 =	sadd.s32 $0x8F2B, s0  }
0xbd: {  	[sflag:s0] =	ssyncadd.remote.s32 $0x1  }
0xbe: {  	_ =	sfence.sel $0xFFFF  }
0xbf: {  	[dreg:$0x0] =	wrdreg $0xFFFFFFFF;
	(pc) =	sbr.abs _section_cstart, $3  }
0xc0: {  	[dreg:$0x1] =	wrdreg $0xFFFFFFFF  }
0xc1: {  	_ =	task.clear_ibuf [dreg:s6], $0x2FFFF;
	_ =	strace $0x9FFFFFFF  }
0xc2: {  	(tm) =	ssettm $0x7FFFFFFF  }
0xc3: {  	_ =	shalt  }
tec
execute0_lowered:
.L_overlay_start_1:
0x0: {  	(tag) =	ssettag $0x1  }
0x1: {  	s0 =	rddreg [dreg:$0x0]  }
0x2: {  	s2 =	rddreg [dreg:$0x1]  }
0x3: {  	s1 =	srdreg.scid;
	s12 =	stileid.u32  }
0x4: {  	s3 =	simm.s32 $0x0;
	s1 =	sand.u32 $0x1, s1;
	s7 =	smul.u32 $0x280, s12  }
0x5: {  	[smem:$0x7FF] =	sst s3;
	s4 =	sadd.s32 $0x18600, s0;
	s8 =	smul.u32 $0x2800, s1  }
0x6: {  	s5 =	sadd.s32 $0x40600, s0;
	s6 =	sadd.s32 $0x9F6A00, s0;
	s13 =	ssub.s32 $0x2, s1  }
0x7: {  	s10 =	smul.u32 $0x50000, s12;
	s11 =	sshrl.u32 s13, $0x1;
	s8 =	sadd.s32 s7, s8  }
0x8: {  	s7 =	sadd.s32 $0x4A00, s0;
	s11 =	ssub.s32 s13, s11;
	s9 =	sshll.u32 s8, $0x4  }
0x9: {  	s8 =	sadd.s32 $0xE800, s0;
	s26 =	smax.u32 s11, $0x1;
	s0 =	sadd.s32 s9, s0  }
0xa: {  	_ =	strace $0x8000004A;
	[dreg:$0xd] =	wrdreg s26;
	s14 =	sadd.s32 $0x68600, s0  }
0xb: {  	s12 =	sshll.u32 s12, $0x1;
	s15 =	sadd.s32 $0x68A00, s0;
	[dreg:$0x3] =	wrdreg s14  }
0xc: {  	s1 =	sor.u32 s1, s12;
	s16 =	sadd.s32 $0x68E00, s0;
	[dreg:$0x4] =	wrdreg s15  }
0xd: {  	s10 =	sshrl.u32 s10, $0x2;
	s17 =	sadd.s32 $0x69200, s0;
	[dreg:$0x5] =	wrdreg s16  }
0xe: {  	s9 =	sadd.s32 s10, s2;
	s18 =	sadd.s32 $0x69600, s0;
	[dreg:$0x6] =	wrdreg s17  }
0xf: {  	s10 =	smul.u32 $0x2740, s1;
	s19 =	sadd.s32 $0x69A00, s0;
	[dreg:$0x7] =	wrdreg s18  }
0x10: {  	s1 =	simm.s32 $0x3;
	s20 =	sadd.s32 $0x69E00, s0;
	[dreg:$0x8] =	wrdreg s19  }
0x11: {  	s13 =	sadd.s32 $0x2000, s9;
	s21 =	sadd.s32 $0x6A200, s0;
	[dreg:$0x9] =	wrdreg s20  }
0x12: {  	s22 =	sadd.s32 $0x4000, s9;
	s25 =	sadd.s32 $0x6A600, s0;
	[dreg:$0xa] =	wrdreg s21  }
0x13: {  	s23 =	sadd.s32 $0x6000, s9;
	s0 =	sadd.s32 $0x6AA00, s0;
	[dreg:$0xb] =	wrdreg s25  }
0x14: {  	s24 =	sadd.s32 $0x8000, s9;
	s28 =	sadd.s32 $0xC000, s9;
	[dreg:$0xc] =	wrdreg s0  }
0x15: {  	s29 =	sadd.s32 $0xE000, s9;
	s30 =	sadd.s32 $0x10000, s9;
	[dreg:$0xe] =	wrdreg s28  }
0x16: {  	s31 =	sadd.s32 $0x12000, s9;
	s25 =	sadd.s32 $0xA000, s9;
	[dreg:$0xf] =	wrdreg s29  }
0x17: {  	[dreg:$0x10] =	wrdreg s30;
	s0 =	simm.s32 $0x6100;
	s15 =	simm.s32 $0x80  }
0x18: {  	s16 =	simm.s32 $0x4100;
	s17 =	simm.s32 $0x1;
	s18 =	simm.s32 $0x40  }
0x19: {  	v0 =	vimm.f32 $0.0e+00;
	s19 =	simm.s32 $0x100;
	s20 =	simm.s32 $0x2100;
	s21 =	simm.s32 $0x2  }
.LBB2_1:
0x1a: {  	s11 =	simm.s32 $0x0;
	s12 =	simm.s32 $0x200  }
.LBB2_2:
0x1b: {  	p0 =	sne.s32 s12, $0x7E00;
	[tilespmem:s11+$0x6170] =	vst v0  }
0x1c: {  	[tilespmem:s11+$0x6100] =	vst v0  }
0x1d: {  	[tilespmem:s11+$0x6110] =	vst v0  }
.Ltmp0:
0x1e: {  	[tilespmem:s11+$0x6120] =	vst v0;
	(pc) =	sbr.rel @p0 .LBB2_2-.Ltmp0, $4  }
0x1f: {  	[tilespmem:s11+$0x6130] =	vst v0  }
0x20: {  	[tilespmem:s11+$0x6140] =	vst v0  }
0x21: {  	[tilespmem:s11+$0x6150] =	vst v0  }
0x22: {  	[tilespmem:s11+$0x6160] =	vst v0;
	s11 =	sshra.s32 s12, $0x2;
	s12 =	sadd.s32 $0x200, s12  }
0x23: {  	[tilespmem:s11+$0x6170] =	vst v0  }
0x24: {  	[tilespmem:s11+$0x6100] =	vst v0  }
0x25: {  	[tilespmem:s11+$0x6110] =	vst v0  }
0x26: {  	[tilespmem:s11+$0x6120] =	vst v0  }
0x27: {  	[tilespmem:s11+$0x6130] =	vst v0  }
0x28: {  	[tilespmem:s11+$0x6140] =	vst v0  }
0x29: {  	[tilespmem:s11+$0x6150] =	vst v0  }
0x2a: {  	[tilespmem:s11+$0x6160] =	vst v0  }
0x2b: {  	[spmem:s9] =	stream.linear.scatter [tilespmem:s0], [sflag:$0x3], $0x2000, $0x38;
	[tilespmem:$0x1C100] =	vst v63  }
0x2c: {  	_ =	swait.ge [sflag:s1], $0x2000  }
0x2d: {  	[sflag:s1] =	ssyncset.done $0x0  }
0x2e: {  	[sflag:s1] =	ssyncadd.s32 $0xFFFFE000  }
0x2f: {  	[spmem:s13] =	stream.linear.scatter [tilespmem:s0], [sflag:$0x3], $0x2000, $0x38;
	[tilespmem:$0x1C100] =	vst v63  }
0x30: {  	_ =	swait.ge [sflag:s1], $0x2000  }
0x31: {  	[sflag:s1] =	ssyncset.done $0x0  }
0x32: {  	[sflag:s1] =	ssyncadd.s32 $0xFFFFE000  }
0x33: {  	[spmem:s22] =	stream.linear.scatter [tilespmem:s0], [sflag:$0x3], $0x2000, $0x38;
	[tilespmem:$0x1C100] =	vst v63  }
0x34: {  	_ =	swait.ge [sflag:s1], $0x2000  }
0x35: {  	[sflag:s1] =	ssyncset.done $0x0  }
0x36: {  	[sflag:s1] =	ssyncadd.s32 $0xFFFFE000  }
0x37: {  	[spmem:s23] =	stream.linear.scatter [tilespmem:s0], [sflag:$0x3], $0x2000, $0x38;
	[tilespmem:$0x1C100] =	vst v63  }
0x38: {  	_ =	swait.ge [sflag:s1], $0x2000  }
0x39: {  	[sflag:s1] =	ssyncset.done $0x0  }
0x3a: {  	[sflag:s1] =	ssyncadd.s32 $0xFFFFE000  }
0x3b: {  	[spmem:s24] =	stream.linear.scatter [tilespmem:s0], [sflag:$0x3], $0x2000, $0x38;
	[tilespmem:$0x1C100] =	vst v63  }
0x3c: {  	_ =	swait.ge [sflag:s1], $0x2000  }
0x3d: {  	[sflag:s1] =	ssyncset.done $0x0  }
0x3e: {  	[sflag:s1] =	ssyncadd.s32 $0xFFFFE000  }
0x3f: {  	[spmem:s25] =	stream.linear.scatter [tilespmem:s0], [sflag:$0x3], $0x2000, $0x38;
	[tilespmem:$0x1C100] =	vst v63  }
0x40: {  	_ =	swait.ge [sflag:s1], $0x2000  }
0x41: {  	[sflag:s1] =	ssyncset.done $0x0  }
0x42: {  	s28 =	smov.u32 s23;
	s23 =	rddreg [dreg:$0xe];
	[sflag:s1] =	ssyncadd.s32 $0xFFFFE000  }
0x43: {  	[spmem:s23] =	stream.linear.scatter [tilespmem:s0], [sflag:$0x3], $0x2000, $0x38;
	[tilespmem:$0x1C100] =	vst v63  }
0x44: {  	_ =	swait.ge [sflag:s1], $0x2000  }
0x45: {  	[sflag:s1] =	ssyncset.done $0x0  }
0x46: {  	s29 =	smov.u32 s24;
	s24 =	rddreg [dreg:$0xf];
	[sflag:s1] =	ssyncadd.s32 $0xFFFFE000  }
0x47: {  	[spmem:s24] =	stream.linear.scatter [tilespmem:s0], [sflag:$0x3], $0x2000, $0x38;
	[tilespmem:$0x1C100] =	vst v63  }
0x48: {  	_ =	swait.ge [sflag:s1], $0x2000  }
0x49: {  	[sflag:s1] =	ssyncset.done $0x0  }
0x4a: {  	s30 =	smov.u32 s25;
	s25 =	rddreg [dreg:$0x10];
	[sflag:s1] =	ssyncadd.s32 $0xFFFFE000  }
0x4b: {  	[spmem:s25] =	stream.linear.scatter [tilespmem:s0], [sflag:$0x3], $0x2000, $0x38;
	[tilespmem:$0x1C100] =	vst v63  }
0x4c: {  	_ =	swait.ge [sflag:s1], $0x2000  }
0x4d: {  	[sflag:s1] =	ssyncset.done $0x0  }
0x4e: {  	[sflag:s1] =	ssyncadd.s32 $0xFFFFE000  }
0x4f: {  	[spmem:s31] =	stream.linear.scatter [tilespmem:s0], [sflag:$0x3], $0x2000, $0x38;
	[tilespmem:$0x1C100] =	vst v63  }
0x50: {  	_ =	swait.ge [sflag:s1], $0x2000  }
0x51: {  	[sflag:s1] =	ssyncset.done $0x0  }
0x52: {  	s14 =	smov.u32 s13;
	s26 =	smov.u32 s22;
	[sflag:s1] =	ssyncadd.s32 $0xFFFFE000  }
0x53: {  	s22 =	simm.s32 $0x0;
	s23 =	simm.s32 $0x0;
	[bflag:$0x0] =	sbarrier.arrive $0xFFFF  }
.LBB2_4:
0x54: {  	s11 =	sshll.u32 s23, $0x6  }
0x55: {  	s11 =	sadd.s32 s10, s11  }
0x56: {  	s12 =	sshrl.u32 s11, $0x3  }
0x57: {  	s13 =	sadd.s32 s7, s12  }
0x58: {  	[tilespmem:s22], [sflag:$0x1] =	stream.linear.gather [hbm4b:s13+s22], $0x40, $0x38;
	[tilespmem:$0x1C100] =	vst v63  }
0x59: {  	s11 =	sshll.u32 s11, $0x4;
	s12 =	sadd.s32 s8, s12  }
0x5a: {  	[tilespmem:s15], [sflag:$0x1] =	stream.linear.gather [hbm4b:s12+s22], $0x40, $0x38;
	[tilespmem:$0x1C100] =	vst v63  }
0x5b: {  	s11 =	sadd.s32 s6, s11  }
0x5c: {  	[tilespmem:s16], [sflag:$0x1] =	stream.linear.gather [hbm4b:s11+s22], $0x2000, $0x38;
	[tilespmem:$0x1C100] =	vst v63  }
0x5d: {  	_ =	swait.ge [sflag:s17], $0x40  }
0x5e: {  	[sflag:s17] =	ssyncset.done $0x0  }
0x5f: {  	[sflag:s17] =	ssyncadd.s32 $0xFFFFFFC0  }
0x60: {  	_ =	swait.ge [sflag:s17], $0x40  }
0x61: {  	[sflag:s17] =	ssyncset.done $0x0  }
0x62: {  	[sflag:s17] =	ssyncadd.s32 $0xFFFFFFC0  }
0x63: {  	[tilespmem:s19], [sflag:$0x2] =	stream.indirect.gather [hbm4b:s4+s18], $0x80, s22, s18, $0xb8;
	[tilespmem:$0x1C100] =	vst v63  }
0x64: {  	_ = 	snop  }
0x65: {  	[tilespmem:s20], [sflag:$0x2] =	stream.indirect.gather [hbm4b:s5+s18], $0x80, s15, s18, $0xb8;
	[tilespmem:$0x1C100] =	vst v63  }
0x66: {  	_ =	swait.ge [sflag:s17], $0x2000  }
0x67: {  	[sflag:s17] =	ssyncset.done $0x0  }
0x68: {  	[sflag:s17] =	ssyncadd.s32 $0xFFFFE000  }
0x69: {  	_ =	swait.ge [sflag:s21], $0x2000  }
0x6a: {  	[sflag:s21] =	ssyncset.done $0x0  }
0x6b: {  	[sflag:s21] =	ssyncadd.s32 $0xFFFFE000  }
0x6c: {  	_ =	swait.ge [sflag:s21], $0x2000  }
0x6d: {  	[sflag:s21] =	ssyncset.done $0x0  }
0x6e: {  	s11 =	simm.s32 $0x0;
	[sflag:s21] =	ssyncadd.s32 $0xFFFFE000  }
0x6f: {  	v1 =	vld [tilespmem:s11+$0x170]  }
0x70: {  	v2 =	vld [tilespmem:s11+$0x2170];
	_ =	sdelay $0x1  }
0x71: {  	v4 =	vld [tilespmem:s11+$0x4170];
	_ =	sdelay $0x1  }
0x72: {  	v3 =	vld [tilespmem:s11+$0x100]  }
0x73: {  	v5 =	vld [tilespmem:s11+$0x2100];
	v1 =	vadd.f32 v2, v1  }
0x74: {  	v6 =	vld [tilespmem:s11+$0x110]  }
0x75: {  	v7 =	vld [tilespmem:s11+$0x2110];
	v1 =	vadd.f32 v4, v1  }
0x76: {  	v8 =	vld [tilespmem:s11+$0x2120]  }
0x77: {  	v9 =	vld [tilespmem:s11+$0x2130];
	v10 =	vsub.f32 $0.0e+00, v1  }
0x78: {  	v11 =	vld [tilespmem:s11+$0x140]  }
0x79: {  	v12 =	vld [tilespmem:s11+$0x2140];
	v10 =	vmul.f32 $1.442695020e+00, v10  }
0x7a: {  	v13 =	vld [tilespmem:s11+$0x150]  }
0x7b: {  	v14 =	vld [tilespmem:s11+$0x2150];
	(erf) = vpow2.f32 v10  }
0x7c: {  	v15 =	vld [tilespmem:s11+$0x2160]  }
0x7d: {  	v16 =	vld [tilespmem:s11+$0x4100]  }
0x7e: {  	v17 =	vld [tilespmem:s11+$0x4110]  }
0x7f: {  	v18 =	vld [tilespmem:s11+$0x4120]  }
0x80: {  	v19 =	vld [tilespmem:s11+$0x4130]  }
0x81: {  	v20 =	vld [tilespmem:s11+$0x4140]  }
0x82: {  	v21 =	vld [tilespmem:s11+$0x4150]  }
0x83: {  	v22 =	vld [tilespmem:s11+$0x4160]  }
0x84: {  	v2 =	vld [tilespmem:s11+$0x120];
	v23 =	vpop (erf)  }
0x85: {  	s24 =	simm.s32 $0x80;
	v4 =	vld [tilespmem:s11+$0x130];
	v23 =	vadd.f32 $1.000000000e+00, v23  }
0x86: {  	v24 =	vld [tilespmem:s24+$0x170];
	v3 =	vadd.f32 v5, v3  }
0x87: {  	v25 =	vld [tilespmem:s24+$0x2170];
	v6 =	vadd.f32 v7, v6;
	(erf) = vrcp.f32 v23  }
0x88: {  	v26 =	vld [tilespmem:s24+$0x100];
	v16 =	vadd.f32 v16, v3;
	v3 =	vadd.f32 v12, v11  }
0x89: {  	v28 =	vld [tilespmem:s24+$0x2140];
	v11 =	vadd.f32 v17, v6;
	v2 =	vadd.f32 v8, v2  }
0x8a: {  	v5 =	vld [tilespmem:s24+$0x4170];
	v17 =	vsub.f32 $0.0e+00, v16;
	v4 =	vadd.f32 v9, v4  }
0x8b: {  	v29 =	vld [tilespmem:s24+$0x150];
	v12 =	vadd.f32 v20, v3;
	v2 =	vadd.f32 v18, v2  }
0x8c: {  	v7 =	vld [tilespmem:s24+$0x2100];
	v3 =	vmul.f32 $1.442695020e+00, v17;
	v9 =	vadd.f32 v19, v4;
	v4 =	vsub.f32 $0.0e+00, v11  }
0x8d: {  	v24 =	vadd.f32 v25, v24;
	v10 =	vld [tilespmem:s11+$0x160];
	v23 =	vsub.f32 $0.0e+00, v2  }
0x8e: {  	v25 =	vld [tilespmem:s24+$0x130];
	v4 =	vmul.f32 $1.442695020e+00, v4  }
0x8f: {  	v6 =	vld [tilespmem:s24+$0x2110];
	v24 =	vadd.f32 v5, v24;
	(erf) = vpow2.f32 v3;
	v23 =	vmul.f32 $1.442695020e+00, v23  }
0x90: {  	v20 =	vld [tilespmem:s24+$0x2130];
	v27 =	vsub.f32 $0.0e+00, v12;
	v17 =	vsub.f32 $0.0e+00, v9;
	(erf) = vpow2.f32 v4;
	v3 =	vpop (erf)  }
0x91: {  	v8 =	vld [tilespmem:s24+$0x110];
	(erf) = vpow2.f32 v23;
	v1 =	vmul.f32 v3, v1;
	v3 =	vadd.f32 v14, v13  }
0x92: {  	v5 =	vld [tilespmem:s24+$0x140];
	v17 =	vmul.f32 $1.442695020e+00, v17;
	v10 =	vadd.f32 v15, v10;
	v4 =	vsub.f32 $0.0e+00, v24  }
0x93: {  	v18 =	vld [tilespmem:s24+$0x120];
	v13 =	vmul.f32 $1.442695020e+00, v27;
	v3 =	vadd.f32 v21, v3  }
0x94: {  	v19 =	vld [tilespmem:s24+$0x2120];
	v15 =	vmul.f32 $1.442695020e+00, v4;
	v4 =	vadd.f32 v22, v10;
	(erf) = vpow2.f32 v17  }
0x95: {  	v14 =	vld [tilespmem:s24+$0x2150];
	[tilespmem:s11+$0x6170] =	vst v1;
	(erf) = vpow2.f32 v13;
	v10 =	vsub.f32 $0.0e+00, v3  }
0x96: {  	v17 =	vsub.f32 $0.0e+00, v4;
	v1 =	vld [tilespmem:s24+$0x160];
	(erf) = vpow2.f32 v15  }
0x97: {  	v13 =	vld [tilespmem:s24+$0x2160];
	v10 =	vmul.f32 $1.442695020e+00, v10  }
0x98: {  	v17 =	vmul.f32 $1.442695020e+00, v17;
	v23 =	vpop (erf);
	v15 =	vld [tilespmem:s24+$0x4100]  }
0x99: {  	v21 =	vld [tilespmem:s24+$0x4110];
	(erf) = vpow2.f32 v10;
	v10 =	vadd.f32 $1.000000000e+00, v23;
	v23 =	vpop (erf)  }
0x9a: {  	v22 =	vld [tilespmem:s24+$0x4120];
	(erf) = vpow2.f32 v17;
	v17 =	vadd.f32 $1.000000000e+00, v23;
	v23 =	vpop (erf)  }
0x9b: {  	v27 =	vld [tilespmem:s24+$0x4130];
	v23 =	vadd.f32 $1.000000000e+00, v23  }
0x9c: {  	v30 =	vld [tilespmem:s24+$0x4140]  }
0x9d: {  	v31 =	vld [tilespmem:s24+$0x4150];
	(erf) = vrcp.f32 v10;
	v10 =	vpop (erf)  }
0x9e: {  	s25 =	simm.s32 $0x100;
	v7 =	vadd.f32 v7, v26;
	v32 =	vld [tilespmem:s24+$0x4160];
	(erf) = vrcp.f32 v17;
	v10 =	vadd.f32 $1.000000000e+00, v10;
	v17 =	vpop (erf)  }
0x9f: {  	v6 =	vadd.f32 v6, v8;
	v33 =	vld [tilespmem:s25+$0x170];
	(erf) = vrcp.f32 v23;
	v23 =	vpop (erf);
	v17 =	vadd.f32 $1.000000000e+00, v17  }
0xa0: {  	v5 =	vadd.f32 v28, v5;
	v34 =	vld [tilespmem:s25+$0x2170];
	(erf) = vrcp.f32 v10;
	v10 =	vadd.f32 $1.000000000e+00, v23  }
0xa1: {  	v18 =	vadd.f32 v19, v18;
	v19 =	vadd.f32 v20, v25;
	v26 =	vld [tilespmem:s25+$0x2100];
	(erf) = vrcp.f32 v17  }
0xa2: {  	v20 =	vld [tilespmem:s25+$0x110];
	v14 =	vadd.f32 v14, v29;
	(erf) = vrcp.f32 v10;
	v10 =	vadd.f32 v15, v7  }
0xa3: {  	v25 =	vld [tilespmem:s25+$0x2110];
	v13 =	vadd.f32 v13, v1;
	v8 =	vadd.f32 v21, v6  }
0xa4: {  	v17 =	vld [tilespmem:s25+$0x4170];
	v15 =	vpop (erf);
	v7 =	vadd.f32 v22, v18;
	v1 =	vsub.f32 $0.0e+00, v10  }
0xa5: {  	v57 =	vld [tilespmem:s25+$0x120];
	v6 =	vadd.f32 v27, v19;
	v5 =	vadd.f32 v30, v5;
	v56 =	vpop (erf)  }
0xa6: {  	v35 =	vld [tilespmem:s25+$0x2120];
	v22 =	vsub.f32 $0.0e+00, v8;
	v21 =	vpop (erf);
	v37 =	vsub.f32 $0.0e+00, v7;
	v27 =	vmul.f32 $1.442695020e+00, v1  }
0xa7: {  	v36 =	vld [tilespmem:s25+$0x2130];
	v59 =	vadd.f32 v34, v33;
	v61 =	vsub.f32 $0.0e+00, v6;
	v16 =	vmul.f32 v21, v16;
	v18 =	vpop (erf)  }
0xa8: {  	v60 =	vld [tilespmem:s25+$0x2140];
	v22 =	vmul.f32 $1.442695020e+00, v22;
	v1 =	vadd.f32 v31, v14;
	v37 =	vmul.f32 $1.442695020e+00, v37;
	v58 =	vpop (erf)  }
0xa9: {  	v19 =	vld [tilespmem:s25+$0x130];
	v18 =	vmul.f32 v18, v11;
	v11 =	vadd.f32 v17, v59;
	(erf) = vpow2.f32 v27;
	v14 =	vpop (erf)  }
0xaa: {  	v23 =	vld [tilespmem:s25+$0x100];
	v30 =	vmul.f32 v58, v2;
	(erf) = vpow2.f32 v22;
	v22 =	vsub.f32 $0.0e+00, v5;
	v27 =	vpop (erf)  }
0xab: {  	v21 =	vld [tilespmem:s25+$0x140];
	[tilespmem:s11+$0x6100] =	vst v16;
	v31 =	vsub.f32 $0.0e+00, v11;
	(erf) = vpow2.f32 v37;
	v9 =	vmul.f32 v14, v9;
	v16 =	vpop (erf)  }
0xac: {  	v2 =	vadd.f32 v32, v13;
	v16 =	vmul.f32 v16, v24;
	v24 =	vmul.f32 $1.442695020e+00, v61  }
0xad: {  	v17 =	vld [tilespmem:s25+$0x150];
	[tilespmem:s11+$0x6110] =	vst v18;
	v18 =	vsub.f32 $0.0e+00, v1;
	v22 =	vmul.f32 $1.442695020e+00, v22;
	v13 =	vmul.f32 $1.442695020e+00, v31  }
0xae: {  	v62 =	vld [tilespmem:s25+$0x2150];
	v14 =	vsub.f32 $0.0e+00, v2;
	v12 =	vmul.f32 v27, v12;
	[tilespmem:s24+$0x6170] =	vst v16;
	(erf) = vpow2.f32 v24  }
0xaf: {  	v18 =	vmul.f32 $1.442695020e+00, v18;
	v24 =	vld [tilespmem:s25+$0x160];
	(erf) = vpow2.f32 v22;
	[tilespmem:s11+$0x6120] =	vst v30  }
0xb0: {  	(erf) = vpow2.f32 v13;
	v13 =	vld [tilespmem:s25+$0x2160];
	[tilespmem:s11+$0x6130] =	vst v9;
	v9 =	vadd.f32 $1.000000000e+00, v15;
	v15 =	vmul.f32 $1.442695020e+00, v14  }
0xb1: {  	(erf) = vpow2.f32 v18  }
0xb2: {  	v18 =	vadd.f32 v26, v23;
	v23 =	vld [tilespmem:s25+$0x4100];
	[tilespmem:s11+$0x6140] =	vst v12;
	v12 =	vpop (erf);
	(erf) = vpow2.f32 v15  }
0xb3: {  	v22 =	vadd.f32 $1.000000000e+00, v56;
	(erf) = vrcp.f32 v9;
	v9 =	vadd.f32 $1.000000000e+00, v12;
	_ =	sdelay $0x1  }
0xb4: {  	v25 =	vadd.f32 v25, v20;
	v14 =	vadd.f32 v36, v19;
	v19 =	vld [tilespmem:s25+$0x4110];
	v12 =	vpop (erf);
	(erf) = vrcp.f32 v22  }
0xb5: {  	v27 =	vld [tilespmem:s25+$0x4120];
	v15 =	vadd.f32 v62, v17;
	v12 =	vadd.f32 $1.000000000e+00, v12;
	v17 =	vpop (erf)  }
0xb6: {  	v16 =	vadd.f32 v60, v21;
	v22 =	vld [tilespmem:s25+$0x4130];
	v63 =	vadd.f32 $1.000000000e+00, v17;
	(erf) = vrcp.f32 v9;
	v9 =	vpop (erf)  }
0xb7: {  	v21 =	vld [tilespmem:s25+$0x4140];
	v17 =	vadd.f32 v13, v24;
	(erf) = vrcp.f32 v12;
	v13 =	vadd.f32 $1.000000000e+00, v9  }
0xb8: {  	v26 =	vadd.f32 v35, v57;
	v20 =	vld [tilespmem:s25+$0x4150];
	v9 =	vadd.f32 v23, v18;
	v18 =	vpop (erf);
	(erf) = vrcp.f32 v63  }
0xb9: {  	s12 =	simm.s32 $0x180;
	v12 =	vadd.f32 v19, v25;
	v19 =	vld [tilespmem:s25+$0x4160];
	v25 =	vpop (erf);
	v24 =	vadd.f32 $1.000000000e+00, v18;
	(erf) = vrcp.f32 v13  }
0xba: {  	s13 =	simm.s32 $0x800;
	v23 =	vld [tilespmem:s12+$0x170];
	v13 =	vadd.f32 v27, v26;
	v25 =	vadd.f32 $1.000000000e+00, v25;
	v18 =	vpop (erf)  }
.LBB2_5:
0xbb: {  	p0 =	sne.s32 s13, $0x7E00;
	v26 =	vld [tilespmem:s12+$0x2170];
	v27 =	vsub.f32 $0.0e+00, v9;
	v14 =	vadd.f32 v22, v14;
	(erf) = vrcp.f32 v24;
	v22 =	vpop (erf)  }
0xbc: {  	v28 =	vsub.f32 $0.0e+00, v12;
	v24 =	vld [tilespmem:s12+$0x100];
	v16 =	vadd.f32 v21, v16;
	(erf) = vrcp.f32 v25;
	v21 =	vpop (erf)  }
0xbd: {  	v29 =	vsub.f32 $0.0e+00, v13;
	v25 =	vld [tilespmem:s12+$0x4170];
	v27 =	vmul.f32 $1.442695020e+00, v27;
	v15 =	vadd.f32 v20, v15;
	v20 =	vpop (erf)  }
0xbe: {  	v28 =	vmul.f32 $1.442695020e+00, v28;
	v31 =	vsub.f32 $0.0e+00, v14;
	v30 =	vld [tilespmem:s12+$0x2100];
	v17 =	vadd.f32 v19, v17  }
0xbf: {  	v29 =	vmul.f32 $1.442695020e+00, v29;
	v32 =	vsub.f32 $0.0e+00, v16;
	v19 =	vld [tilespmem:s12+$0x110];
	v33 =	vsub.f32 $0.0e+00, v15;
	v34 =	vpop (erf)  }
0xc0: {  	v35 =	vld [tilespmem:s12+$0x2110];
	v23 =	vadd.f32 v26, v23;
	v26 =	vmul.f32 $1.442695020e+00, v31;
	v31 =	vsub.f32 $0.0e+00, v17;
	v36 =	vpop (erf)  }
0xc1: {  	v18 =	vadd.f32 $1.000000000e+00, v18;
	v32 =	vmul.f32 $1.442695020e+00, v32;
	v37 =	vld [tilespmem:s12+$0x120];
	v33 =	vmul.f32 $1.442695020e+00, v33;
	v38 =	vpop (erf)  }
0xc2: {  	v39 =	vld [tilespmem:s12+$0x2120];
	v23 =	vadd.f32 v25, v23;
	v25 =	vmul.f32 $1.442695020e+00, v31;
	(erf) = vpow2.f32 v27;
	v27 =	vpop (erf)  }
0xc3: {  	v22 =	vadd.f32 $1.000000000e+00, v22;
	v24 =	vadd.f32 v30, v24;
	v30 =	vld [tilespmem:s12+$0x130];
	(erf) = vpow2.f32 v28  }
0xc4: {  	v40 =	vmul.f32 v34, v10;
	v28 =	vld [tilespmem:s12+$0x2130];
	v31 =	vsub.f32 $0.0e+00, v23;
	(erf) = vpow2.f32 v29;
	v29 =	vpop (erf)  }
0xc5: {  	v19 =	vadd.f32 v35, v19;
	v34 =	vld [tilespmem:s12+$0x140];
	(erf) = vpow2.f32 v26;
	v26 =	vpop (erf);
	v35 =	vmul.f32 v36, v8  }
0xc6: {  	v10 =	vmovc v9;
	v8 =	vmovc v12;
	v36 =	vld [tilespmem:s12+$0x2140];
	v31 =	vmul.f32 $1.442695020e+00, v31;
	v26 =	vmul.f32 v26, v11;
	[tilespmem:s24+$0x6100] =	vst v40;
	v11 =	vmov v23  }
0xc7: {  	v12 =	vmul.f32 v38, v7;
	v7 =	vmovc v13;
	v37 =	vadd.f32 v39, v37;
	v9 =	vld [tilespmem:s12+$0x150];
	(erf) = vpow2.f32 v32;
	[tilespmem:s24+$0x6110] =	vst v35  }
0xc8: {  	v23 =	vmul.f32 v27, v6;
	v6 =	vmov v14;
	v13 =	vld [tilespmem:s12+$0x2150];
	(erf) = vpow2.f32 v31;
	[tilespmem:s25+$0x6170] =	vst v26  }
0xc9: {  	v14 =	vadd.f32 v28, v30;
	v26 =	vld [tilespmem:s12+$0x160];
	(erf) = vpow2.f32 v33;
	[tilespmem:s24+$0x6120] =	vst v12;
	v12 =	vmul.f32 v29, v5;
	v5 =	vmovc v16  }
0xca: {  	v21 =	vmul.f32 v21, v3;
	v3 =	vmovc v1;
	v1 =	vmov v15;
	v27 =	vld [tilespmem:s12+$0x2160];
	(erf) = vpow2.f32 v25;
	[tilespmem:s24+$0x6130] =	vst v23  }
0xcb: {  	v23 =	vld [tilespmem:s12+$0x4100];
	v16 =	vadd.f32 v36, v34;
	v15 =	vpop (erf);
	[tilespmem:s24+$0x6140] =	vst v12;
	(erf) = vrcp.f32 v18;
	v12 =	vmul.f32 v20, v4  }
0xcc: {  	v4 =	vmov v2;
	v18 =	vld [tilespmem:s12+$0x4110];
	v20 =	vadd.f32 $1.000000000e+00, v15;
	v25 =	vpop (erf);
	(erf) = vrcp.f32 v22;
	[tilespmem:s11+$0x6150] =	vst v21  }
0xcd: {  	v2 =	vmov v17;
	v28 =	vld [tilespmem:s12+$0x4120];
	v15 =	vadd.f32 v13, v9;
	v9 =	vadd.f32 $1.000000000e+00, v25;
	v13 =	vpop (erf);
	[tilespmem:s11+$0x6160] =	vst v12;
	s11 =	smov.u32 s24;
	s24 =	smov.u32 s25;
	s25 =	smov.u32 s12  }
.Ltmp1:
0xce: {  	v22 =	vld [tilespmem:s25+$0x4130];
	v12 =	vadd.f32 $1.000000000e+00, v13;
	(erf) = vrcp.f32 v20;
	v13 =	vpop (erf);
	(pc) =	sbr.rel @p0 .LBB2_5-.Ltmp1, $4  }
0xcf: {  	v21 =	vld [tilespmem:s25+$0x4140];
	v17 =	vadd.f32 v27, v26;
	v13 =	vadd.f32 $1.000000000e+00, v13;
	(erf) = vrcp.f32 v9  }
0xd0: {  	v9 =	vadd.f32 v23, v24;
	v20 =	vld [tilespmem:s25+$0x4150];
	(erf) = vrcp.f32 v12;
	v23 =	vpop (erf)  }
0xd1: {  	s12 =	sshra.s32 s13, $0x2;
	v12 =	vadd.f32 v18, v19;
	v19 =	vld [tilespmem:s25+$0x4160];
	v18 =	vpop (erf);
	v24 =	vadd.f32 $1.000000000e+00, v23;
	(erf) = vrcp.f32 v13  }
0xd2: {  	s13 =	sadd.s32 $0x200, s13;
	v23 =	vld [tilespmem:s12+$0x170];
	v13 =	vadd.f32 v28, v37;
	v25 =	vadd.f32 $1.000000000e+00, v18;
	v18 =	vpop (erf)  }
0xd3: {  	v26 =	vld [tilespmem:s12+$0x2170];
	(erf) = vrcp.f32 v24  }
0xd4: {  	v27 =	vld [tilespmem:s12+$0x100];
	v29 =	vpop (erf);
	(erf) = vrcp.f32 v25  }
0xd5: {  	v28 =	vld [tilespmem:s12+$0x4170];
	v37 =	vsub.f32 $0.0e+00, v9;
	v31 =	vpop (erf)  }
0xd6: {  	v63 =	vld [tilespmem:s12+$0x2100];
	v33 =	vpop (erf)  }
0xd7: {  	v45 =	vld [tilespmem:s12+$0x110];
	v46 =	vsub.f32 $0.0e+00, v12;
	v37 =	vmul.f32 $1.442695020e+00, v37;
	v35 =	vpop (erf)  }
0xd8: {  	v30 =	vld [tilespmem:s12+$0x2110];
	v47 =	vsub.f32 $0.0e+00, v13;
	v35 =	vmul.f32 v35, v10;
	v10 =	vadd.f32 v22, v14  }
0xd9: {  	v32 =	vld [tilespmem:s12+$0x120];
	(erf) = vpow2.f32 v37;
	v38 =	vpop (erf);
	v14 =	vadd.f32 v21, v16;
	v23 =	vadd.f32 v26, v23  }
0xda: {  	v34 =	vld [tilespmem:s12+$0x2120];
	v22 =	vmul.f32 $1.442695020e+00, v46;
	v16 =	vmul.f32 $1.442695020e+00, v47;
	v40 =	vpop (erf);
	v50 =	vsub.f32 $0.0e+00, v10  }
0xdb: {  	v36 =	vld [tilespmem:s12+$0x130];
	v8 =	vmul.f32 v38, v8;
	v42 =	vpop (erf);
	v23 =	vadd.f32 v28, v23;
	v51 =	vsub.f32 $0.0e+00, v14  }
0xdc: {  	v39 =	vld [tilespmem:s12+$0x2130];
	(erf) = vpow2.f32 v22;
	v48 =	vpop (erf);
	v53 =	vmul.f32 $1.442695020e+00, v50  }
0xdd: {  	v41 =	vld [tilespmem:s12+$0x140];
	(erf) = vpow2.f32 v16;
	v54 =	vmul.f32 $1.442695020e+00, v51;
	v55 =	vsub.f32 $0.0e+00, v23;
	v49 =	vpop (erf)  }
0xde: {  	v43 =	vld [tilespmem:s12+$0x2140];
	v62 =	vadd.f32 $1.000000000e+00, v18;
	[tilespmem:s24+$0x6100] =	vst v35;
	v11 =	vmul.f32 v49, v11;
	(erf) = vpow2.f32 v53  }
0xdf: {  	v7 =	vmul.f32 v40, v7;
	v35 =	vld [tilespmem:s12+$0x150];
	[tilespmem:s24+$0x6110] =	vst v8;
	v8 =	vadd.f32 v20, v15;
	v59 =	vmul.f32 $1.442695020e+00, v55  }
0xe0: {  	v57 =	vmul.f32 v42, v6;
	v6 =	vadd.f32 v19, v17;
	v52 =	vld [tilespmem:s12+$0x2150];
	(erf) = vpow2.f32 v54;
	[tilespmem:s25+$0x6170] =	vst v11  }
0xe1: {  	v58 =	vsub.f32 $0.0e+00, v8;
	v5 =	vmul.f32 v48, v5;
	(erf) = vpow2.f32 v59;
	v56 =	vld [tilespmem:s12+$0x160];
	[tilespmem:s24+$0x6120] =	vst v7  }
0xe2: {  	v29 =	vadd.f32 $1.000000000e+00, v29;
	v3 =	vmul.f32 v31, v3;
	v61 =	vsub.f32 $0.0e+00, v6;
	v60 =	vld [tilespmem:s12+$0x2160];
	[tilespmem:s24+$0x6130] =	vst v57  }
0xe3: {  	v4 =	vmul.f32 v33, v4;
	v63 =	vadd.f32 v63, v27;
	v7 =	vmul.f32 $1.442695020e+00, v58;
	v15 =	vld [tilespmem:s12+$0x4100];
	[tilespmem:s24+$0x6140] =	vst v5  }
0xe4: {  	v31 =	vadd.f32 v30, v45;
	v38 =	vadd.f32 v34, v32;
	v28 =	vmul.f32 $1.442695020e+00, v61;
	v40 =	vpop (erf);
	v37 =	vld [tilespmem:s12+$0x4110];
	[tilespmem:s11+$0x6150] =	vst v3  }
0xe5: {  	v42 =	vadd.f32 v43, v41;
	v45 =	vadd.f32 v52, v35;
	(erf) = vpow2.f32 v7;
	v43 =	vpop (erf);
	v44 =	vld [tilespmem:s12+$0x4120]  }
0xe6: {  	v7 =	vadd.f32 $1.000000000e+00, v40;
	v3 =	vadd.f32 v39, v36;
	(erf) = vpow2.f32 v28;
	v46 =	vpop (erf);
	[tilespmem:s11+$0x6160] =	vst v4  }
0xe7: {  	v47 =	vadd.f32 $1.000000000e+00, v43;
	(erf) = vrcp.f32 v62;
	v22 =	vadd.f32 $1.000000000e+00, v46;
	v48 =	vld [tilespmem:s12+$0x4130];
	v49 =	vpop (erf)  }
0xe8: {  	(erf) = vrcp.f32 v29;
	v16 =	vadd.f32 v60, v56;
	v51 =	vadd.f32 $1.000000000e+00, v49  }
0xe9: {  	(erf) = vrcp.f32 v7;
	v4 =	vadd.f32 v15, v63;
	v52 =	vpop (erf);
	v18 =	vadd.f32 v37, v31  }
0xea: {  	v50 =	vld [tilespmem:s12+$0x4140];
	(erf) = vrcp.f32 v47;
	v53 =	vpop (erf);
	v15 =	vadd.f32 $1.000000000e+00, v52;
	v21 =	vadd.f32 v44, v38  }
0xeb: {  	(erf) = vrcp.f32 v22;
	v55 =	vadd.f32 $1.000000000e+00, v53;
	v56 =	vsub.f32 $0.0e+00, v4  }
0xec: {  	v54 =	vld [tilespmem:s12+$0x4150];
	(erf) = vrcp.f32 v51;
	v3 =	vadd.f32 v48, v3;
	v58 =	vsub.f32 $0.0e+00, v18  }
0xed: {  	v57 =	vld [tilespmem:s12+$0x4160];
	(erf) = vrcp.f32 v15;
	v59 =	vmul.f32 $1.442695020e+00, v56;
	v60 =	vsub.f32 $0.0e+00, v21  }
0xee: {  	v61 =	vpop (erf);
	(erf) = vrcp.f32 v55;
	v11 =	vmul.f32 $1.442695020e+00, v58;
	v62 =	vsub.f32 $0.0e+00, v3  }
0xef: {  	v5 =	vadd.f32 v50, v42;
	v63 =	vpop (erf);
	v15 =	vmul.f32 $1.442695020e+00, v60;
	(erf) = vpow2.f32 v59  }
0xf0: {  	v32 =	vpop (erf);
	v19 =	vmul.f32 $1.442695020e+00, v62;
	(erf) = vpow2.f32 v11  }
0xf1: {  	v17 =	vadd.f32 v54, v45;
	v31 =	vsub.f32 $0.0e+00, v5;
	v33 =	vpop (erf);
	(erf) = vpow2.f32 v15  }
0xf2: {  	v16 =	vadd.f32 v57, v16;
	v36 =	vpop (erf);
	(erf) = vpow2.f32 v19  }
0xf3: {  	v35 =	vsub.f32 $0.0e+00, v17;
	v34 =	vmul.f32 $1.442695020e+00, v31;
	v38 =	vpop (erf)  }
0xf4: {  	v37 =	vsub.f32 $0.0e+00, v16;
	v39 =	vpop (erf)  }
0xf5: {  	v15 =	vmul.f32 $1.442695020e+00, v35;
	(erf) = vpow2.f32 v34;
	v40 =	vpop (erf)  }
0xf6: {  	v19 =	vmul.f32 $1.442695020e+00, v37;
	v41 =	vpop (erf)  }
0xf7: {  	v42 =	vadd.f32 $1.000000000e+00, v61;
	(erf) = vpow2.f32 v15;
	v43 =	vpop (erf)  }
0xf8: {  	v44 =	vadd.f32 $1.000000000e+00, v63;
	(erf) = vpow2.f32 v19;
	v45 =	vpop (erf)  }
0xf9: {  	(erf) = vrcp.f32 v42;
	v46 =	vadd.f32 $1.000000000e+00, v45;
	v47 =	vpop (erf)  }
0xfa: {  	(erf) = vrcp.f32 v44;
	v48 =	vadd.f32 $1.000000000e+00, v47;
	v49 =	vpop (erf)  }
0xfb: {  	v25 =	vadd.f32 $1.000000000e+00, v49;
	(erf) = vrcp.f32 v46;
	v50 =	vpop (erf)  }
0xfc: {  	v15 =	vadd.f32 $1.000000000e+00, v50;
	(erf) = vrcp.f32 v48  }
0xfd: {  	v52 =	vmul.f32 v36, v9;
	(erf) = vrcp.f32 v25  }
0xfe: {  	v53 =	vmul.f32 v38, v12;
	v51 =	vpop (erf);
	(erf) = vrcp.f32 v15  }
0xff: {  	[tilespmem:s25+$0x6100] =	vst v52;
	v54 =	vmul.f32 v43, v23;
	v19 =	vadd.f32 $1.000000000e+00, v51  }
0x100: {  	v1 =	vmul.f32 v32, v1;
	v56 =	vmul.f32 v39, v13;
	[tilespmem:s25+$0x6110] =	vst v53;
	v55 =	vpop (erf)  }
0x101: {  	v10 =	vmul.f32 v40, v10;
	[tilespmem:s12+$0x6170] =	vst v54;
	v57 =	vpop (erf);
	(erf) = vrcp.f32 v19  }
0x102: {  	v2 =	vmul.f32 v33, v2;
	v58 =	vmul.f32 v41, v14;
	[tilespmem:s25+$0x6120] =	vst v56;
	v9 =	vadd.f32 $1.000000000e+00, v55;
	v59 =	vpop (erf)  }
0x103: {  	[tilespmem:s25+$0x6130] =	vst v10;
	v13 =	vadd.f32 $1.000000000e+00, v57;
	v60 =	vpop (erf)  }
0x104: {  	[tilespmem:s25+$0x6140] =	vst v58;
	(erf) = vrcp.f32 v9;
	v61 =	vpop (erf)  }
0x105: {  	[tilespmem:s24+$0x6150] =	vst v1;
	(erf) = vrcp.f32 v13;
	v1 =	vpop (erf)  }
0x106: {  	[tilespmem:s24+$0x6160] =	vst v2;
	v2 =	vpop (erf);
	v1 =	vmul.f32 v1, v18  }
0x107: {  	v62 =	vpop (erf)  }
0x108: {  	[tilespmem:s12+$0x6110] =	vst v1;
	v1 =	vmul.f32 v62, v3  }
0x109: {  	v2 =	vmul.f32 v2, v21  }
0x10a: {  	v4 =	vmul.f32 v61, v4;
	v63 =	vpop (erf);
	[tilespmem:s12+$0x6130] =	vst v1;
	v1 =	vmul.f32 v59, v8  }
0x10b: {  	[tilespmem:s12+$0x6120] =	vst v2;
	v2 =	vmul.f32 v63, v5  }
0x10c: {  	[tilespmem:s12+$0x6100] =	vst v4  }
0x10d: {  	v3 =	vpop (erf);
	[tilespmem:s12+$0x6140] =	vst v2;
	v2 =	vmul.f32 v60, v6  }
0x10e: {  	v3 =	vmul.f32 v3, v17;
	[tilespmem:s25+$0x6150] =	vst v1;
	v1 =	vpop (erf)  }
0x10f: {  	s23 =	sadd.s32 $0x1, s23;
	[tilespmem:s25+$0x6160] =	vst v2;
	v1 =	vmul.f32 v1, v16  }
0x110: {  	p0 =	sne.s32 s23, $0x9D;
	[tilespmem:s12+$0x6150] =	vst v3  }
.Ltmp2:
0x111: {  	[tilespmem:s12+$0x6160] =	vst v1;
	(pc) =	sbr.rel @p0 .LBB2_4-.Ltmp2, $4  }
0x112: {  	[spmem:s2] =	stream.indirect.scatter.add.f32 [tilespmem:s0], [sflag:$0x3], $0x80, s15, s18, $0xb8;
	[tilespmem:$0x1C100] =	vst v63  }
0x113: {  	_ =	swait.ge [sflag:s1], $0x2000  }
0x114: {  	[sflag:s1] =	ssyncset.done $0x0  }
0x115: {  	[sflag:s1] =	ssyncadd.s32 $0xFFFFE000  }
0x116: {  	s11 =	stileid.u32  }
0x117: {  	[bflag:$0x0] =	sbarrier.arrive $0xFFFF;
	s11 =	sshll.u32 s11, $0x6  }
0x118: {  	s12 =	sshrl.u32 s9, $0x3;
	s13 =	rddreg [dreg:$0x3];
	s11 =	sor.u32 $0x1C03, s11  }
0x119: {  	[hbm:s13], [sflag:s11] =	dma.local [spmem:s12], $0x400  }
0x11a: {  	_ =	swait.ge [sflag:s1], $0x400  }
0x11b: {  	[sflag:s1] =	ssyncset.done $0x0  }
0x11c: {  	s24 =	sshrl.u32 s14, $0x3;
	s25 =	rddreg [dreg:$0x4];
	[sflag:s1] =	ssyncadd.s32 $0xFFFFFC00  }
0x11d: {  	[hbm:s25], [sflag:s11] =	dma.local [spmem:s24], $0x400  }
0x11e: {  	_ =	swait.ge [sflag:s1], $0x400  }
0x11f: {  	s13 =	smov.u32 s14;
	[sflag:s1] =	ssyncset.done $0x0  }
0x120: {  	s14 =	sshrl.u32 s26, $0x3;
	s23 =	rddreg [dreg:$0x5];
	[sflag:s1] =	ssyncadd.s32 $0xFFFFFC00  }
0x121: {  	[hbm:s23], [sflag:s11] =	dma.local [spmem:s14], $0x400  }
0x122: {  	_ =	swait.ge [sflag:s1], $0x400  }
0x123: {  	[sflag:s1] =	ssyncset.done $0x0  }
0x124: {  	s24 =	sshrl.u32 s28, $0x3;
	s25 =	rddreg [dreg:$0x6];
	[sflag:s1] =	ssyncadd.s32 $0xFFFFFC00  }
0x125: {  	[hbm:s25], [sflag:s11] =	dma.local [spmem:s24], $0x400  }
0x126: {  	_ =	swait.ge [sflag:s1], $0x400  }
0x127: {  	s22 =	smov.u32 s26;
	s26 =	sshrl.u32 s29, $0x3;
	[sflag:s1] =	ssyncset.done $0x0  }
0x128: {  	s23 =	smov.u32 s28;
	s28 =	rddreg [dreg:$0x7];
	[sflag:s1] =	ssyncadd.s32 $0xFFFFFC00  }
0x129: {  	[hbm:s28], [sflag:s11] =	dma.local [spmem:s26], $0x400  }
0x12a: {  	_ =	swait.ge [sflag:s1], $0x400  }
0x12b: {  	s24 =	smov.u32 s29;
	s25 =	smov.u32 s30;
	[sflag:s1] =	ssyncset.done $0x0  }
0x12c: {  	s29 =	sshrl.u32 s30, $0x3;
	s30 =	rddreg [dreg:$0x8];
	[sflag:s1] =	ssyncadd.s32 $0xFFFFFC00  }
0x12d: {  	[hbm:s30], [sflag:s11] =	dma.local [spmem:s29], $0x400  }
0x12e: {  	_ =	swait.ge [sflag:s1], $0x400  }
0x12f: {  	[sflag:s1] =	ssyncset.done $0x0;
	s26 =	rddreg [dreg:$0xe]  }
0x130: {  	s28 =	rddreg [dreg:$0x9];
	[sflag:s1] =	ssyncadd.s32 $0xFFFFFC00;
	s12 =	sshrl.u32 s26, $0x3  }
0x131: {  	[hbm:s28], [sflag:s11] =	dma.local [spmem:s12], $0x400  }
0x132: {  	_ =	swait.ge [sflag:s1], $0x400  }
0x133: {  	[sflag:s1] =	ssyncset.done $0x0;
	s29 =	rddreg [dreg:$0xf]  }
0x134: {  	s30 =	rddreg [dreg:$0xa];
	[sflag:s1] =	ssyncadd.s32 $0xFFFFFC00;
	s12 =	sshrl.u32 s29, $0x3  }
0x135: {  	[hbm:s30], [sflag:s11] =	dma.local [spmem:s12], $0x400  }
0x136: {  	_ =	swait.ge [sflag:s1], $0x400  }
0x137: {  	[sflag:s1] =	ssyncset.done $0x0;
	s14 =	rddreg [dreg:$0x10]  }
0x138: {  	s26 =	rddreg [dreg:$0xb];
	[sflag:s1] =	ssyncadd.s32 $0xFFFFFC00;
	s12 =	sshrl.u32 s14, $0x3  }
0x139: {  	[hbm:s26], [sflag:s11] =	dma.local [spmem:s12], $0x400  }
0x13a: {  	_ =	swait.ge [sflag:s1], $0x400  }
0x13b: {  	[sflag:s1] =	ssyncset.done $0x0  }
0x13c: {  	s28 =	sshrl.u32 s31, $0x3;
	s29 =	rddreg [dreg:$0xc];
	[sflag:s1] =	ssyncadd.s32 $0xFFFFFC00  }
0x13d: {  	[hbm:s29], [sflag:s11] =	dma.local [spmem:s28], $0x400  }
0x13e: {  	_ =	swait.ge [sflag:s1], $0x400  }
0x13f: {  	s3 =	sadd.s32 $0x1, s3;
	s30 =	rddreg [dreg:$0xd]  }
0x140: {  	p0 =	sne.s32 s3, s30  }
.Ltmp3:
0x141: {  	_ = 	snop;
	(pc) =	sbr.rel @p0 .LBB2_1-.Ltmp3, $3  }
0x142: {  	_ =	sdelay $0x1  }
0x143: {  	[sflag:s1] =	ssyncset.done $0x0  }
0x144: {  	[sflag:s1] =	ssyncadd.s32 $0xFFFFFC00  }
0x145: {  	_ =	sfence.sel $0x180000  }
0x146: {  	[bflag:$0x0] =	sbarrier.arrive $0xFFFF  }
0x147: {  	_ =	strace $0x9000004A  }
0x148: {  	s0 =	stileid.u32;
	[bflag:$0x2] =	sbarrier.arrive $0xFFFF  }
0x149: {  	p0 =	sne.s32 s0, $0x0;
	s0 =	rddreg [dreg:$0x2]  }
0x14a: {  	s0 =	sadd.s32 @!p0 $0x100000, s0  }
0x14b: {  	[sflag:s0] =	ssyncadd.tile.s32 @!p0 $0x1;
	_ =	shalt  }
.Lfunc_end2:
_tile_overlayer_lowered:
.L_overlay_start_2:
0x14c: {  	(tag) =	ssettag $0x2  }
0x14d: {  	s0 =	rddreg [dreg:$0x0];
	s2 =	stileid.u32  }
0x14e: {  	s1 =	rddreg [dreg:$0x1];
	p0 =	sne.s32 s2, $0x0  }
0x14f: {  	s3 =	rddreg [dreg:$0x2];
	[bflag:$0x3] =	sbarrier.arrive $0xFFFF;
	s2 =	simm.s32 @!p0 $0x1C03  }
0x150: {  	[timem:s3], [sflag:s2] =	dma.local @!p0 [hbm:s0], s1  }
0x151: {  	s0 =	simm.s32 @!p0 $0x3  }
0x152: {  	_ =	swait.ge @!p0 [sflag:s0], s1  }
0x153: {  	s1 =	ssub.s32 @!p0 $0x0, s1;
	[sflag:s0] =	ssyncset.done @!p0 $0x0  }
0x154: {  	[sflag:s0] =	ssyncadd.s32 @!p0 s1  }
0x155: {  	[bflag:$0x3] =	sbarrier.arrive $0xFFFF  }
0x156: {  	_ =	shalt  }

// kernel: kernel.8.cloned.1.call-start
scs
__scs_entry_jumppad:
0x0: {  	(pc) =	sbr.rel $0x88, $3  }
0x1: {  	(tag) =	ssettag $0x0;
	lr =	simm.s32 $0x1  }
0x2: {  	[smem:$0x3F96] =	sst lr;
	_ =	strace $0xD0000000  }
0x3: {  	_ = 	snop  }
0x4: {  	_ = 	snop  }
0x5: {  	_ = 	snop  }
0x6: {  	_ = 	snop  }
0x7: {  	_ = 	snop  }
__scs_overlays_trampoline_lowered:
0x8: {  	[smem:$0x3FA5] =	sst s0  }
0x9: {  	[smem:$0x3FA6] =	sst s1  }
0xa: {  	[smem:$0x3FA7] =	sst s2  }
0xb: {  	[smem:$0x3FA8] =	sst s3  }
0xc: {  	[smem:$0x3FA9] =	sst s4  }
0xd: {  	[smem:$0x3FAA] =	sst s5  }
0xe: {  	[smem:$0x3FAB] =	sst s6  }
0xf: {  	[smem:$0x3FAC] =	sst s7  }
0x10: {  	[smem:$0x3FAD] =	sst s8  }
0x11: {  	[smem:$0x3FAE] =	sst s9;
	s0 =	simm.s32 @!p0 $0x0  }
0x12: {  	s1 =	sld [smem:$0x3F94];
	s0 =	simm.s32 @p0 $0x1  }
0x13: {  	[smem:$0x3FAF] =	sst s0;
	s0 =	simm.s32 @!p1 $0x0  }
0x14: {  	s2 =	sld [smem:$0x3F93];
	s0 =	simm.s32 @p1 $0x1  }
0x15: {  	[smem:$0x3FB0] =	sst s0;
	s0 =	simm.s32 @!p2 $0x0  }
0x16: {  	s3 =	sld [smem:$0x3FDB];
	s0 =	simm.s32 @p2 $0x1  }
0x17: {  	s4 =	simm.s32 $0x1BF5;
	[smem:$0x3FB2] =	sst s0  }
0x18: {  	s0 =	sld [smem:$0x3F95];
	_ =	swait.ge [sflag:s4], $0x0  }
0x19: {  	s7 =	sld [smem:$0x3F96]  }
0x1a: {  	s8 =	sadd.s32 $0xFFFFE003, lr  }
0x1b: {  	s9 =	sadd.s32 $0xFFFFFEF7, lr;
	s5 =	simm.s32 $0xFFFFFFFF;
	p2 =	slt.u32 s8, $0xFFFFF086  }
0x1c: {  	p1 =	slt.u32 s9, $0xF7A;
	s5 =	simm.s32 @!p2 $0x0  }
0x1d: {  	s5 =	simm.s32 @p1 $0x1;
	p0 =	seq.s32 s7, s2  }
0x1e: {  	s7 =	smul.u32 @!p0 $0xF7A, s2;
	p2 =	seq.s32 @!p0 s5, $0x0  }
0x1f: {  	s9 =	smul.u32 $0xF7A, s1;
	s8 =	simm.s32 @!p0 $0x1BF5;
	p2 =	por !p2, p0  }
0x20: {  	[sflag:s8] =	ssyncset.s32 @!p0 $0xFFFFF086;
	s6 =	sadd.s32 @!p0 s3, s7;
	s7 =	simm.s32 @!p0 $0x108  }
0x21: {  	s3 =	sadd.s32 s3, s9;
	s6 =	sadd.s32 @!p0 $0x88, s6;
	s7 =	simm.s32 @p2 $0x1082  }
0x22: {  	[simem:s7], [sflag:s8] =	dma.local @!p0 [hbm:s6], $0xF7A  }
0x23: {  	s9 =	sor.u32 $0xD0000000, s2;
	s6 =	simm.s32 $0x108;
	_ =	swait.ge @!p0 [sflag:s8], $0x0  }
0x24: {  	s3 =	sadd.s32 $0x88, s3;
	s6 =	simm.s32 @!p1 $0x1082;
	[sflag:s4] =	ssyncset.s32 $0xFFFFF086  }
0x25: {  	[simem:s6], [sflag:s4] =	dma.local [hbm:s3], $0xF7A  }
0x26: {  	[smem:$0x3F96] =	sst s1;
	(tag) =	ssettag s2;
	_ =	strace s9  }
0x27: {  	s1 =	sld [smem:$0x3FA6]  }
0x28: {  	s2 =	sld [smem:$0x3FA7]  }
0x29: {  	s4 =	sld [smem:$0x3FA9]  }
0x2a: {  	p0 =	seq.s32 s5, $0x0;
	s5 =	sld [smem:$0x3FAA]  }
0x2b: {  	s6 =	sld [smem:$0x3FAB]  }
0x2c: {  	s7 =	sld [smem:$0x3FAC]  }
0x2d: {  	s3 =	simm.s32 $0x108;
	s8 =	sld [smem:$0x3FAD]  }
0x2e: {  	s3 =	simm.s32 @!p0 $0x1082;
	s9 =	sld [smem:$0x3FAE]  }
0x2f: {  	lr =	sadd.s32 s0, s3;
	s0 =	sld [smem:$0x3FA5]  }
0x30: {  	s3 =	sld [smem:$0x3FA8]  }
0x31: {  	[smem:$0x3FB1] =	sst s10  }
0x32: {  	s10 =	sld [smem:$0x3FAF];
	_ =	sdelay $0x3  }
0x33: {  	p0 =	seq.s32 s10, $0x1;
	s10 =	sld [smem:$0x3FB1];
	_ =	sdelay $0x3  }
0x34: {  	[smem:$0x3FB1] =	sst s10  }
0x35: {  	s10 =	sld [smem:$0x3FB0];
	_ =	sdelay $0x3  }
0x36: {  	p1 =	seq.s32 s10, $0x1;
	s10 =	sld [smem:$0x3FB1];
	_ =	sdelay $0x3  }
0x37: {  	[smem:$0x3FB1] =	sst s10  }
0x38: {  	s10 =	sld [smem:$0x3FB2]  }
0x39: {  	_ = 	snop;
	(pc) =	sbr.ind lr, $3  }
0x3a: {  	_ = 	snop  }
0x3b: {  	_ = 	snop  }
0x3c: {  	p2 =	seq.s32 s10, $0x1;
	s10 =	sld [smem:$0x3FB1]  }
0x3d: {  	_ =	shalt  }
0x3e: {  	_ =	shalt  }
0x3f: {  	_ =	shalt  }
0x40: {  	_ =	shalt  }
0x41: {  	_ =	shalt  }
0x42: {  	_ =	shalt  }
0x43: {  	_ =	shalt  }
0x44: {  	_ =	shalt  }
0x45: {  	_ =	shalt  }
0x46: {  	_ =	shalt  }
0x47: {  	_ =	shalt  }
0x48: {  	_ =	shalt  }
0x49: {  	_ =	shalt  }
0x4a: {  	_ =	shalt  }
0x4b: {  	_ =	shalt  }
0x4c: {  	_ =	shalt  }
0x4d: {  	_ =	shalt  }
0x4e: {  	_ =	shalt  }
0x4f: {  	_ =	shalt  }
0x50: {  	_ =	shalt  }
0x51: {  	_ =	shalt  }
0x52: {  	_ =	shalt  }
0x53: {  	_ =	shalt  }
0x54: {  	_ =	shalt  }
0x55: {  	_ =	shalt  }
0x56: {  	_ =	shalt  }
0x57: {  	_ =	shalt  }
0x58: {  	_ =	shalt  }
0x59: {  	_ =	shalt  }
0x5a: {  	_ =	shalt  }
0x5b: {  	_ =	shalt  }
0x5c: {  	_ =	shalt  }
0x5d: {  	_ =	shalt  }
0x5e: {  	_ =	shalt  }
0x5f: {  	_ =	shalt  }
0x60: {  	_ =	shalt  }
0x61: {  	_ =	shalt  }
0x62: {  	_ =	shalt  }
0x63: {  	_ =	shalt  }
0x64: {  	_ =	shalt  }
0x65: {  	_ =	shalt  }
0x66: {  	_ =	shalt  }
0x67: {  	_ =	shalt  }
0x68: {  	_ =	shalt  }
0x69: {  	_ =	shalt  }
0x6a: {  	_ =	shalt  }
0x6b: {  	_ =	shalt  }
0x6c: {  	_ =	shalt  }
0x6d: {  	_ =	shalt  }
0x6e: {  	_ =	shalt  }
0x6f: {  	_ =	shalt  }
0x70: {  	_ =	shalt  }
0x71: {  	_ =	shalt  }
0x72: {  	_ =	shalt  }
0x73: {  	_ =	shalt  }
0x74: {  	_ =	shalt  }
0x75: {  	_ =	shalt  }
0x76: {  	_ =	shalt  }
0x77: {  	_ =	shalt  }
0x78: {  	_ =	shalt  }
0x79: {  	_ =	shalt  }
0x7a: {  	_ =	shalt  }
0x7b: {  	_ =	shalt  }
0x7c: {  	_ =	shalt  }
0x7d: {  	_ =	shalt  }
0x7e: {  	_ =	shalt  }
0x7f: {  	_ =	shalt  }
0x80: {  	_ =	shalt  }
0x81: {  	_ =	shalt  }
0x82: {  	_ =	shalt  }
0x83: {  	_ =	shalt  }
0x84: {  	_ =	shalt  }
0x85: {  	_ =	shalt  }
0x86: {  	_ =	shalt  }
0x87: {  	_ =	shalt  }
.Lfunc_end0:
.L_simem_size_0:
called_computation_lowered:
.L_overlay_start_0:
0x88: {  	s2 =	sld [smem:$0x3FD9]  }
0x89: {  	s3 =	sld [smem:$0x3FFE];
	_ =	sdelay $0x1  }
0x8a: {  	s1 =	srdreg.scid  }
0x8b: {  	s0 =	sand.u32 $0x1, s1  }
0x8c: {  	s17 =	sshll.u32 s0, $0xA;
	s2 =	sadd.s32 s3, s2  }
0x8d: {  	s2 =	sadd.s32 s2, s17  }
0x8e: {  	[smem:$0x3FBD] =	sst s2  }
0x8f: {  	_ = 	snop  }
0x90: {  	s2 =	sld [smem:$0x3FD0];
	(tm) =	ssettm $0x1  }
0x91: {  	s18 =	sld [smem:$0x3FFB];
	_ =	sdelay $0x3  }
0x92: {  	_ =	strace s18  }
0x93: {  	s3 =	sld [smem:$0x3FFC];
	_ =	sdelay $0x3  }
0x94: {  	_ =	strace s3  }
0x95: {  	s3 =	sld [smem:$0x3FFD];
	_ =	sdelay $0x3  }
0x96: {  	_ =	strace s3  }
0x97: {  	_ =	strace $0x8FFFFFFF  }
0x98: {  	s19 =	sld [smem:$0x3FDB];
	_ =	sdelay $0x1  }
0x99: {  	s4 =	simm.s32 $_scs_section_size  }
0x9a: {  	s5 =	simm.s32 $_size__tile_overlayer_lowered;
	s6 =	simm.s32 $_tile_overlayer_lowered  }
0x9b: {  	s22 =	simm.s32 $0x1BFF;
	s21 =	sshll.u32 s6, $0x1;
	s3 =	sadd.s32 s4, s19  }
0x9c: {  	s7 =	simm.s32 $0x0;
	s20 =	sshll.u32 s5, $0x1;
	s5 =	sadd.s32 s21, s3  }
0x9d: {  	[timem:s7], [sflag:s22] =	dma.local [hbm:s5], s20  }
0x9e: {  	_ =	swait.ge [sflag:s22], s20  }
0x9f: {  	s4 =	ssub.s32 $0x0, s20;
	[sflag:s22] =	ssyncset.done $0x0  }
0xa0: {  	[sflag:s22] =	ssyncadd.s32 s4;
	_ =	sdelay $0x1  }
0xa1: {  	s23 =	simm.s32 $0x1B8B  }
0xa2: {  	_ =	swait.ge [sflag:s23], $0x1  }
0xa3: {  	[sflag:s23] =	ssyncset.done $0x0  }
0xa4: {  	s25 =	simm.s32 $0x1B8E;
	s24 =	sld [smem:$0x3FFE];
	[sflag:s23] =	ssyncadd.s32 $0xFFFFFFFF  }
0xa5: {  	s26 =	simm.s32 $execute0_lowered;
	[smem:$0x3FD2] =	sst s25  }
0xa6: {  	s5 =	sshll.u32 s26, $0x1;
	_ =	strace $0x80000046;
	[dreg:$0x1] =	wrdreg $0xFFFFFFFF  }
0xa7: {  	s28 =	simm.s32 $_size_execute0_lowered;
	s3 =	sadd.s32 s3, s5;
	[dreg:$0x0] =	wrdreg $0x0  }
0xa8: {  	s5 =	sshll.u32 s28, $0x1;
	[dreg:$0x2] =	wrdreg s3  }
0xa9: {  	[dreg:$0x3] =	wrdreg s5  }
0xaa: {  	[dreg:$0x4] =	wrdreg $0xC0  }
0xab: {  	_ =	task [dreg:s7], $0x5FFFF  }
0xac: {  	[dreg:$0x1] =	wrdreg $0xFFFFFFFF  }
0xad: {  	[dreg:$0x0] =	wrdreg $0x60  }
0xae: {  	[dreg:$0x2] =	wrdreg s24  }
0xaf: {  	[dreg:$0x3] =	wrdreg s2  }
0xb0: {  	[dreg:$0x4] =	wrdreg $0xA9000  }
0xb1: {  	[dreg:$0x5] =	wrdreg $0x9  }
0xb2: {  	_ =	task.clear_ibuf [dreg:s7], $0x6FFFF;
	_ =	strace $0x90000046  }
0xb3: {  	s29 =	simm.s32 $0x9;
	_ =	strace $0x80000048  }
0xb4: {  	_ =	swait.ge [sflag:s29], $0x1  }
0xb5: {  	[sflag:s29] =	ssyncadd.s32 $0xFFFFFFFF  }
0xb6: {  	_ =	strace $0x90000048  }
0xb7: {  	_ =	sfence  }
0xb8: {  	s30 =	sld [smem:$0x0];
	_ =	sdelay $0x2  }
0xb9: {  	s31 =	sshll.u32 s1, $0xD;
	s1 =	sshrl.u32 s1, $0x2  }
0xba: {  	s3 =	sand.u32 $0x4000, s31;
	s1 =	sadd.s32 s1, s30  }
0xbb: {  	s0 =	sor.u32 s3, s0;
	s1 =	sshll.u32 s1, $0x11  }
0xbc: {  	s0 =	sor.u32 s1, s0  }
0xbd: {  	s0 =	sadd.s32 $0x8F2B, s0  }
0xbe: {  	[sflag:s0] =	ssyncadd.remote.s32 $0x1  }
0xbf: {  	_ =	sfence.sel $0xFFFF  }
0xc0: {  	[dreg:$0x0] =	wrdreg $0xFFFFFFFF;
	(pc) =	sbr.abs _section_cstart, $3  }
0xc1: {  	[dreg:$0x1] =	wrdreg $0xFFFFFFFF  }
0xc2: {  	_ =	task.clear_ibuf [dreg:s7], $0x2FFFF;
	_ =	strace $0x9FFFFFFF  }
0xc3: {  	(tm) =	ssettm $0x7FFFFFFF  }
tec
execute0_lowered:
.L_overlay_start_1:
0x0: {  	(tag) =	ssettag $0x1  }
0x1: {  	s0 =	rddreg [dreg:$0x0]  }
0x2: {  	s1 =	rddreg [dreg:$0x1]  }
0x3: {  	s2 =	rddreg [dreg:$0x2];
	s4 =	srdreg.scid  }
0x4: {  	s12 =	stileid.u32;
	s3 =	simm.s32 $0x0;
	s9 =	sand.u32 $0x1, s4  }
0x5: {  	s7 =	smul.u32 $0x280, s12;
	[smem:$0x7FF] =	sst s3;
	s4 =	sadd.s32 $0x18600, s0  }
0x6: {  	s5 =	sadd.s32 $0x40600, s0;
	s6 =	sadd.s32 $0x9F6A00, s0;
	s29 =	smul.u32 $0x50000, s12  }
0x7: {  	s11 =	sshll.u32 s12, $0x1;
	s12 =	sshrl.u32 s12, $0x2;
	s8 =	smul.u32 $0x2800, s9  }
0x8: {  	_ =	strace $0x80000047;
	s28 =	ssub.s32 $0x2, s9;
	s9 =	sor.u32 s9, s11  }
0x9: {  	s12 =	smul.u32 $0x14000, s12;
	s13 =	sshrl.u32 s28, $0x1;
	s14 =	sshll.u32 s9, $0x7  }
0xa: {  	s10 =	sadd.s32 s7, s8;
	s7 =	sadd.s32 $0x4A00, s0;
	s31 =	sand.u32 $0x380, s14  }
0xb: {  	s8 =	sadd.s32 $0xE800, s0;
	s13 =	ssub.s32 s28, s13;
	s11 =	sor.u32 s12, s31  }
0xc: {  	s10 =	sshll.u32 s10, $0x4;
	s26 =	smax.u32 s13, $0x1;
	s11 =	sshrl.u32 s11, $0x3  }
0xd: {  	s0 =	sadd.s32 s10, s0;
	[dreg:$0xf] =	wrdreg s26;
	s1 =	sadd.s32 s1, s11  }
0xe: {  	s14 =	sadd.s32 $0x68600, s0;
	[dreg:$0x4] =	wrdreg s1  }
0xf: {  	s15 =	sadd.s32 $0x68A00, s0;
	[dreg:$0x5] =	wrdreg s14  }
0x10: {  	s16 =	sadd.s32 $0x68E00, s0;
	[dreg:$0x6] =	wrdreg s15  }
0x11: {  	s17 =	sadd.s32 $0x69200, s0;
	[dreg:$0x7] =	wrdreg s16  }
0x12: {  	s18 =	sadd.s32 $0x69600, s0;
	[dreg:$0x8] =	wrdreg s17  }
0x13: {  	s19 =	sadd.s32 $0x69A00, s0;
	[dreg:$0x9] =	wrdreg s18  }
0x14: {  	s20 =	sadd.s32 $0x69E00, s0;
	[dreg:$0xa] =	wrdreg s19  }
0x15: {  	s30 =	sshrl.u32 s29, $0x2;
	s21 =	sadd.s32 $0x6A200, s0;
	[dreg:$0xb] =	wrdreg s20  }
0x16: {  	s9 =	smul.u32 $0x2740, s9;
	s22 =	sadd.s32 $0x6A600, s0;
	[dreg:$0xc] =	wrdreg s21  }
0x17: {  	s10 =	sadd.s32 s30, s2;
	s0 =	sadd.s32 $0x6AA00, s0;
	[dreg:$0xd] =	wrdreg s22  }
0x18: {  	s23 =	sadd.s32 $0x2000, s10;
	s28 =	sadd.s32 $0xA000, s10;
	[dreg:$0xe] =	wrdreg s0  }
0x19: {  	s24 =	sadd.s32 $0x4000, s10;
	s29 =	sadd.s32 $0xC000, s10;
	[dreg:$0x10] =	wrdreg s28  }
0x1a: {  	s25 =	sadd.s32 $0x6000, s10;
	s30 =	sadd.s32 $0xE000, s10;
	[dreg:$0x11] =	wrdreg s29  }
0x1b: {  	s26 =	sadd.s32 $0x8000, s10;
	s31 =	sadd.s32 $0x10000, s10;
	[dreg:$0x12] =	wrdreg s30  }
0x1c: {  	[dreg:$0x13] =	wrdreg s31;
	s0 =	sadd.s32 $0x12000, s10;
	s1 =	simm.s32 $0x6100  }
0x1d: {  	s14 =	simm.s32 $0x3;
	s15 =	simm.s32 $0x80;
	s16 =	simm.s32 $0x4100  }
0x1e: {  	s17 =	simm.s32 $0x1;
	s18 =	simm.s32 $0x40;
	s19 =	simm.s32 $0x100  }
0x1f: {  	v0 =	vimm.f32 $0.0e+00;
	s20 =	simm.s32 $0x2100;
	s21 =	simm.s32 $0x8100;
	s22 =	simm.s32 $0x2  }
.LBB2_1:
0x20: {  	s11 =	simm.s32 $0x0;
	s12 =	simm.s32 $0x200  }
.LBB2_2:
0x21: {  	p0 =	sne.s32 s12, $0x7E00;
	[tilespmem:s11+$0x6170] =	vst v0  }
0x22: {  	[tilespmem:s11+$0x6100] =	vst v0  }
0x23: {  	[tilespmem:s11+$0x6110] =	vst v0  }
.Ltmp0:
0x24: {  	[tilespmem:s11+$0x6120] =	vst v0;
	(pc) =	sbr.rel @p0 .LBB2_2-.Ltmp0, $4  }
0x25: {  	[tilespmem:s11+$0x6130] =	vst v0  }
0x26: {  	[tilespmem:s11+$0x6140] =	vst v0  }
0x27: {  	[tilespmem:s11+$0x6150] =	vst v0  }
0x28: {  	[tilespmem:s11+$0x6160] =	vst v0;
	s11 =	sshra.s32 s12, $0x2;
	s12 =	sadd.s32 $0x200, s12  }
0x29: {  	[tilespmem:s11+$0x6170] =	vst v0  }
0x2a: {  	[tilespmem:s11+$0x6100] =	vst v0  }
0x2b: {  	[tilespmem:s11+$0x6110] =	vst v0  }
0x2c: {  	[tilespmem:s11+$0x6120] =	vst v0  }
0x2d: {  	[tilespmem:s11+$0x6130] =	vst v0  }
0x2e: {  	[tilespmem:s11+$0x6140] =	vst v0  }
0x2f: {  	[tilespmem:s11+$0x6150] =	vst v0  }
0x30: {  	[tilespmem:s11+$0x6160] =	vst v0  }
0x31: {  	[spmem:s10] =	stream.linear.scatter [tilespmem:s1], [sflag:$0x3], $0x2000, $0x38;
	[tilespmem:$0x1E900] =	vst v63  }
0x32: {  	_ =	swait.ge [sflag:s14], $0x2000  }
0x33: {  	[sflag:s14] =	ssyncset.done $0x0  }
0x34: {  	[sflag:s14] =	ssyncadd.s32 $0xFFFFE000  }
0x35: {  	[spmem:s23] =	stream.linear.scatter [tilespmem:s1], [sflag:$0x3], $0x2000, $0x38;
	[tilespmem:$0x1E900] =	vst v63  }
0x36: {  	_ =	swait.ge [sflag:s14], $0x2000  }
0x37: {  	[sflag:s14] =	ssyncset.done $0x0  }
0x38: {  	[sflag:s14] =	ssyncadd.s32 $0xFFFFE000  }
0x39: {  	[spmem:s24] =	stream.linear.scatter [tilespmem:s1], [sflag:$0x3], $0x2000, $0x38;
	[tilespmem:$0x1E900] =	vst v63  }
0x3a: {  	_ =	swait.ge [sflag:s14], $0x2000  }
0x3b: {  	[sflag:s14] =	ssyncset.done $0x0  }
0x3c: {  	[sflag:s14] =	ssyncadd.s32 $0xFFFFE000  }
0x3d: {  	[spmem:s25] =	stream.linear.scatter [tilespmem:s1], [sflag:$0x3], $0x2000, $0x38;
	[tilespmem:$0x1E900] =	vst v63  }
0x3e: {  	_ =	swait.ge [sflag:s14], $0x2000  }
0x3f: {  	[sflag:s14] =	ssyncset.done $0x0  }
0x40: {  	[sflag:s14] =	ssyncadd.s32 $0xFFFFE000  }
0x41: {  	[spmem:s26] =	stream.linear.scatter [tilespmem:s1], [sflag:$0x3], $0x2000, $0x38;
	[tilespmem:$0x1E900] =	vst v63  }
0x42: {  	_ =	swait.ge [sflag:s14], $0x2000  }
0x43: {  	[sflag:s14] =	ssyncset.done $0x0  }
0x44: {  	s28 =	smov.u32 s23;
	s23 =	rddreg [dreg:$0x10];
	[sflag:s14] =	ssyncadd.s32 $0xFFFFE000  }
0x45: {  	[spmem:s23] =	stream.linear.scatter [tilespmem:s1], [sflag:$0x3], $0x2000, $0x38;
	[tilespmem:$0x1E900] =	vst v63  }
0x46: {  	_ =	swait.ge [sflag:s14], $0x2000  }
0x47: {  	[sflag:s14] =	ssyncset.done $0x0  }
0x48: {  	s29 =	smov.u32 s24;
	s24 =	rddreg [dreg:$0x11];
	[sflag:s14] =	ssyncadd.s32 $0xFFFFE000  }
0x49: {  	[spmem:s24] =	stream.linear.scatter [tilespmem:s1], [sflag:$0x3], $0x2000, $0x38;
	[tilespmem:$0x1E900] =	vst v63  }
0x4a: {  	_ =	swait.ge [sflag:s14], $0x2000  }
0x4b: {  	[sflag:s14] =	ssyncset.done $0x0  }
0x4c: {  	s30 =	smov.u32 s25;
	s25 =	rddreg [dreg:$0x12];
	[sflag:s14] =	ssyncadd.s32 $0xFFFFE000  }
0x4d: {  	[spmem:s25] =	stream.linear.scatter [tilespmem:s1], [sflag:$0x3], $0x2000, $0x38;
	[tilespmem:$0x1E900] =	vst v63  }
0x4e: {  	_ =	swait.ge [sflag:s14], $0x2000  }
0x4f: {  	[sflag:s14] =	ssyncset.done $0x0  }
0x50: {  	s31 =	smov.u32 s26;
	s26 =	rddreg [dreg:$0x13];
	[sflag:s14] =	ssyncadd.s32 $0xFFFFE000  }
0x51: {  	[spmem:s26] =	stream.linear.scatter [tilespmem:s1], [sflag:$0x3], $0x2000, $0x38;
	[tilespmem:$0x1E900] =	vst v63  }
0x52: {  	_ =	swait.ge [sflag:s14], $0x2000  }
0x53: {  	[sflag:s14] =	ssyncset.done $0x0  }
0x54: {  	[sflag:s14] =	ssyncadd.s32 $0xFFFFE000  }
0x55: {  	[spmem:s0] =	stream.linear.scatter [tilespmem:s1], [sflag:$0x3], $0x2000, $0x38;
	[tilespmem:$0x1E900] =	vst v63  }
0x56: {  	_ =	swait.ge [sflag:s14], $0x2000  }
0x57: {  	[sflag:s14] =	ssyncset.done $0x0  }
0x58: {  	s11 =	simm.s32 $0x40;
	s12 =	simm.s32 $0x0;
	[sflag:s14] =	ssyncadd.s32 $0xFFFFE000  }
.LBB2_4:
0x59: {  	p0 =	sne.s32 s11, $0x9FC0;
	[tilespmem:s12+$0x8100] =	vst v0;
	s12 =	smov.u32 s11;
	s11 =	sadd.s32 $0x40, s11  }
.Ltmp1:
0x5a: {  	(pc) =	sbr.rel @p0 .LBB2_4-.Ltmp1, $2  }
0x5b: {  	_ =	sdelay $0x2  }
0x5c: {  	s12 =	sshra.s32 s12, $0x2  }
0x5d: {  	[tilespmem:s12+$0x8100] =	vst v0  }
0x5e: {  	s23 =	simm.s32 $0x0;
	s24 =	simm.s32 $0x0;
	[bflag:$0x0] =	sbarrier.arrive $0xFFFF  }
.LBB2_6:
0x5f: {  	s11 =	sshll.u32 s24, $0x6  }
0x60: {  	s11 =	sadd.s32 s9, s11  }
0x61: {  	s12 =	sshrl.u32 s11, $0x3  }
0x62: {  	s13 =	sadd.s32 s7, s12  }
0x63: {  	[tilespmem:s23], [sflag:$0x1] =	stream.linear.gather [hbm4b:s13+s23], $0x40, $0x38;
	[tilespmem:$0x1E900] =	vst v63  }
0x64: {  	s11 =	sshll.u32 s11, $0x4;
	s12 =	sadd.s32 s8, s12  }
0x65: {  	[tilespmem:s15], [sflag:$0x1] =	stream.linear.gather [hbm4b:s12+s23], $0x40, $0x38;
	[tilespmem:$0x1E900] =	vst v63  }
0x66: {  	s11 =	sadd.s32 s6, s11  }
0x67: {  	[tilespmem:s16], [sflag:$0x1] =	stream.linear.gather [hbm4b:s11+s23], $0x2000, $0x38;
	[tilespmem:$0x1E900] =	vst v63  }
0x68: {  	_ =	swait.ge [sflag:s17], $0x40  }
0x69: {  	[sflag:s17] =	ssyncset.done $0x0  }
0x6a: {  	[sflag:s17] =	ssyncadd.s32 $0xFFFFFFC0  }
0x6b: {  	_ =	swait.ge [sflag:s17], $0x40  }
0x6c: {  	[sflag:s17] =	ssyncset.done $0x0  }
0x6d: {  	[sflag:s17] =	ssyncadd.s32 $0xFFFFFFC0  }
0x6e: {  	[tilespmem:s19], [sflag:$0x2] =	stream.indirect.gather [hbm4b:s4+s18], $0x80, s23, s18, $0xb8;
	[tilespmem:$0x1E900] =	vst v63  }
0x6f: {  	_ = 	snop  }
0x70: {  	[tilespmem:s20], [sflag:$0x2] =	stream.indirect.gather [hbm4b:s5+s18], $0x80, s15, s18, $0xb8;
	[tilespmem:$0x1E900] =	vst v63  }
0x71: {  	v1 =	vld [tilespmem:$0x80];
	_ =	sdelay $0x4  }
0x72: {  	(xrf1) =	vunique.msk.u32 $0xffff, v1;
	_ =	sdelay $0xd  }
0x73: {  	_, v2, vm0 =	vpop (xrf1);
	_ =	sdelay $0x3  }
0x74: {  	v2 =	vcvt.s32.f32 v2;
	_ =	sdelay $0x1  }
0x75: {  	[tilespmem:v1+s21+$0x0] =	vst.idx.add.f32.msk vm0, v2  }
0x76: {  	v1 =	vld [tilespmem:$0x90];
	_ =	sdelay $0x4  }
0x77: {  	(xrf1) =	vunique.msk.u32 $0xffff, v1;
	_ =	sdelay $0xd  }
0x78: {  	_, v2, vm0 =	vpop (xrf1);
	_ =	sdelay $0x3  }
0x79: {  	v2 =	vcvt.s32.f32 v2;
	_ =	sdelay $0x1  }
0x7a: {  	[tilespmem:v1+s21+$0x0] =	vst.idx.add.f32.msk vm0, v2  }
0x7b: {  	v1 =	vld [tilespmem:$0xA0];
	_ =	sdelay $0x4  }
0x7c: {  	(xrf1) =	vunique.msk.u32 $0xffff, v1;
	_ =	sdelay $0xd  }
0x7d: {  	_, v2, vm0 =	vpop (xrf1);
	_ =	sdelay $0x3  }
0x7e: {  	v2 =	vcvt.s32.f32 v2;
	_ =	sdelay $0x1  }
0x7f: {  	[tilespmem:v1+s21+$0x0] =	vst.idx.add.f32.msk vm0, v2  }
0x80: {  	v1 =	vld [tilespmem:$0xB0];
	_ =	sdelay $0x4  }
0x81: {  	(xrf1) =	vunique.msk.u32 $0xffff, v1;
	_ =	sdelay $0xd  }
0x82: {  	_, v2, vm0 =	vpop (xrf1);
	_ =	sdelay $0x3  }
0x83: {  	v2 =	vcvt.s32.f32 v2;
	_ =	sdelay $0x1  }
0x84: {  	[tilespmem:v1+s21+$0x0] =	vst.idx.add.f32.msk vm0, v2  }
0x85: {  	_ =	swait.ge [sflag:s17], $0x2000  }
0x86: {  	[sflag:s17] =	ssyncset.done $0x0  }
0x87: {  	[sflag:s17] =	ssyncadd.s32 $0xFFFFE000  }
0x88: {  	_ =	swait.ge [sflag:s22], $0x2000  }
0x89: {  	[sflag:s22] =	ssyncset.done $0x0  }
0x8a: {  	[sflag:s22] =	ssyncadd.s32 $0xFFFFE000  }
0x8b: {  	_ =	swait.ge [sflag:s22], $0x2000  }
0x8c: {  	[sflag:s22] =	ssyncset.done $0x0  }
0x8d: {  	s12 =	simm.s32 $0x0;
	[sflag:s22] =	ssyncadd.s32 $0xFFFFE000  }
0x8e: {  	v1 =	vld [tilespmem:s12+$0x170]  }
0x8f: {  	v2 =	vld [tilespmem:s12+$0x2170];
	_ =	sdelay $0x1  }
0x90: {  	v4 =	vld [tilespmem:s12+$0x4170];
	_ =	sdelay $0x1  }
0x91: {  	v3 =	vld [tilespmem:s12+$0x100]  }
0x92: {  	v5 =	vld [tilespmem:s12+$0x2100];
	v1 =	vadd.f32 v2, v1  }
0x93: {  	v6 =	vld [tilespmem:s12+$0x110]  }
0x94: {  	v7 =	vld [tilespmem:s12+$0x2110];
	v1 =	vadd.f32 v4, v1  }
0x95: {  	v8 =	vld [tilespmem:s12+$0x2120]  }
0x96: {  	v9 =	vld [tilespmem:s12+$0x2130];
	v10 =	vsub.f32 $0.0e+00, v1  }
0x97: {  	v11 =	vld [tilespmem:s12+$0x140]  }
0x98: {  	v12 =	vld [tilespmem:s12+$0x2140];
	v10 =	vmul.f32 $1.442695020e+00, v10  }
0x99: {  	v13 =	vld [tilespmem:s12+$0x150]  }
0x9a: {  	v14 =	vld [tilespmem:s12+$0x2150];
	(erf) = vpow2.f32 v10  }
0x9b: {  	v15 =	vld [tilespmem:s12+$0x2160]  }
0x9c: {  	v16 =	vld [tilespmem:s12+$0x4100]  }
0x9d: {  	v17 =	vld [tilespmem:s12+$0x4110]  }
0x9e: {  	v18 =	vld [tilespmem:s12+$0x4120]  }
0x9f: {  	v19 =	vld [tilespmem:s12+$0x4130]  }
0xa0: {  	v20 =	vld [tilespmem:s12+$0x4140]  }
0xa1: {  	v21 =	vld [tilespmem:s12+$0x4150]  }
0xa2: {  	v22 =	vld [tilespmem:s12+$0x4160]  }
0xa3: {  	v2 =	vld [tilespmem:s12+$0x120];
	v23 =	vpop (erf)  }
0xa4: {  	s25 =	simm.s32 $0x80;
	v4 =	vld [tilespmem:s12+$0x130];
	v23 =	vadd.f32 $1.000000000e+00, v23  }
0xa5: {  	v24 =	vld [tilespmem:s25+$0x170];
	v3 =	vadd.f32 v5, v3  }
0xa6: {  	v25 =	vld [tilespmem:s25+$0x2170];
	v6 =	vadd.f32 v7, v6;
	(erf) = vrcp.f32 v23  }
0xa7: {  	v26 =	vld [tilespmem:s25+$0x100];
	v16 =	vadd.f32 v16, v3;
	v3 =	vadd.f32 v12, v11  }
0xa8: {  	v28 =	vld [tilespmem:s25+$0x2140];
	v11 =	vadd.f32 v17, v6;
	v2 =	vadd.f32 v8, v2  }
0xa9: {  	v5 =	vld [tilespmem:s25+$0x4170];
	v17 =	vsub.f32 $0.0e+00, v16;
	v4 =	vadd.f32 v9, v4  }
0xaa: {  	v29 =	vld [tilespmem:s25+$0x150];
	v12 =	vadd.f32 v20, v3;
	v2 =	vadd.f32 v18, v2  }
0xab: {  	v7 =	vld [tilespmem:s25+$0x2100];
	v3 =	vmul.f32 $1.442695020e+00, v17;
	v9 =	vadd.f32 v19, v4;
	v4 =	vsub.f32 $0.0e+00, v11  }
0xac: {  	v24 =	vadd.f32 v25, v24;
	v10 =	vld [tilespmem:s12+$0x160];
	v23 =	vsub.f32 $0.0e+00, v2  }
0xad: {  	v25 =	vld [tilespmem:s25+$0x130];
	v4 =	vmul.f32 $1.442695020e+00, v4  }
0xae: {  	v6 =	vld [tilespmem:s25+$0x2110];
	v24 =	vadd.f32 v5, v24;
	(erf) = vpow2.f32 v3;
	v23 =	vmul.f32 $1.442695020e+00, v23  }
0xaf: {  	v20 =	vld [tilespmem:s25+$0x2130];
	v27 =	vsub.f32 $0.0e+00, v12;
	v17 =	vsub.f32 $0.0e+00, v9;
	(erf) = vpow2.f32 v4;
	v3 =	vpop (erf)  }
0xb0: {  	v8 =	vld [tilespmem:s25+$0x110];
	(erf) = vpow2.f32 v23;
	v1 =	vmul.f32 v3, v1;
	v3 =	vadd.f32 v14, v13  }
0xb1: {  	v5 =	vld [tilespmem:s25+$0x140];
	v17 =	vmul.f32 $1.442695020e+00, v17;
	v10 =	vadd.f32 v15, v10;
	v4 =	vsub.f32 $0.0e+00, v24  }
0xb2: {  	v18 =	vld [tilespmem:s25+$0x120];
	v13 =	vmul.f32 $1.442695020e+00, v27;
	v3 =	vadd.f32 v21, v3  }
0xb3: {  	v19 =	vld [tilespmem:s25+$0x2120];
	v15 =	vmul.f32 $1.442695020e+00, v4;
	v4 =	vadd.f32 v22, v10;
	(erf) = vpow2.f32 v17  }
0xb4: {  	v14 =	vld [tilespmem:s25+$0x2150];
	[tilespmem:s12+$0x6170] =	vst v1;
	(erf) = vpow2.f32 v13;
	v10 =	vsub.f32 $0.0e+00, v3  }
0xb5: {  	v17 =	vsub.f32 $0.0e+00, v4;
	v1 =	vld [tilespmem:s25+$0x160];
	(erf) = vpow2.f32 v15  }
0xb6: {  	v13 =	vld [tilespmem:s25+$0x2160];
	v10 =	vmul.f32 $1.442695020e+00, v10  }
0xb7: {  	v17 =	vmul.f32 $1.442695020e+00, v17;
	v23 =	vpop (erf);
	v15 =	vld [tilespmem:s25+$0x4100]  }
0xb8: {  	v21 =	vld [tilespmem:s25+$0x4110];
	(erf) = vpow2.f32 v10;
	v10 =	vadd.f32 $1.000000000e+00, v23;
	v23 =	vpop (erf)  }
0xb9: {  	v22 =	vld [tilespmem:s25+$0x4120];
	(erf) = vpow2.f32 v17;
	v17 =	vadd.f32 $1.000000000e+00, v23;
	v23 =	vpop (erf)  }
0xba: {  	v27 =	vld [tilespmem:s25+$0x4130];
	v23 =	vadd.f32 $1.000000000e+00, v23  }
0xbb: {  	v30 =	vld [tilespmem:s25+$0x4140]  }
0xbc: {  	v31 =	vld [tilespmem:s25+$0x4150];
	(erf) = vrcp.f32 v10;
	v10 =	vpop (erf)  }
0xbd: {  	s11 =	simm.s32 $0x100;
	v7 =	vadd.f32 v7, v26;
	v32 =	vld [tilespmem:s25+$0x4160];
	(erf) = vrcp.f32 v17;
	v10 =	vadd.f32 $1.000000000e+00, v10;
	v17 =	vpop (erf)  }
0xbe: {  	v6 =	vadd.f32 v6, v8;
	v33 =	vld [tilespmem:s11+$0x170];
	(erf) = vrcp.f32 v23;
	v23 =	vpop (erf);
	v17 =	vadd.f32 $1.000000000e+00, v17  }
0xbf: {  	v5 =	vadd.f32 v28, v5;
	v34 =	vld [tilespmem:s11+$0x2170];
	(erf) = vrcp.f32 v10;
	v10 =	vadd.f32 $1.000000000e+00, v23  }
0xc0: {  	v18 =	vadd.f32 v19, v18;
	v19 =	vadd.f32 v20, v25;
	v26 =	vld [tilespmem:s11+$0x2100];
	(erf) = vrcp.f32 v17  }
0xc1: {  	v20 =	vld [tilespmem:s11+$0x110];
	v14 =	vadd.f32 v14, v29;
	(erf) = vrcp.f32 v10;
	v10 =	vadd.f32 v15, v7  }
0xc2: {  	v25 =	vld [tilespmem:s11+$0x2110];
	v13 =	vadd.f32 v13, v1;
	v8 =	vadd.f32 v21, v6  }
0xc3: {  	v17 =	vld [tilespmem:s11+$0x4170];
	v15 =	vpop (erf);
	v7 =	vadd.f32 v22, v18;
	v1 =	vsub.f32 $0.0e+00, v10  }
0xc4: {  	v57 =	vld [tilespmem:s11+$0x120];
	v6 =	vadd.f32 v27, v19;
	v5 =	vadd.f32 v30, v5;
	v56 =	vpop (erf)  }
0xc5: {  	v35 =	vld [tilespmem:s11+$0x2120];
	v22 =	vsub.f32 $0.0e+00, v8;
	v21 =	vpop (erf);
	v37 =	vsub.f32 $0.0e+00, v7;
	v27 =	vmul.f32 $1.442695020e+00, v1  }
0xc6: {  	v36 =	vld [tilespmem:s11+$0x2130];
	v59 =	vadd.f32 v34, v33;
	v61 =	vsub.f32 $0.0e+00, v6;
	v16 =	vmul.f32 v21, v16;
	v18 =	vpop (erf)  }
0xc7: {  	v60 =	vld [tilespmem:s11+$0x2140];
	v22 =	vmul.f32 $1.442695020e+00, v22;
	v1 =	vadd.f32 v31, v14;
	v37 =	vmul.f32 $1.442695020e+00, v37;
	v58 =	vpop (erf)  }
0xc8: {  	v19 =	vld [tilespmem:s11+$0x130];
	v18 =	vmul.f32 v18, v11;
	v11 =	vadd.f32 v17, v59;
	(erf) = vpow2.f32 v27;
	v14 =	vpop (erf)  }
0xc9: {  	v23 =	vld [tilespmem:s11+$0x100];
	v30 =	vmul.f32 v58, v2;
	(erf) = vpow2.f32 v22;
	v22 =	vsub.f32 $0.0e+00, v5;
	v27 =	vpop (erf)  }
0xca: {  	v21 =	vld [tilespmem:s11+$0x140];
	[tilespmem:s12+$0x6100] =	vst v16;
	v31 =	vsub.f32 $0.0e+00, v11;
	(erf) = vpow2.f32 v37;
	v9 =	vmul.f32 v14, v9;
	v16 =	vpop (erf)  }
0xcb: {  	v2 =	vadd.f32 v32, v13;
	v16 =	vmul.f32 v16, v24;
	v24 =	vmul.f32 $1.442695020e+00, v61  }
0xcc: {  	v17 =	vld [tilespmem:s11+$0x150];
	[tilespmem:s12+$0x6110] =	vst v18;
	v18 =	vsub.f32 $0.0e+00, v1;
	v22 =	vmul.f32 $1.442695020e+00, v22;
	v13 =	vmul.f32 $1.442695020e+00, v31  }
0xcd: {  	v62 =	vld [tilespmem:s11+$0x2150];
	v14 =	vsub.f32 $0.0e+00, v2;
	v12 =	vmul.f32 v27, v12;
	[tilespmem:s25+$0x6170] =	vst v16;
	(erf) = vpow2.f32 v24  }
0xce: {  	v18 =	vmul.f32 $1.442695020e+00, v18;
	v24 =	vld [tilespmem:s11+$0x160];
	(erf) = vpow2.f32 v22;
	[tilespmem:s12+$0x6120] =	vst v30  }
0xcf: {  	(erf) = vpow2.f32 v13;
	v13 =	vld [tilespmem:s11+$0x2160];
	[tilespmem:s12+$0x6130] =	vst v9;
	v9 =	vadd.f32 $1.000000000e+00, v15;
	v15 =	vmul.f32 $1.442695020e+00, v14  }
0xd0: {  	(erf) = vpow2.f32 v18  }
0xd1: {  	v18 =	vadd.f32 v26, v23;
	v23 =	vld [tilespmem:s11+$0x4100];
	[tilespmem:s12+$0x6140] =	vst v12;
	v12 =	vpop (erf);
	(erf) = vpow2.f32 v15  }
0xd2: {  	v22 =	vadd.f32 $1.000000000e+00, v56;
	(erf) = vrcp.f32 v9;
	v9 =	vadd.f32 $1.000000000e+00, v12;
	_ =	sdelay $0x1  }
0xd3: {  	v25 =	vadd.f32 v25, v20;
	v14 =	vadd.f32 v36, v19;
	v19 =	vld [tilespmem:s11+$0x4110];
	v12 =	vpop (erf);
	(erf) = vrcp.f32 v22  }
0xd4: {  	v27 =	vld [tilespmem:s11+$0x4120];
	v15 =	vadd.f32 v62, v17;
	v12 =	vadd.f32 $1.000000000e+00, v12;
	v17 =	vpop (erf)  }
0xd5: {  	v16 =	vadd.f32 v60, v21;
	v22 =	vld [tilespmem:s11+$0x4130];
	v63 =	vadd.f32 $1.000000000e+00, v17;
	(erf) = vrcp.f32 v9;
	v9 =	vpop (erf)  }
0xd6: {  	v21 =	vld [tilespmem:s11+$0x4140];
	v17 =	vadd.f32 v13, v24;
	(erf) = vrcp.f32 v12;
	v13 =	vadd.f32 $1.000000000e+00, v9  }
0xd7: {  	v26 =	vadd.f32 v35, v57;
	v20 =	vld [tilespmem:s11+$0x4150];
	v9 =	vadd.f32 v23, v18;
	v18 =	vpop (erf);
	(erf) = vrcp.f32 v63  }
0xd8: {  	s13 =	simm.s32 $0x180;
	v12 =	vadd.f32 v19, v25;
	v19 =	vld [tilespmem:s11+$0x4160];
	v25 =	vpop (erf);
	v24 =	vadd.f32 $1.000000000e+00, v18;
	(erf) = vrcp.f32 v13  }
0xd9: {  	s26 =	simm.s32 $0x800;
	v23 =	vld [tilespmem:s13+$0x170];
	v13 =	vadd.f32 v27, v26;
	v25 =	vadd.f32 $1.000000000e+00, v25;
	v18 =	vpop (erf)  }
.LBB2_7:
0xda: {  	p0 =	sne.s32 s26, $0x7E00;
	v26 =	vld [tilespmem:s13+$0x2170];
	v27 =	vsub.f32 $0.0e+00, v9;
	v14 =	vadd.f32 v22, v14;
	(erf) = vrcp.f32 v24;
	v22 =	vpop (erf)  }
0xdb: {  	v28 =	vsub.f32 $0.0e+00, v12;
	v24 =	vld [tilespmem:s13+$0x100];
	v16 =	vadd.f32 v21, v16;
	(erf) = vrcp.f32 v25;
	v21 =	vpop (erf)  }
0xdc: {  	v29 =	vsub.f32 $0.0e+00, v13;
	v25 =	vld [tilespmem:s13+$0x4170];
	v27 =	vmul.f32 $1.442695020e+00, v27;
	v15 =	vadd.f32 v20, v15;
	v20 =	vpop (erf)  }
0xdd: {  	v28 =	vmul.f32 $1.442695020e+00, v28;
	v31 =	vsub.f32 $0.0e+00, v14;
	v30 =	vld [tilespmem:s13+$0x2100];
	v17 =	vadd.f32 v19, v17  }
0xde: {  	v29 =	vmul.f32 $1.442695020e+00, v29;
	v32 =	vsub.f32 $0.0e+00, v16;
	v19 =	vld [tilespmem:s13+$0x110];
	v33 =	vsub.f32 $0.0e+00, v15;
	v34 =	vpop (erf)  }
0xdf: {  	v35 =	vld [tilespmem:s13+$0x2110];
	v23 =	vadd.f32 v26, v23;
	v26 =	vmul.f32 $1.442695020e+00, v31;
	v31 =	vsub.f32 $0.0e+00, v17;
	v36 =	vpop (erf)  }
0xe0: {  	v18 =	vadd.f32 $1.000000000e+00, v18;
	v32 =	vmul.f32 $1.442695020e+00, v32;
	v37 =	vld [tilespmem:s13+$0x120];
	v33 =	vmul.f32 $1.442695020e+00, v33;
	v38 =	vpop (erf)  }
0xe1: {  	v39 =	vld [tilespmem:s13+$0x2120];
	v23 =	vadd.f32 v25, v23;
	v25 =	vmul.f32 $1.442695020e+00, v31;
	(erf) = vpow2.f32 v27;
	v27 =	vpop (erf)  }
0xe2: {  	v22 =	vadd.f32 $1.000000000e+00, v22;
	v24 =	vadd.f32 v30, v24;
	v30 =	vld [tilespmem:s13+$0x130];
	(erf) = vpow2.f32 v28  }
0xe3: {  	v40 =	vmul.f32 v34, v10;
	v28 =	vld [tilespmem:s13+$0x2130];
	v31 =	vsub.f32 $0.0e+00, v23;
	(erf) = vpow2.f32 v29;
	v29 =	vpop (erf)  }
0xe4: {  	v19 =	vadd.f32 v35, v19;
	v34 =	vld [tilespmem:s13+$0x140];
	(erf) = vpow2.f32 v26;
	v26 =	vpop (erf);
	v35 =	vmul.f32 v36, v8  }
0xe5: {  	v10 =	vmovc v9;
	v8 =	vmovc v12;
	v36 =	vld [tilespmem:s13+$0x2140];
	v31 =	vmul.f32 $1.442695020e+00, v31;
	v26 =	vmul.f32 v26, v11;
	[tilespmem:s25+$0x6100] =	vst v40;
	v11 =	vmov v23  }
0xe6: {  	v12 =	vmul.f32 v38, v7;
	v7 =	vmovc v13;
	v37 =	vadd.f32 v39, v37;
	v9 =	vld [tilespmem:s13+$0x150];
	(erf) = vpow2.f32 v32;
	[tilespmem:s25+$0x6110] =	vst v35  }
0xe7: {  	v23 =	vmul.f32 v27, v6;
	v6 =	vmov v14;
	v13 =	vld [tilespmem:s13+$0x2150];
	(erf) = vpow2.f32 v31;
	[tilespmem:s11+$0x6170] =	vst v26  }
0xe8: {  	v14 =	vadd.f32 v28, v30;
	v26 =	vld [tilespmem:s13+$0x160];
	(erf) = vpow2.f32 v33;
	[tilespmem:s25+$0x6120] =	vst v12;
	v12 =	vmul.f32 v29, v5;
	v5 =	vmovc v16  }
0xe9: {  	v21 =	vmul.f32 v21, v3;
	v3 =	vmovc v1;
	v1 =	vmov v15;
	v27 =	vld [tilespmem:s13+$0x2160];
	(erf) = vpow2.f32 v25;
	[tilespmem:s25+$0x6130] =	vst v23  }
0xea: {  	v23 =	vld [tilespmem:s13+$0x4100];
	v16 =	vadd.f32 v36, v34;
	v15 =	vpop (erf);
	[tilespmem:s25+$0x6140] =	vst v12;
	(erf) = vrcp.f32 v18;
	v12 =	vmul.f32 v20, v4  }
0xeb: {  	v4 =	vmov v2;
	v18 =	vld [tilespmem:s13+$0x4110];
	v20 =	vadd.f32 $1.000000000e+00, v15;
	v25 =	vpop (erf);
	(erf) = vrcp.f32 v22;
	[tilespmem:s12+$0x6150] =	vst v21  }
0xec: {  	v2 =	vmov v17;
	v28 =	vld [tilespmem:s13+$0x4120];
	v15 =	vadd.f32 v13, v9;
	v9 =	vadd.f32 $1.000000000e+00, v25;
	v13 =	vpop (erf);
	[tilespmem:s12+$0x6160] =	vst v12;
	s12 =	smov.u32 s25;
	s25 =	smov.u32 s11;
	s11 =	smov.u32 s13  }
.Ltmp2:
0xed: {  	v22 =	vld [tilespmem:s11+$0x4130];
	v12 =	vadd.f32 $1.000000000e+00, v13;
	(erf) = vrcp.f32 v20;
	v13 =	vpop (erf);
	(pc) =	sbr.rel @p0 .LBB2_7-.Ltmp2, $4  }
0xee: {  	v21 =	vld [tilespmem:s11+$0x4140];
	v17 =	vadd.f32 v27, v26;
	v13 =	vadd.f32 $1.000000000e+00, v13;
	(erf) = vrcp.f32 v9  }
0xef: {  	v9 =	vadd.f32 v23, v24;
	v20 =	vld [tilespmem:s11+$0x4150];
	(erf) = vrcp.f32 v12;
	v23 =	vpop (erf)  }
0xf0: {  	s13 =	sshra.s32 s26, $0x2;
	v12 =	vadd.f32 v18, v19;
	v19 =	vld [tilespmem:s11+$0x4160];
	v18 =	vpop (erf);
	v24 =	vadd.f32 $1.000000000e+00, v23;
	(erf) = vrcp.f32 v13  }
0xf1: {  	s26 =	sadd.s32 $0x200, s26;
	v23 =	vld [tilespmem:s13+$0x170];
	v13 =	vadd.f32 v28, v37;
	v25 =	vadd.f32 $1.000000000e+00, v18;
	v18 =	vpop (erf)  }
0xf2: {  	v26 =	vld [tilespmem:s13+$0x2170];
	(erf) = vrcp.f32 v24  }
0xf3: {  	v27 =	vld [tilespmem:s13+$0x100];
	v29 =	vpop (erf);
	(erf) = vrcp.f32 v25  }
0xf4: {  	v28 =	vld [tilespmem:s13+$0x4170];
	v37 =	vsub.f32 $0.0e+00, v9;
	v31 =	vpop (erf)  }
0xf5: {  	v63 =	vld [tilespmem:s13+$0x2100];
	v33 =	vpop (erf)  }
0xf6: {  	v45 =	vld [tilespmem:s13+$0x110];
	v46 =	vsub.f32 $0.0e+00, v12;
	v37 =	vmul.f32 $1.442695020e+00, v37;
	v35 =	vpop (erf)  }
0xf7: {  	v30 =	vld [tilespmem:s13+$0x2110];
	v47 =	vsub.f32 $0.0e+00, v13;
	v35 =	vmul.f32 v35, v10;
	v10 =	vadd.f32 v22, v14  }
0xf8: {  	v32 =	vld [tilespmem:s13+$0x120];
	(erf) = vpow2.f32 v37;
	v38 =	vpop (erf);
	v14 =	vadd.f32 v21, v16;
	v23 =	vadd.f32 v26, v23  }
0xf9: {  	v34 =	vld [tilespmem:s13+$0x2120];
	v22 =	vmul.f32 $1.442695020e+00, v46;
	v16 =	vmul.f32 $1.442695020e+00, v47;
	v40 =	vpop (erf);
	v50 =	vsub.f32 $0.0e+00, v10  }
0xfa: {  	v36 =	vld [tilespmem:s13+$0x130];
	v8 =	vmul.f32 v38, v8;
	v42 =	vpop (erf);
	v23 =	vadd.f32 v28, v23;
	v51 =	vsub.f32 $0.0e+00, v14  }
0xfb: {  	v39 =	vld [tilespmem:s13+$0x2130];
	(erf) = vpow2.f32 v22;
	v48 =	vpop (erf);
	v53 =	vmul.f32 $1.442695020e+00, v50  }
0xfc: {  	v41 =	vld [tilespmem:s13+$0x140];
	(erf) = vpow2.f32 v16;
	v54 =	vmul.f32 $1.442695020e+00, v51;
	v55 =	vsub.f32 $0.0e+00, v23;
	v49 =	vpop (erf)  }
0xfd: {  	v43 =	vld [tilespmem:s13+$0x2140];
	v62 =	vadd.f32 $1.000000000e+00, v18;
	[tilespmem:s25+$0x6100] =	vst v35;
	v11 =	vmul.f32 v49, v11;
	(erf) = vpow2.f32 v53  }
0xfe: {  	v7 =	vmul.f32 v40, v7;
	v35 =	vld [tilespmem:s13+$0x150];
	[tilespmem:s25+$0x6110] =	vst v8;
	v8 =	vadd.f32 v20, v15;
	v59 =	vmul.f32 $1.442695020e+00, v55  }
0xff: {  	v57 =	vmul.f32 v42, v6;
	v6 =	vadd.f32 v19, v17;
	v52 =	vld [tilespmem:s13+$0x2150];
	(erf) = vpow2.f32 v54;
	[tilespmem:s11+$0x6170] =	vst v11  }
0x100: {  	v58 =	vsub.f32 $0.0e+00, v8;
	v5 =	vmul.f32 v48, v5;
	(erf) = vpow2.f32 v59;
	v56 =	vld [tilespmem:s13+$0x160];
	[tilespmem:s25+$0x6120] =	vst v7  }
0x101: {  	v29 =	vadd.f32 $1.000000000e+00, v29;
	v3 =	vmul.f32 v31, v3;
	v61 =	vsub.f32 $0.0e+00, v6;
	v60 =	vld [tilespmem:s13+$0x2160];
	[tilespmem:s25+$0x6130] =	vst v57  }
0x102: {  	v4 =	vmul.f32 v33, v4;
	v63 =	vadd.f32 v63, v27;
	v7 =	vmul.f32 $1.442695020e+00, v58;
	v15 =	vld [tilespmem:s13+$0x4100];
	[tilespmem:s25+$0x6140] =	vst v5  }
0x103: {  	v31 =	vadd.f32 v30, v45;
	v38 =	vadd.f32 v34, v32;
	v28 =	vmul.f32 $1.442695020e+00, v61;
	v40 =	vpop (erf);
	v37 =	vld [tilespmem:s13+$0x4110];
	[tilespmem:s12+$0x6150] =	vst v3  }
0x104: {  	v42 =	vadd.f32 v43, v41;
	v45 =	vadd.f32 v52, v35;
	(erf) = vpow2.f32 v7;
	v43 =	vpop (erf);
	v44 =	vld [tilespmem:s13+$0x4120]  }
0x105: {  	v7 =	vadd.f32 $1.000000000e+00, v40;
	v3 =	vadd.f32 v39, v36;
	(erf) = vpow2.f32 v28;
	v46 =	vpop (erf);
	[tilespmem:s12+$0x6160] =	vst v4  }
0x106: {  	v47 =	vadd.f32 $1.000000000e+00, v43;
	(erf) = vrcp.f32 v62;
	v22 =	vadd.f32 $1.000000000e+00, v46;
	v48 =	vld [tilespmem:s13+$0x4130];
	v49 =	vpop (erf)  }
0x107: {  	(erf) = vrcp.f32 v29;
	v16 =	vadd.f32 v60, v56;
	v51 =	vadd.f32 $1.000000000e+00, v49  }
0x108: {  	(erf) = vrcp.f32 v7;
	v4 =	vadd.f32 v15, v63;
	v52 =	vpop (erf);
	v18 =	vadd.f32 v37, v31  }
0x109: {  	v50 =	vld [tilespmem:s13+$0x4140];
	(erf) = vrcp.f32 v47;
	v53 =	vpop (erf);
	v15 =	vadd.f32 $1.000000000e+00, v52;
	v21 =	vadd.f32 v44, v38  }
0x10a: {  	(erf) = vrcp.f32 v22;
	v55 =	vadd.f32 $1.000000000e+00, v53;
	v56 =	vsub.f32 $0.0e+00, v4  }
0x10b: {  	v54 =	vld [tilespmem:s13+$0x4150];
	(erf) = vrcp.f32 v51;
	v3 =	vadd.f32 v48, v3;
	v58 =	vsub.f32 $0.0e+00, v18  }
0x10c: {  	v57 =	vld [tilespmem:s13+$0x4160];
	(erf) = vrcp.f32 v15;
	v59 =	vmul.f32 $1.442695020e+00, v56;
	v60 =	vsub.f32 $0.0e+00, v21  }
0x10d: {  	v61 =	vpop (erf);
	(erf) = vrcp.f32 v55;
	v11 =	vmul.f32 $1.442695020e+00, v58;
	v62 =	vsub.f32 $0.0e+00, v3  }
0x10e: {  	v5 =	vadd.f32 v50, v42;
	v63 =	vpop (erf);
	v15 =	vmul.f32 $1.442695020e+00, v60;
	(erf) = vpow2.f32 v59  }
0x10f: {  	v32 =	vpop (erf);
	v19 =	vmul.f32 $1.442695020e+00, v62;
	(erf) = vpow2.f32 v11  }
0x110: {  	v17 =	vadd.f32 v54, v45;
	v31 =	vsub.f32 $0.0e+00, v5;
	v33 =	vpop (erf);
	(erf) = vpow2.f32 v15  }
0x111: {  	v16 =	vadd.f32 v57, v16;
	v36 =	vpop (erf);
	(erf) = vpow2.f32 v19  }
0x112: {  	v35 =	vsub.f32 $0.0e+00, v17;
	v34 =	vmul.f32 $1.442695020e+00, v31;
	v38 =	vpop (erf)  }
0x113: {  	v37 =	vsub.f32 $0.0e+00, v16;
	v39 =	vpop (erf)  }
0x114: {  	v15 =	vmul.f32 $1.442695020e+00, v35;
	(erf) = vpow2.f32 v34;
	v40 =	vpop (erf)  }
0x115: {  	v19 =	vmul.f32 $1.442695020e+00, v37;
	v41 =	vpop (erf)  }
0x116: {  	v42 =	vadd.f32 $1.000000000e+00, v61;
	(erf) = vpow2.f32 v15;
	v43 =	vpop (erf)  }
0x117: {  	v44 =	vadd.f32 $1.000000000e+00, v63;
	(erf) = vpow2.f32 v19;
	v45 =	vpop (erf)  }
0x118: {  	(erf) = vrcp.f32 v42;
	v46 =	vadd.f32 $1.000000000e+00, v45;
	v47 =	vpop (erf)  }
0x119: {  	(erf) = vrcp.f32 v44;
	v48 =	vadd.f32 $1.000000000e+00, v47;
	v49 =	vpop (erf)  }
0x11a: {  	v25 =	vadd.f32 $1.000000000e+00, v49;
	(erf) = vrcp.f32 v46;
	v50 =	vpop (erf)  }
0x11b: {  	v15 =	vadd.f32 $1.000000000e+00, v50;
	(erf) = vrcp.f32 v48  }
0x11c: {  	v52 =	vmul.f32 v36, v9;
	(erf) = vrcp.f32 v25  }
0x11d: {  	v53 =	vmul.f32 v38, v12;
	v51 =	vpop (erf);
	(erf) = vrcp.f32 v15  }
0x11e: {  	[tilespmem:s11+$0x6100] =	vst v52;
	v54 =	vmul.f32 v43, v23;
	v19 =	vadd.f32 $1.000000000e+00, v51  }
0x11f: {  	v1 =	vmul.f32 v32, v1;
	v56 =	vmul.f32 v39, v13;
	[tilespmem:s11+$0x6110] =	vst v53;
	v55 =	vpop (erf)  }
0x120: {  	v10 =	vmul.f32 v40, v10;
	[tilespmem:s13+$0x6170] =	vst v54;
	v57 =	vpop (erf);
	(erf) = vrcp.f32 v19  }
0x121: {  	v2 =	vmul.f32 v33, v2;
	v58 =	vmul.f32 v41, v14;
	[tilespmem:s11+$0x6120] =	vst v56;
	v9 =	vadd.f32 $1.000000000e+00, v55;
	v59 =	vpop (erf)  }
0x122: {  	[tilespmem:s11+$0x6130] =	vst v10;
	v13 =	vadd.f32 $1.000000000e+00, v57;
	v60 =	vpop (erf)  }
0x123: {  	[tilespmem:s11+$0x6140] =	vst v58;
	(erf) = vrcp.f32 v9;
	v61 =	vpop (erf)  }
0x124: {  	[tilespmem:s25+$0x6150] =	vst v1;
	(erf) = vrcp.f32 v13;
	v1 =	vpop (erf)  }
0x125: {  	[tilespmem:s25+$0x6160] =	vst v2;
	v2 =	vpop (erf);
	v1 =	vmul.f32 v1, v18  }
0x126: {  	v62 =	vpop (erf)  }
0x127: {  	[tilespmem:s13+$0x6110] =	vst v1;
	v1 =	vmul.f32 v62, v3  }
0x128: {  	v2 =	vmul.f32 v2, v21  }
0x129: {  	v4 =	vmul.f32 v61, v4;
	v63 =	vpop (erf);
	[tilespmem:s13+$0x6130] =	vst v1;
	v1 =	vmul.f32 v59, v8  }
0x12a: {  	[tilespmem:s13+$0x6120] =	vst v2;
	v2 =	vmul.f32 v63, v5  }
0x12b: {  	[tilespmem:s13+$0x6100] =	vst v4  }
0x12c: {  	v3 =	vpop (erf);
	[tilespmem:s13+$0x6140] =	vst v2;
	v2 =	vmul.f32 v60, v6  }
0x12d: {  	v3 =	vmul.f32 v3, v17;
	[tilespmem:s11+$0x6150] =	vst v1;
	v1 =	vpop (erf)  }
0x12e: {  	s24 =	sadd.s32 $0x1, s24;
	[tilespmem:s11+$0x6160] =	vst v2;
	v1 =	vmul.f32 v1, v16  }
0x12f: {  	p0 =	sne.s32 s24, $0x9D;
	[tilespmem:s13+$0x6150] =	vst v3  }
.Ltmp3:
0x130: {  	[tilespmem:s13+$0x6160] =	vst v1;
	(pc) =	sbr.rel @p0 .LBB2_6-.Ltmp3, $4  }
0x131: {  	[spmem:s2] =	stream.indirect.scatter.add.f32 [tilespmem:s1], [sflag:$0x3], $0x80, s15, s18, $0xb8;
	[tilespmem:$0x1E900] =	vst v63  }
0x132: {  	_ =	swait.ge [sflag:s14], $0x2000  }
0x133: {  	[sflag:s14] =	ssyncset.done $0x0  }
0x134: {  	[sflag:s14] =	ssyncadd.s32 $0xFFFFE000  }
0x135: {  	s11 =	rddreg [dreg:$0x4];
	s12 =	simm.s32 $0x400  }
0x136: {  	[hbm4b:s11+s15] =	stream.strided.scatter [tilespmem:s21], [sflag:$0x3], $0x2800, s12, s15, $0x38;
	[tilespmem:$0x1E900] =	vst v63  }
0x137: {  	_ =	swait.ge [sflag:s14], $0x2800  }
0x138: {  	[sflag:s14] =	ssyncset.done $0x0  }
0x139: {  	s23 =	stileid.u32;
	[sflag:s14] =	ssyncadd.s32 $0xFFFFD800  }
0x13a: {  	s11 =	sshll.u32 s23, $0x6;
	[bflag:$0x0] =	sbarrier.arrive $0xFFFF  }
0x13b: {  	s24 =	sshrl.u32 s10, $0x3;
	s11 =	sor.u32 $0x1C03, s11;
	s13 =	rddreg [dreg:$0x5]  }
0x13c: {  	[hbm:s13], [sflag:s11] =	dma.local [spmem:s24], $0x400  }
0x13d: {  	_ =	swait.ge [sflag:s14], $0x400  }
0x13e: {  	[sflag:s14] =	ssyncset.done $0x0  }
0x13f: {  	s25 =	sshrl.u32 s28, $0x3;
	s26 =	rddreg [dreg:$0x6];
	[sflag:s14] =	ssyncadd.s32 $0xFFFFFC00  }
0x140: {  	[hbm:s26], [sflag:s11] =	dma.local [spmem:s25], $0x400  }
0x141: {  	_ =	swait.ge [sflag:s14], $0x400  }
0x142: {  	s23 =	smov.u32 s28;
	s28 =	sshrl.u32 s29, $0x3;
	[sflag:s14] =	ssyncset.done $0x0  }
0x143: {  	s24 =	smov.u32 s29;
	s29 =	rddreg [dreg:$0x7];
	[sflag:s14] =	ssyncadd.s32 $0xFFFFFC00  }
0x144: {  	[hbm:s29], [sflag:s11] =	dma.local [spmem:s28], $0x400  }
0x145: {  	_ =	swait.ge [sflag:s14], $0x400  }
0x146: {  	[sflag:s14] =	ssyncset.done $0x0  }
0x147: {  	s13 =	sshrl.u32 s30, $0x3;
	s26 =	rddreg [dreg:$0x8];
	[sflag:s14] =	ssyncadd.s32 $0xFFFFFC00  }
0x148: {  	[hbm:s26], [sflag:s11] =	dma.local [spmem:s13], $0x400  }
0x149: {  	_ =	swait.ge [sflag:s14], $0x400  }
0x14a: {  	[sflag:s14] =	ssyncset.done $0x0  }
0x14b: {  	s28 =	sshrl.u32 s31, $0x3;
	s29 =	rddreg [dreg:$0x9];
	[sflag:s14] =	ssyncadd.s32 $0xFFFFFC00  }
0x14c: {  	[hbm:s29], [sflag:s11] =	dma.local [spmem:s28], $0x400  }
0x14d: {  	s25 =	smov.u32 s30;
	_ =	swait.ge [sflag:s14], $0x400  }
0x14e: {  	s26 =	smov.u32 s31;
	[sflag:s14] =	ssyncset.done $0x0;
	s30 =	rddreg [dreg:$0x10]  }
0x14f: {  	s31 =	rddreg [dreg:$0xa];
	[sflag:s14] =	ssyncadd.s32 $0xFFFFFC00;
	s12 =	sshrl.u32 s30, $0x3  }
0x150: {  	[hbm:s31], [sflag:s11] =	dma.local [spmem:s12], $0x400  }
0x151: {  	_ =	swait.ge [sflag:s14], $0x400  }
0x152: {  	[sflag:s14] =	ssyncset.done $0x0;
	s28 =	rddreg [dreg:$0x11]  }
0x153: {  	s29 =	rddreg [dreg:$0xb];
	[sflag:s14] =	ssyncadd.s32 $0xFFFFFC00;
	s12 =	sshrl.u32 s28, $0x3  }
0x154: {  	[hbm:s29], [sflag:s11] =	dma.local [spmem:s12], $0x400  }
0x155: {  	_ =	swait.ge [sflag:s14], $0x400  }
0x156: {  	[sflag:s14] =	ssyncset.done $0x0;
	s30 =	rddreg [dreg:$0x12]  }
0x157: {  	s31 =	rddreg [dreg:$0xc];
	[sflag:s14] =	ssyncadd.s32 $0xFFFFFC00;
	s12 =	sshrl.u32 s30, $0x3  }
0x158: {  	[hbm:s31], [sflag:s11] =	dma.local [spmem:s12], $0x400  }
0x159: {  	_ =	swait.ge [sflag:s14], $0x400  }
0x15a: {  	[sflag:s14] =	ssyncset.done $0x0;
	s13 =	rddreg [dreg:$0x13]  }
0x15b: {  	s28 =	rddreg [dreg:$0xd];
	[sflag:s14] =	ssyncadd.s32 $0xFFFFFC00;
	s12 =	sshrl.u32 s13, $0x3  }
0x15c: {  	[hbm:s28], [sflag:s11] =	dma.local [spmem:s12], $0x400  }
0x15d: {  	_ =	swait.ge [sflag:s14], $0x400  }
0x15e: {  	[sflag:s14] =	ssyncset.done $0x0  }
0x15f: {  	s29 =	sshrl.u32 s0, $0x3;
	s30 =	rddreg [dreg:$0xe];
	[sflag:s14] =	ssyncadd.s32 $0xFFFFFC00  }
0x160: {  	[hbm:s30], [sflag:s11] =	dma.local [spmem:s29], $0x400  }
0x161: {  	_ =	swait.ge [sflag:s14], $0x400  }
0x162: {  	s3 =	sadd.s32 $0x1, s3;
	s31 =	rddreg [dreg:$0xf]  }
0x163: {  	p0 =	sne.s32 s3, s31  }
.Ltmp4:
0x164: {  	_ = 	snop;
	(pc) =	sbr.rel @p0 .LBB2_1-.Ltmp4, $3  }
0x165: {  	_ =	sdelay $0x1  }
0x166: {  	[sflag:s14] =	ssyncset.done $0x0  }
0x167: {  	[sflag:s14] =	ssyncadd.s32 $0xFFFFFC00  }
0x168: {  	_ =	sfence.sel $0x180000  }
0x169: {  	[bflag:$0x0] =	sbarrier.arrive $0xFFFF  }
0x16a: {  	_ =	strace $0x90000047  }
0x16b: {  	s0 =	stileid.u32;
	[bflag:$0x2] =	sbarrier.arrive $0xFFFF  }
0x16c: {  	p0 =	sne.s32 s0, $0x0;
	s0 =	rddreg [dreg:$0x3]  }
0x16d: {  	s0 =	sadd.s32 @!p0 $0x100000, s0  }
0x16e: {  	[sflag:s0] =	ssyncadd.tile.s32 @!p0 $0x1;
	_ =	shalt  }
.Lfunc_end2:
_tile_overlayer_lowered:
.L_overlay_start_2:
0x16f: {  	(tag) =	ssettag $0x2  }
0x170: {  	s0 =	rddreg [dreg:$0x0];
	s2 =	stileid.u32  }
0x171: {  	s1 =	rddreg [dreg:$0x1];
	p0 =	sne.s32 s2, $0x0  }
0x172: {  	s3 =	rddreg [dreg:$0x2];
	[bflag:$0x3] =	sbarrier.arrive $0xFFFF;
	s2 =	simm.s32 @!p0 $0x1C03  }
0x173: {  	[timem:s3], [sflag:s2] =	dma.local @!p0 [hbm:s0], s1  }
0x174: {  	s0 =	simm.s32 @!p0 $0x3  }
0x175: {  	_ =	swait.ge @!p0 [sflag:s0], s1  }
0x176: {  	s1 =	ssub.s32 @!p0 $0x0, s1;
	[sflag:s0] =	ssyncset.done @!p0 $0x0  }
0x177: {  	[sflag:s0] =	ssyncadd.s32 @!p0 s1  }
0x178: {  	[bflag:$0x3] =	sbarrier.arrive $0xFFFF  }
0x179: {  	_ =	shalt  }

</sc_bundles>
